<compile_context>
chip_gen: v7x
topology: tpu7x:2x2x1
jax: 0.10.2.dev20260603
libtpu: 0.0.44.dev20260713+nightly
codegen_flags: <defaults>
</compile_context>

<pallas_src>
import functools

import jax
import jax.numpy as jnp
from jax import lax
from jax.experimental import pallas as pl
from jax.experimental.pallas import tpu as pltpu
from jax.experimental.pallas import tpu_sc as plsc

N = 4096
D = 256
NB = 16
K = 8
BLK = 256
NBLK = N // BLK
F32 = jnp.float32
_INF = float("inf")

_NC, _NS = 2, 16
_NW = _NC * _NS
_EPW = (N * K) // _NW
_CH = 128
_NCHUNK = _EPW // _CH


def _mm3(xv, w):
    dn = (((1,), (1,)), ((), ()))
    xh32 = xv.astype(jnp.bfloat16).astype(F32)
    xh = xh32.astype(jnp.bfloat16)
    xl = (xv - xh32).astype(jnp.bfloat16)
    wh32 = w.astype(jnp.bfloat16).astype(F32)
    wh = wh32.astype(jnp.bfloat16)
    wl = (w - wh32).astype(jnp.bfloat16)
    t1 = lax.dot_general(xh, wh, dn, preferred_element_type=F32)
    t2 = lax.dot_general(xl, wh, dn, preferred_element_type=F32)
    t3 = lax.dot_general(xh, wl, dn, preferred_element_type=F32)
    return t1 + t2 + t3


def _prep_body(x_ref, wd_ref, wb_ref, xn_ref, a_ref, b_ref, sq_ref):
    x = x_ref[...]
    nrm = jnp.sqrt(jnp.sum(x * x, axis=1, keepdims=True))
    xn = x / jnp.maximum(nrm, 1e-12)
    xn_ref[...] = xn
    sq_ref[...] = jnp.sum(xn * xn, axis=1, keepdims=True)
    dn = (((1,), (1,)), ((), ()))
    a_ref[...] = _mm3(xn, wd_ref[...])
    b_ref[...] = _mm3(xn, wb_ref[...])


def _knn_body(xb_ref, br_ref, xf_ref, bc_ref, sqi_ref, sqj_ref, idx_ref):
    xb = xb_ref[...]
    xf = xf_ref[...]
    dn = (((1,), (1,)), ((), ()))
    dot = lax.dot_general(xb, xf, dn, preferred_element_type=F32)
    d2 = sqi_ref[...] + sqj_ref[...] - 2.0 * dot
    cross = br_ref[...] != bc_ref[...]
    work = jnp.where(cross, -1e30, -d2)
    jcol = lax.broadcasted_iota(jnp.int32, (BLK, N), 1)
    cols = []
    for _ in range(K):
        m = jnp.max(work, axis=1, keepdims=True)
        am = jnp.min(jnp.where(work == m, jcol, jnp.int32(N)),
                     axis=1, keepdims=True)
        cols.append(am)
        work = jnp.where(jcol == am, -_INF, work)
    idx_ref[...] = jnp.concatenate(cols, axis=1)



WIN = 1536
_WSUB = 512


def _knn_win_body(u_ref, xb_ref, br_ref, sqi_ref, x0, x1, x2,
                  c0, c1, c2, q0, q1, q2, idx_ref):
    i = pl.program_id(0)
    base = u_ref[i] * _WSUB
    xfw = jnp.concatenate([x0[...], x1[...], x2[...]], axis=0)
    bcw = jnp.concatenate([c0[...], c1[...], c2[...]], axis=1)
    sqw = jnp.concatenate([q0[...], q1[...], q2[...]], axis=1)
    dn = (((1,), (1,)), ((), ()))
    dot = lax.dot_general(xb_ref[...], xfw, dn, preferred_element_type=F32)
    d2 = sqi_ref[...] + sqw - 2.0 * dot
    work = jnp.where(br_ref[...] != bcw, -1e30, -d2)
    jcol = lax.broadcasted_iota(jnp.int32, (BLK, WIN), 1) + base
    cols = []
    for _ in range(K):
        m = jnp.max(work, axis=1, keepdims=True)
        am = jnp.min(jnp.where(work == m, jcol, jnp.int32(N)),
                     axis=1, keepdims=True)
        cols.append(am)
        work = jnp.where(jcol == am, -_INF, work)
    idx_ref[...] = jnp.concatenate(cols, axis=1)


def _knn_windowed(u, xn, batch_r, batch_c, sqi, sqj):
    grid_spec = pltpu.PrefetchScalarGridSpec(
        num_scalar_prefetch=1,
        grid=(NBLK,),
        in_specs=[
            pl.BlockSpec((BLK, D), lambda i, u: (i, 0)),
            pl.BlockSpec((BLK, 1), lambda i, u: (i, 0)),
            pl.BlockSpec((BLK, 1), lambda i, u: (i, 0)),
            pl.BlockSpec((_WSUB, D), lambda i, u: (u[i], 0)),
            pl.BlockSpec((_WSUB, D), lambda i, u: (u[i] + 1, 0)),
            pl.BlockSpec((_WSUB, D), lambda i, u: (u[i] + 2, 0)),
            pl.BlockSpec((1, _WSUB), lambda i, u: (0, u[i])),
            pl.BlockSpec((1, _WSUB), lambda i, u: (0, u[i] + 1)),
            pl.BlockSpec((1, _WSUB), lambda i, u: (0, u[i] + 2)),
            pl.BlockSpec((1, _WSUB), lambda i, u: (0, u[i])),
            pl.BlockSpec((1, _WSUB), lambda i, u: (0, u[i] + 1)),
            pl.BlockSpec((1, _WSUB), lambda i, u: (0, u[i] + 2)),
        ],
        out_specs=pl.BlockSpec((BLK, K), lambda i, u: (i, 0)),
    )
    return pl.pallas_call(
        _knn_win_body, grid_spec=grid_spec,
        out_shape=jax.ShapeDtypeStruct((N, K), jnp.int32),
    )(u, xn, batch_r, sqi, xn, xn, xn,
      batch_c, batch_c, batch_c, sqj, sqj, sqj)


def _gather_rows(table, idx_flat):
    mesh = plsc.VectorSubcoreMesh(core_axis_name="c", subcore_axis_name="s")

    @functools.partial(
        pl.kernel, mesh=mesh,
        out_type=jax.ShapeDtypeStruct((N * K, D), F32),
        scratch_types=[
            pltpu.VMEM((_CH,), jnp.int32),
            pltpu.VMEM((_CH, D), F32),
            pltpu.SemaphoreType.DMA,
        ],
    )
    def gk(table_hbm, idx_hbm, out_hbm, idx_v, rows_v, sem):
        wid = lax.axis_index("s") * _NC + lax.axis_index("c")
        base = wid * _EPW
        for c in range(_NCHUNK):
            off = base + c * _CH
            pltpu.sync_copy(idx_hbm.at[pl.ds(off, _CH)], idx_v)
            pltpu.async_copy(table_hbm.at[idx_v], rows_v, sem).wait()
            pltpu.sync_copy(rows_v, out_hbm.at[pl.ds(off, _CH)])

    return gk(table, idx_flat)


def _edge_h(bg_ref, a_ref, b1_ref):
    h = bg_ref[...] + a_ref[...].reshape(1, BLK, D) + b1_ref[...]
    return jnp.maximum(h, 0.0)


def _edge_body(bg_ref, a_ref, b1_ref, gam_ref, bet_ref,
               w2_ref, b2_ref, bat_ref, l1w_ref, l1b_ref, l2w_ref, l2b_ref,
               out_ref, sum_ref, ssq_ref, pool_ref):
    i = pl.program_id(0)
    dn = (((1,), (1,)), ((), ()))
    h = _edge_h(bg_ref, a_ref, b1_ref)

    @pl.when(i == 0)
    def _():
        sum_ref[...] = jnp.zeros_like(sum_ref)
        ssq_ref[...] = jnp.zeros_like(ssq_ref)
        pool_ref[...] = jnp.full_like(pool_ref, -_INF)

    @pl.when(i < NBLK)
    def _():
        hs = functools.reduce(jnp.add, [h[k] for k in range(K)])
        hq = functools.reduce(jnp.add, [h[k] * h[k] for k in range(K)])
        sum_ref[...] += jnp.sum(hs.reshape(BLK // 8, 8, D), axis=0)
        ssq_ref[...] += jnp.sum(hq.reshape(BLK // 8, 8, D), axis=0)

    @pl.when(i >= NBLK)
    def _():
        cnt = jnp.float32(N * K)
        mean = jnp.sum(sum_ref[...], axis=0, keepdims=True) / cnt
        var = jnp.sum(ssq_ref[...], axis=0, keepdims=True) / cnt - mean * mean
        ascale = gam_ref[...] / jnp.sqrt(var + 1e-5)
        cshift = bet_ref[...] - ascale * mean
        hflat = h.reshape(BLK * K, D) * ascale
        mm = _mm3(hflat, w2_ref[...])
        dvec = lax.dot_general(cshift, w2_ref[...], dn,
                               preferred_element_type=F32,
                               precision=lax.Precision.HIGHEST) + b2_ref[...]
        h2 = (mm + dvec).reshape(K, BLK, D)
        node = functools.reduce(jnp.maximum, [h2[k] for k in range(K)])
        bat = bat_ref[...]
        rows = []
        for c in range(NB):
            w = jnp.where(bat == c, node, -_INF)
            rows.append(jnp.max(w.reshape(BLK // 8, 8, D), axis=0))
        pool_ref[...] = jnp.maximum(pool_ref[...], jnp.concatenate(rows, axis=0))

    @pl.when(i == 2 * NBLK - 1)
    def _():
        p8 = pool_ref[...].reshape(NB, 8, D)
        p = functools.reduce(jnp.maximum, [p8[:, k, :] for k in range(8)])
        t = lax.dot_general(p, l1w_ref[...], dn, preferred_element_type=F32,
                            precision=lax.Precision.HIGHEST) + l1b_ref[...]
        t = jnp.maximum(t, 0.0)
        o = lax.dot_general(t, l2w_ref[...], dn, preferred_element_type=F32,
                            precision=lax.Precision.HIGHEST) + l2b_ref[...]
        nrm = jnp.sqrt(jnp.sum(o * o, axis=1, keepdims=True))
        out_ref[...] = o / jnp.maximum(nrm, 1e-12)


def kernel(x, batch, W1, b1, bn_gamma, bn_beta, W2, b2, L1w, L1b, L2w, L2b):
    batch = batch.astype(jnp.int32)
    Wd = W1[:, :D] - W1[:, D:]
    Wb = W1[:, D:]

    xn, A, Bm, sq = pl.pallas_call(
        _prep_body,
        out_shape=[jax.ShapeDtypeStruct((N, D), F32)] * 3
        + [jax.ShapeDtypeStruct((N, 1), F32)],
    )(x, Wd, Wb)

    rng = jnp.arange(NB, dtype=batch.dtype)
    cs = jnp.searchsorted(batch, rng, side='left').astype(jnp.int32)
    ce = jnp.searchsorted(batch, rng, side='right').astype(jnp.int32)
    bfirst = batch[::BLK]
    blast = batch[BLK - 1::BLK]
    starts = cs[bfirst]
    ends = ce[blast]
    u = jnp.minimum(starts // _WSUB, (N - WIN) // _WSUB).astype(jnp.int32)
    fits = jnp.all(ends - u * _WSUB <= WIN) & jnp.all(ce - cs >= K)

    batch_r = batch.reshape(N, 1)
    batch_c = batch.reshape(1, N)
    sqj = sq.reshape(1, N)

    def _full_knn():
        return pl.pallas_call(
            _knn_body,
            grid=(NBLK,),
            in_specs=[
                pl.BlockSpec((BLK, D), lambda i: (i, 0)),
                pl.BlockSpec((BLK, 1), lambda i: (i, 0)),
                pl.BlockSpec((N, D), lambda i: (0, 0)),
                pl.BlockSpec((1, N), lambda i: (0, 0)),
                pl.BlockSpec((BLK, 1), lambda i: (i, 0)),
                pl.BlockSpec((1, N), lambda i: (0, 0)),
            ],
            out_specs=pl.BlockSpec((BLK, K), lambda i: (i, 0)),
            out_shape=jax.ShapeDtypeStruct((N, K), jnp.int32),
        )(xn, batch_r, xn, batch_c, sq, sqj)

    idx = lax.cond(fits,
                   lambda: _knn_windowed(u, xn, batch_r, batch_c, sq, sqj),
                   _full_knn)

    Bg = _gather_rows(Bm, idx.T.reshape(N * K))
    Bg3 = Bg.reshape(K, N, D)
    b13 = b1.reshape(1, 1, D)

    out = pl.pallas_call(
        _edge_body,
        grid=(2 * NBLK,),
        in_specs=[
            pl.BlockSpec((K, BLK, D), lambda i: (0, i % NBLK, 0)),
            pl.BlockSpec((BLK, D), lambda i: (i % NBLK, 0)),
            pl.BlockSpec((1, 1, D), lambda i: (0, 0, 0)),
            pl.BlockSpec((1, D), lambda i: (0, 0)),
            pl.BlockSpec((1, D), lambda i: (0, 0)),
            pl.BlockSpec((D, D), lambda i: (0, 0)),
            pl.BlockSpec((1, D), lambda i: (0, 0)),
            pl.BlockSpec((BLK, 1), lambda i: (i % NBLK, 0)),
            pl.BlockSpec((D, D), lambda i: (0, 0)),
            pl.BlockSpec((1, D), lambda i: (0, 0)),
            pl.BlockSpec((D, D), lambda i: (0, 0)),
            pl.BlockSpec((1, D), lambda i: (0, 0)),
        ],
        out_specs=pl.BlockSpec((NB, D), lambda i: (0, 0)),
        out_shape=jax.ShapeDtypeStruct((NB, D), F32),
        scratch_shapes=[pltpu.VMEM((8, D), F32), pltpu.VMEM((8, D), F32),
                        pltpu.VMEM((NB * 8, D), F32)],
    )(Bg3, A, b13, bn_gamma.reshape(1, D), bn_beta.reshape(1, D),
      W2, b2.reshape(1, D), batch.reshape(N, 1),
      L1w, L1b.reshape(1, D), L2w, L2b.reshape(1, D))

    return out

# --- scband reference (transcript-rebuilt; emitter-appended) ---
"""Pipeline reference for scband-cell-retrieval-network-71064528879940 (READ-ONLY COPY).

The authoritative reference and input builder live on the scoring server;
editing this copy changes nothing except your own understanding.
"""

import jax, jax.numpy as jnp
import numpy as np

N = 4096
D = 256
B = 16
K = 8


def _l2norm(v, eps=1e-12):
    n = jnp.linalg.norm(v, axis=-1, keepdims=True)
    return v / jnp.maximum(n, eps)


def setup_inputs(seed: int = 0) -> dict:
    key = jax.random.key(seed)
    ks = jax.random.split(key, 12)
    x = jax.random.normal(ks[0], (N, D), dtype=jnp.float32)
    batch = jnp.sort(jax.random.randint(ks[1], (N,), 0, B, dtype=jnp.int64))
    s1 = 1.0 / np.sqrt(2 * D)
    s2 = 1.0 / np.sqrt(D)
    # DynamicEdgeConv nn = get_mlp([2D, D, D], add_batchnorm=True):
    #   Linear(2D,D) -> ReLU -> BatchNorm1d(D) -> Linear(D,D)
    W1 = (jax.random.normal(ks[2], (D, 2 * D), dtype=jnp.float32) * s1)
    b1 = jnp.zeros((D,), dtype=jnp.float32)
    bn_gamma = jnp.ones((D,), dtype=jnp.float32)
    bn_beta = jnp.zeros((D,), dtype=jnp.float32)
    W2 = (jax.random.normal(ks[3], (D, D), dtype=jnp.float32) * s2)
    b2 = jnp.zeros((D,), dtype=jnp.float32)
    # lin = get_mlp([D, D, D]): Linear(D,D) -> ReLU -> Linear(D,D)
    L1w = (jax.random.normal(ks[4], (D, D), dtype=jnp.float32) * s2)
    L1b = jnp.zeros((D,), dtype=jnp.float32)
    L2w = (jax.random.normal(ks[5], (D, D), dtype=jnp.float32) * s2)
    L2b = jnp.zeros((D,), dtype=jnp.float32)
    return {"x": x, "batch": batch, "W1": W1, "b1": b1,
            "bn_gamma": bn_gamma, "bn_beta": bn_beta, "W2": W2, "b2": b2,
            "L1w": L1w, "L1b": L1b, "L2w": L2w, "L2b": L2b}


def reference(x, batch, W1, b1, bn_gamma, bn_beta, W2, b2, L1w, L1b, L2w, L2b):
    # encode_objects (variation == 0): normalize -> DynamicEdgeConv(k=8, aggr='max')
    # -> global_max_pool -> lin MLP -> F.normalize
    x = _l2norm(x)
    # batch-aware kNN in feature space (like torch_geometric.nn.knn(x, x, k, batch, batch))
    sq = jnp.sum(x * x, axis=1)
    d2 = sq[:, None] + sq[None, :] - 2.0 * (x @ x.T)
    cross = batch[:, None] != batch[None, :]
    d2 = jnp.where(cross, jnp.inf, d2)
    _, idx = jax.lax.top_k(-d2, K)  # [N, K] nearest neighbors (incl. self)
    xj = jnp.take(x, idx, axis=0)               # [N, K, D] gather
    xi = jnp.broadcast_to(x[:, None, :], (N, K, D))
    msg = jnp.concatenate([xi, xj - xi], axis=-1).reshape(N * K, 2 * D)
    # edge MLP: Linear -> ReLU -> BatchNorm1d (training stats) -> Linear
    h = msg @ W1.T + b1
    h = jax.nn.relu(h)
    mean = jnp.mean(h, axis=0)
    var = jnp.var(h, axis=0)
    h = bn_gamma * (h - mean) / jnp.sqrt(var + 1e-5) + bn_beta
    h = h @ W2.T + b2
    h = h.reshape(N, K, D)
    node = jnp.max(h, axis=1)  # aggr='max' over neighbors
    # global_max_pool over cells
    onehot = batch[None, :] == jnp.arange(B, dtype=batch.dtype)[:, None]  # [B, N]
    pooled = jnp.max(jnp.where(onehot[:, :, None], node[None, :, :], -jnp.inf), axis=1)
    out = pooled @ L1w.T + L1b
    out = jax.nn.relu(out)
    out = out @ L2w.T + L2b
    out = _l2norm(out)
    return out

if __name__ == "__main__":
    import jax
    _d = setup_inputs()
    print(jax.jit(kernel)(*tuple(_d.values())))

</pallas_src>

<mosaic_0001>
#map = affine_map<(d0, d1) -> (0, 0)>
#map1 = affine_map<(d0, d1) -> (0)>
module attributes {stable_mosaic.version = 14 : i64} {
  func.func @gk(%arg0: i32, %arg1: i32, %arg2: memref<4096x256xf32, #tpu.memory_space<hbm>>, %arg3: memref<32768xi32, #tpu.memory_space<hbm>>, %arg4: memref<32768x256xf32, #tpu.memory_space<hbm>>, %arg5: memref<128xi32, #tpu.memory_space<vmem>>, %arg6: memref<128x256xf32, #tpu.memory_space<vmem>>, %arg7: memref<!tpu.dma_semaphore, #tpu.memory_space<semaphore_mem>>) attributes {dimension_semantics = [#tpu.dimension_semantics<core_parallel>, #tpu.dimension_semantics<subcore_parallel>], iteration_bounds = array<i64: 2, 16>, scalar_prefetch = 0 : i64, scratch_operands = 3 : i64, tpu.core_type = #tpu.core_type<sc_vector_subcore>, window_params = [{transform_indices = #map}, {transform_indices = #map1}, {transform_indices = #map}]} {
    %mul3A = arith.constant 2 : i32
    %mul3A_0 = arith.muli %arg1, %mul3A : i32
    %add3A = arith.addi %mul3A_0, %arg0 : i32
    %mul3A_1 = arith.constant 1024 : i32
    %mul3A_2 = arith.muli %add3A, %mul3A_1 : i32
    %add3A_3 = arith.constant 0 : i32
    %add3A_4 = arith.addi %mul3A_2, %add3A_3 : i32
    "tpu.region"() ({
      %run_scoped3A = tpu.sem_alloc : memref<!tpu.dma_semaphore, #tpu.memory_space<semaphore_mem>>
      %dma_start3A_65 = tpu.memref_slice %arg3[%add3A_4] : memref<32768xi32, #tpu.memory_space<hbm>> -> memref<128xi32, #tpu.memory_space<hbm>>
      %dma_start3A_66 = tpu.memref_slice %arg3[%add3A_4] : memref<32768xi32, #tpu.memory_space<hbm>> -> memref<128xi32, #tpu.memory_space<hbm>>
      tpu.enqueue_dma source(%dma_start3A_66 : memref<128xi32, #tpu.memory_space<hbm>>) target(%arg5 : memref<128xi32, #tpu.memory_space<vmem>>) target_semaphore(%run_scoped3A : memref<!tpu.dma_semaphore, #tpu.memory_space<semaphore_mem>>)
      %dma_wait3A_67 = tpu.memref_slice %arg3[%add3A_4] : memref<32768xi32, #tpu.memory_space<hbm>> -> memref<128xi32, #tpu.memory_space<hbm>>
      %dma_wait3A_68 = tpu.memref_slice %arg3[%add3A_4] : memref<32768xi32, #tpu.memory_space<hbm>> -> memref<128xi32, #tpu.memory_space<hbm>>
      tpu.wait_dma2 semaphore(%run_scoped3A : memref<!tpu.dma_semaphore, #tpu.memory_space<semaphore_mem>>) src(%dma_wait3A_68 : memref<128xi32, #tpu.memory_space<hbm>>) dst(%arg5 : memref<128xi32, #tpu.memory_space<vmem>>)
      tpu.yield
    }) : () -> ()
    %dma_start3A = arith.constant 0 : i32
    %dma_start3A_5 = arith.constant 0 : i32
    %dma_start3A_6 = tpu.memref_slice %arg2[%dma_start3A, %dma_start3A_5] : memref<4096x256xf32, #tpu.memory_space<hbm>> -> memref<4096x256xf32, #tpu.memory_space<hbm>>
    tpu.enqueue_indirect_dma source(%dma_start3A_6 : memref<4096x256xf32, #tpu.memory_space<hbm>>) target(%arg6 : memref<128x256xf32, #tpu.memory_space<vmem>>) offsets(%arg5 : memref<128xi32, #tpu.memory_space<vmem>>) semaphore(%arg7 : memref<!tpu.dma_semaphore, #tpu.memory_space<semaphore_mem>>)
    %dma_wait3A = arith.constant 0 : i32
    %dma_wait3A_7 = arith.constant 0 : i32
    %dma_wait3A_8 = tpu.memref_slice %arg2[%dma_wait3A, %dma_wait3A_7] : memref<4096x256xf32, #tpu.memory_space<hbm>> -> memref<4096x256xf32, #tpu.memory_space<hbm>>
    tpu.wait_indirect_dma semaphore(%arg7 : memref<!tpu.dma_semaphore, #tpu.memory_space<semaphore_mem>>) src(%dma_wait3A_8 : memref<4096x256xf32, #tpu.memory_space<hbm>>) dst(%arg6 : memref<128x256xf32, #tpu.memory_space<vmem>>)
    "tpu.region"() ({
      %run_scoped3A = tpu.sem_alloc : memref<!tpu.dma_semaphore, #tpu.memory_space<semaphore_mem>>
      %dma_start3A_65 = arith.constant 0 : i32
      %dma_start3A_66 = tpu.memref_slice %arg4[%add3A_4, %dma_start3A_65] : memref<32768x256xf32, #tpu.memory_space<hbm>> -> memref<128x256xf32, #tpu.memory_space<hbm>>
      %dma_start3A_67 = arith.constant 0 : i32
      %dma_start3A_68 = tpu.memref_slice %arg4[%add3A_4, %dma_start3A_67] : memref<32768x256xf32, #tpu.memory_space<hbm>> -> memref<128x256xf32, #tpu.memory_space<hbm>>
      tpu.enqueue_dma source(%arg6 : memref<128x256xf32, #tpu.memory_space<vmem>>) target(%dma_start3A_68 : memref<128x256xf32, #tpu.memory_space<hbm>>) target_semaphore(%run_scoped3A : memref<!tpu.dma_semaphore, #tpu.memory_space<semaphore_mem>>)
      %dma_wait3A_69 = arith.constant 0 : i32
      %dma_wait3A_70 = tpu.memref_slice %arg4[%add3A_4, %dma_wait3A_69] : memref<32768x256xf32, #tpu.memory_space<hbm>> -> memref<128x256xf32, #tpu.memory_space<hbm>>
      %dma_wait3A_71 = arith.constant 0 : i32
      %dma_wait3A_72 = tpu.memref_slice %arg4[%add3A_4, %dma_wait3A_71] : memref<32768x256xf32, #tpu.memory_space<hbm>> -> memref<128x256xf32, #tpu.memory_space<hbm>>
      tpu.wait_dma2 semaphore(%run_scoped3A : memref<!tpu.dma_semaphore, #tpu.memory_space<semaphore_mem>>) src(%arg6 : memref<128x256xf32, #tpu.memory_space<vmem>>) dst(%dma_wait3A_72 : memref<128x256xf32, #tpu.memory_space<hbm>>)
      tpu.yield
    }) : () -> ()
    %add3A_9 = arith.constant 128 : i32
    %add3A_10 = arith.addi %mul3A_2, %add3A_9 : i32
    "tpu.region"() ({
      %run_scoped3A = tpu.sem_alloc : memref<!tpu.dma_semaphore, #tpu.memory_space<semaphore_mem>>
      %dma_start3A_65 = tpu.memref_slice %arg3[%add3A_10] : memref<32768xi32, #tpu.memory_space<hbm>> -> memref<128xi32, #tpu.memory_space<hbm>>
      %dma_start3A_66 = tpu.memref_slice %arg3[%add3A_10] : memref<32768xi32, #tpu.memory_space<hbm>> -> memref<128xi32, #tpu.memory_space<hbm>>
      tpu.enqueue_dma source(%dma_start3A_66 : memref<128xi32, #tpu.memory_space<hbm>>) target(%arg5 : memref<128xi32, #tpu.memory_space<vmem>>) target_semaphore(%run_scoped3A : memref<!tpu.dma_semaphore, #tpu.memory_space<semaphore_mem>>)
      %dma_wait3A_67 = tpu.memref_slice %arg3[%add3A_10] : memref<32768xi32, #tpu.memory_space<hbm>> -> memref<128xi32, #tpu.memory_space<hbm>>
      %dma_wait3A_68 = tpu.memref_slice %arg3[%add3A_10] : memref<32768xi32, #tpu.memory_space<hbm>> -> memref<128xi32, #tpu.memory_space<hbm>>
      tpu.wait_dma2 semaphore(%run_scoped3A : memref<!tpu.dma_semaphore, #tpu.memory_space<semaphore_mem>>) src(%dma_wait3A_68 : memref<128xi32, #tpu.memory_space<hbm>>) dst(%arg5 : memref<128xi32, #tpu.memory_space<vmem>>)
      tpu.yield
    }) : () -> ()
    %dma_start3A_11 = arith.constant 0 : i32
    %dma_start3A_12 = arith.constant 0 : i32
    %dma_start3A_13 = tpu.memref_slice %arg2[%dma_start3A_11, %dma_start3A_12] : memref<4096x256xf32, #tpu.memory_space<hbm>> -> memref<4096x256xf32, #tpu.memory_space<hbm>>
    tpu.enqueue_indirect_dma source(%dma_start3A_13 : memref<4096x256xf32, #tpu.memory_space<hbm>>) target(%arg6 : memref<128x256xf32, #tpu.memory_space<vmem>>) offsets(%arg5 : memref<128xi32, #tpu.memory_space<vmem>>) semaphore(%arg7 : memref<!tpu.dma_semaphore, #tpu.memory_space<semaphore_mem>>)
    %dma_wait3A_14 = arith.constant 0 : i32
    %dma_wait3A_15 = arith.constant 0 : i32
    %dma_wait3A_16 = tpu.memref_slice %arg2[%dma_wait3A_14, %dma_wait3A_15] : memref<4096x256xf32, #tpu.memory_space<hbm>> -> memref<4096x256xf32, #tpu.memory_space<hbm>>
    tpu.wait_indirect_dma semaphore(%arg7 : memref<!tpu.dma_semaphore, #tpu.memory_space<semaphore_mem>>) src(%dma_wait3A_16 : memref<4096x256xf32, #tpu.memory_space<hbm>>) dst(%arg6 : memref<128x256xf32, #tpu.memory_space<vmem>>)
    "tpu.region"() ({
      %run_scoped3A = tpu.sem_alloc : memref<!tpu.dma_semaphore, #tpu.memory_space<semaphore_mem>>
      %dma_start3A_65 = arith.constant 0 : i32
      %dma_start3A_66 = tpu.memref_slice %arg4[%add3A_10, %dma_start3A_65] : memref<32768x256xf32, #tpu.memory_space<hbm>> -> memref<128x256xf32, #tpu.memory_space<hbm>>
      %dma_start3A_67 = arith.constant 0 : i32
      %dma_start3A_68 = tpu.memref_slice %arg4[%add3A_10, %dma_start3A_67] : memref<32768x256xf32, #tpu.memory_space<hbm>> -> memref<128x256xf32, #tpu.memory_space<hbm>>
      tpu.enqueue_dma source(%arg6 : memref<128x256xf32, #tpu.memory_space<vmem>>) target(%dma_start3A_68 : memref<128x256xf32, #tpu.memory_space<hbm>>) target_semaphore(%run_scoped3A : memref<!tpu.dma_semaphore, #tpu.memory_space<semaphore_mem>>)
      %dma_wait3A_69 = arith.constant 0 : i32
      %dma_wait3A_70 = tpu.memref_slice %arg4[%add3A_10, %dma_wait3A_69] : memref<32768x256xf32, #tpu.memory_space<hbm>> -> memref<128x256xf32, #tpu.memory_space<hbm>>
      %dma_wait3A_71 = arith.constant 0 : i32
      %dma_wait3A_72 = tpu.memref_slice %arg4[%add3A_10, %dma_wait3A_71] : memref<32768x256xf32, #tpu.memory_space<hbm>> -> memref<128x256xf32, #tpu.memory_space<hbm>>
      tpu.wait_dma2 semaphore(%run_scoped3A : memref<!tpu.dma_semaphore, #tpu.memory_space<semaphore_mem>>) src(%arg6 : memref<128x256xf32, #tpu.memory_space<vmem>>) dst(%dma_wait3A_72 : memref<128x256xf32, #tpu.memory_space<hbm>>)
      tpu.yield
    }) : () -> ()
    %add3A_17 = arith.constant 256 : i32
    %add3A_18 = arith.addi %mul3A_2, %add3A_17 : i32
    "tpu.region"() ({
      %run_scoped3A = tpu.sem_alloc : memref<!tpu.dma_semaphore, #tpu.memory_space<semaphore_mem>>
      %dma_start3A_65 = tpu.memref_slice %arg3[%add3A_18] : memref<32768xi32, #tpu.memory_space<hbm>> -> memref<128xi32, #tpu.memory_space<hbm>>
      %dma_start3A_66 = tpu.memref_slice %arg3[%add3A_18] : memref<32768xi32, #tpu.memory_space<hbm>> -> memref<128xi32, #tpu.memory_space<hbm>>
      tpu.enqueue_dma source(%dma_start3A_66 : memref<128xi32, #tpu.memory_space<hbm>>) target(%arg5 : memref<128xi32, #tpu.memory_space<vmem>>) target_semaphore(%run_scoped3A : memref<!tpu.dma_semaphore, #tpu.memory_space<semaphore_mem>>)
      %dma_wait3A_67 = tpu.memref_slice %arg3[%add3A_18] : memref<32768xi32, #tpu.memory_space<hbm>> -> memref<128xi32, #tpu.memory_space<hbm>>
      %dma_wait3A_68 = tpu.memref_slice %arg3[%add3A_18] : memref<32768xi32, #tpu.memory_space<hbm>> -> memref<128xi32, #tpu.memory_space<hbm>>
      tpu.wait_dma2 semaphore(%run_scoped3A : memref<!tpu.dma_semaphore, #tpu.memory_space<semaphore_mem>>) src(%dma_wait3A_68 : memref<128xi32, #tpu.memory_space<hbm>>) dst(%arg5 : memref<128xi32, #tpu.memory_space<vmem>>)
      tpu.yield
    }) : () -> ()
    %dma_start3A_19 = arith.constant 0 : i32
    %dma_start3A_20 = arith.constant 0 : i32
    %dma_start3A_21 = tpu.memref_slice %arg2[%dma_start3A_19, %dma_start3A_20] : memref<4096x256xf32, #tpu.memory_space<hbm>> -> memref<4096x256xf32, #tpu.memory_space<hbm>>
    tpu.enqueue_indirect_dma source(%dma_start3A_21 : memref<4096x256xf32, #tpu.memory_space<hbm>>) target(%arg6 : memref<128x256xf32, #tpu.memory_space<vmem>>) offsets(%arg5 : memref<128xi32, #tpu.memory_space<vmem>>) semaphore(%arg7 : memref<!tpu.dma_semaphore, #tpu.memory_space<semaphore_mem>>)
    %dma_wait3A_22 = arith.constant 0 : i32
    %dma_wait3A_23 = arith.constant 0 : i32
    %dma_wait3A_24 = tpu.memref_slice %arg2[%dma_wait3A_22, %dma_wait3A_23] : memref<4096x256xf32, #tpu.memory_space<hbm>> -> memref<4096x256xf32, #tpu.memory_space<hbm>>
    tpu.wait_indirect_dma semaphore(%arg7 : memref<!tpu.dma_semaphore, #tpu.memory_space<semaphore_mem>>) src(%dma_wait3A_24 : memref<4096x256xf32, #tpu.memory_space<hbm>>) dst(%arg6 : memref<128x256xf32, #tpu.memory_space<vmem>>)
    "tpu.region"() ({
      %run_scoped3A = tpu.sem_alloc : memref<!tpu.dma_semaphore, #tpu.memory_space<semaphore_mem>>
      %dma_start3A_65 = arith.constant 0 : i32
      %dma_start3A_66 = tpu.memref_slice %arg4[%add3A_18, %dma_start3A_65] : memref<32768x256xf32, #tpu.memory_space<hbm>> -> memref<128x256xf32, #tpu.memory_space<hbm>>
      %dma_start3A_67 = arith.constant 0 : i32
      %dma_start3A_68 = tpu.memref_slice %arg4[%add3A_18, %dma_start3A_67] : memref<32768x256xf32, #tpu.memory_space<hbm>> -> memref<128x256xf32, #tpu.memory_space<hbm>>
      tpu.enqueue_dma source(%arg6 : memref<128x256xf32, #tpu.memory_space<vmem>>) target(%dma_start3A_68 : memref<128x256xf32, #tpu.memory_space<hbm>>) target_semaphore(%run_scoped3A : memref<!tpu.dma_semaphore, #tpu.memory_space<semaphore_mem>>)
      %dma_wait3A_69 = arith.constant 0 : i32
      %dma_wait3A_70 = tpu.memref_slice %arg4[%add3A_18, %dma_wait3A_69] : memref<32768x256xf32, #tpu.memory_space<hbm>> -> memref<128x256xf32, #tpu.memory_space<hbm>>
      %dma_wait3A_71 = arith.constant 0 : i32
      %dma_wait3A_72 = tpu.memref_slice %arg4[%add3A_18, %dma_wait3A_71] : memref<32768x256xf32, #tpu.memory_space<hbm>> -> memref<128x256xf32, #tpu.memory_space<hbm>>
      tpu.wait_dma2 semaphore(%run_scoped3A : memref<!tpu.dma_semaphore, #tpu.memory_space<semaphore_mem>>) src(%arg6 : memref<128x256xf32, #tpu.memory_space<vmem>>) dst(%dma_wait3A_72 : memref<128x256xf32, #tpu.memory_space<hbm>>)
      tpu.yield
    }) : () -> ()
    %add3A_25 = arith.constant 384 : i32
    %add3A_26 = arith.addi %mul3A_2, %add3A_25 : i32
    "tpu.region"() ({
      %run_scoped3A = tpu.sem_alloc : memref<!tpu.dma_semaphore, #tpu.memory_space<semaphore_mem>>
      %dma_start3A_65 = tpu.memref_slice %arg3[%add3A_26] : memref<32768xi32, #tpu.memory_space<hbm>> -> memref<128xi32, #tpu.memory_space<hbm>>
      %dma_start3A_66 = tpu.memref_slice %arg3[%add3A_26] : memref<32768xi32, #tpu.memory_space<hbm>> -> memref<128xi32, #tpu.memory_space<hbm>>
      tpu.enqueue_dma source(%dma_start3A_66 : memref<128xi32, #tpu.memory_space<hbm>>) target(%arg5 : memref<128xi32, #tpu.memory_space<vmem>>) target_semaphore(%run_scoped3A : memref<!tpu.dma_semaphore, #tpu.memory_space<semaphore_mem>>)
      %dma_wait3A_67 = tpu.memref_slice %arg3[%add3A_26] : memref<32768xi32, #tpu.memory_space<hbm>> -> memref<128xi32, #tpu.memory_space<hbm>>
      %dma_wait3A_68 = tpu.memref_slice %arg3[%add3A_26] : memref<32768xi32, #tpu.memory_space<hbm>> -> memref<128xi32, #tpu.memory_space<hbm>>
      tpu.wait_dma2 semaphore(%run_scoped3A : memref<!tpu.dma_semaphore, #tpu.memory_space<semaphore_mem>>) src(%dma_wait3A_68 : memref<128xi32, #tpu.memory_space<hbm>>) dst(%arg5 : memref<128xi32, #tpu.memory_space<vmem>>)
      tpu.yield
    }) : () -> ()
    %dma_start3A_27 = arith.constant 0 : i32
    %dma_start3A_28 = arith.constant 0 : i32
    %dma_start3A_29 = tpu.memref_slice %arg2[%dma_start3A_27, %dma_start3A_28] : memref<4096x256xf32, #tpu.memory_space<hbm>> -> memref<4096x256xf32, #tpu.memory_space<hbm>>
    tpu.enqueue_indirect_dma source(%dma_start3A_29 : memref<4096x256xf32, #tpu.memory_space<hbm>>) target(%arg6 : memref<128x256xf32, #tpu.memory_space<vmem>>) offsets(%arg5 : memref<128xi32, #tpu.memory_space<vmem>>) semaphore(%arg7 : memref<!tpu.dma_semaphore, #tpu.memory_space<semaphore_mem>>)
    %dma_wait3A_30 = arith.constant 0 : i32
    %dma_wait3A_31 = arith.constant 0 : i32
    %dma_wait3A_32 = tpu.memref_slice %arg2[%dma_wait3A_30, %dma_wait3A_31] : memref<4096x256xf32, #tpu.memory_space<hbm>> -> memref<4096x256xf32, #tpu.memory_space<hbm>>
    tpu.wait_indirect_dma semaphore(%arg7 : memref<!tpu.dma_semaphore, #tpu.memory_space<semaphore_mem>>) src(%dma_wait3A_32 : memref<4096x256xf32, #tpu.memory_space<hbm>>) dst(%arg6 : memref<128x256xf32, #tpu.memory_space<vmem>>)
    "tpu.region"() ({
      %run_scoped3A = tpu.sem_alloc : memref<!tpu.dma_semaphore, #tpu.memory_space<semaphore_mem>>
      %dma_start3A_65 = arith.constant 0 : i32
      %dma_start3A_66 = tpu.memref_slice %arg4[%add3A_26, %dma_start3A_65] : memref<32768x256xf32, #tpu.memory_space<hbm>> -> memref<128x256xf32, #tpu.memory_space<hbm>>
      %dma_start3A_67 = arith.constant 0 : i32
      %dma_start3A_68 = tpu.memref_slice %arg4[%add3A_26, %dma_start3A_67] : memref<32768x256xf32, #tpu.memory_space<hbm>> -> memref<128x256xf32, #tpu.memory_space<hbm>>
      tpu.enqueue_dma source(%arg6 : memref<128x256xf32, #tpu.memory_space<vmem>>) target(%dma_start3A_68 : memref<128x256xf32, #tpu.memory_space<hbm>>) target_semaphore(%run_scoped3A : memref<!tpu.dma_semaphore, #tpu.memory_space<semaphore_mem>>)
      %dma_wait3A_69 = arith.constant 0 : i32
      %dma_wait3A_70 = tpu.memref_slice %arg4[%add3A_26, %dma_wait3A_69] : memref<32768x256xf32, #tpu.memory_space<hbm>> -> memref<128x256xf32, #tpu.memory_space<hbm>>
      %dma_wait3A_71 = arith.constant 0 : i32
      %dma_wait3A_72 = tpu.memref_slice %arg4[%add3A_26, %dma_wait3A_71] : memref<32768x256xf32, #tpu.memory_space<hbm>> -> memref<128x256xf32, #tpu.memory_space<hbm>>
      tpu.wait_dma2 semaphore(%run_scoped3A : memref<!tpu.dma_semaphore, #tpu.memory_space<semaphore_mem>>) src(%arg6 : memref<128x256xf32, #tpu.memory_space<vmem>>) dst(%dma_wait3A_72 : memref<128x256xf32, #tpu.memory_space<hbm>>)
      tpu.yield
    }) : () -> ()
    %add3A_33 = arith.constant 512 : i32
    %add3A_34 = arith.addi %mul3A_2, %add3A_33 : i32
    "tpu.region"() ({
      %run_scoped3A = tpu.sem_alloc : memref<!tpu.dma_semaphore, #tpu.memory_space<semaphore_mem>>
      %dma_start3A_65 = tpu.memref_slice %arg3[%add3A_34] : memref<32768xi32, #tpu.memory_space<hbm>> -> memref<128xi32, #tpu.memory_space<hbm>>
      %dma_start3A_66 = tpu.memref_slice %arg3[%add3A_34] : memref<32768xi32, #tpu.memory_space<hbm>> -> memref<128xi32, #tpu.memory_space<hbm>>
      tpu.enqueue_dma source(%dma_start3A_66 : memref<128xi32, #tpu.memory_space<hbm>>) target(%arg5 : memref<128xi32, #tpu.memory_space<vmem>>) target_semaphore(%run_scoped3A : memref<!tpu.dma_semaphore, #tpu.memory_space<semaphore_mem>>)
      %dma_wait3A_67 = tpu.memref_slice %arg3[%add3A_34] : memref<32768xi32, #tpu.memory_space<hbm>> -> memref<128xi32, #tpu.memory_space<hbm>>
      %dma_wait3A_68 = tpu.memref_slice %arg3[%add3A_34] : memref<32768xi32, #tpu.memory_space<hbm>> -> memref<128xi32, #tpu.memory_space<hbm>>
      tpu.wait_dma2 semaphore(%run_scoped3A : memref<!tpu.dma_semaphore, #tpu.memory_space<semaphore_mem>>) src(%dma_wait3A_68 : memref<128xi32, #tpu.memory_space<hbm>>) dst(%arg5 : memref<128xi32, #tpu.memory_space<vmem>>)
      tpu.yield
    }) : () -> ()
    %dma_start3A_35 = arith.constant 0 : i32
    %dma_start3A_36 = arith.constant 0 : i32
    %dma_start3A_37 = tpu.memref_slice %arg2[%dma_start3A_35, %dma_start3A_36] : memref<4096x256xf32, #tpu.memory_space<hbm>> -> memref<4096x256xf32, #tpu.memory_space<hbm>>
    tpu.enqueue_indirect_dma source(%dma_start3A_37 : memref<4096x256xf32, #tpu.memory_space<hbm>>) target(%arg6 : memref<128x256xf32, #tpu.memory_space<vmem>>) offsets(%arg5 : memref<128xi32, #tpu.memory_space<vmem>>) semaphore(%arg7 : memref<!tpu.dma_semaphore, #tpu.memory_space<semaphore_mem>>)
    %dma_wait3A_38 = arith.constant 0 : i32
    %dma_wait3A_39 = arith.constant 0 : i32
    %dma_wait3A_40 = tpu.memref_slice %arg2[%dma_wait3A_38, %dma_wait3A_39] : memref<4096x256xf32, #tpu.memory_space<hbm>> -> memref<4096x256xf32, #tpu.memory_space<hbm>>
    tpu.wait_indirect_dma semaphore(%arg7 : memref<!tpu.dma_semaphore, #tpu.memory_space<semaphore_mem>>) src(%dma_wait3A_40 : memref<4096x256xf32, #tpu.memory_space<hbm>>) dst(%arg6 : memref<128x256xf32, #tpu.memory_space<vmem>>)
    "tpu.region"() ({
      %run_scoped3A = tpu.sem_alloc : memref<!tpu.dma_semaphore, #tpu.memory_space<semaphore_mem>>
      %dma_start3A_65 = arith.constant 0 : i32
      %dma_start3A_66 = tpu.memref_slice %arg4[%add3A_34, %dma_start3A_65] : memref<32768x256xf32, #tpu.memory_space<hbm>> -> memref<128x256xf32, #tpu.memory_space<hbm>>
      %dma_start3A_67 = arith.constant 0 : i32
      %dma_start3A_68 = tpu.memref_slice %arg4[%add3A_34, %dma_start3A_67] : memref<32768x256xf32, #tpu.memory_space<hbm>> -> memref<128x256xf32, #tpu.memory_space<hbm>>
      tpu.enqueue_dma source(%arg6 : memref<128x256xf32, #tpu.memory_space<vmem>>) target(%dma_start3A_68 : memref<128x256xf32, #tpu.memory_space<hbm>>) target_semaphore(%run_scoped3A : memref<!tpu.dma_semaphore, #tpu.memory_space<semaphore_mem>>)
      %dma_wait3A_69 = arith.constant 0 : i32
      %dma_wait3A_70 = tpu.memref_slice %arg4[%add3A_34, %dma_wait3A_69] : memref<32768x256xf32, #tpu.memory_space<hbm>> -> memref<128x256xf32, #tpu.memory_space<hbm>>
      %dma_wait3A_71 = arith.constant 0 : i32
      %dma_wait3A_72 = tpu.memref_slice %arg4[%add3A_34, %dma_wait3A_71] : memref<32768x256xf32, #tpu.memory_space<hbm>> -> memref<128x256xf32, #tpu.memory_space<hbm>>
      tpu.wait_dma2 semaphore(%run_scoped3A : memref<!tpu.dma_semaphore, #tpu.memory_space<semaphore_mem>>) src(%arg6 : memref<128x256xf32, #tpu.memory_space<vmem>>) dst(%dma_wait3A_72 : memref<128x256xf32, #tpu.memory_space<hbm>>)
      tpu.yield
    }) : () -> ()
    %add3A_41 = arith.constant 640 : i32
    %add3A_42 = arith.addi %mul3A_2, %add3A_41 : i32
    "tpu.region"() ({
      %run_scoped3A = tpu.sem_alloc : memref<!tpu.dma_semaphore, #tpu.memory_space<semaphore_mem>>
      %dma_start3A_65 = tpu.memref_slice %arg3[%add3A_42] : memref<32768xi32, #tpu.memory_space<hbm>> -> memref<128xi32, #tpu.memory_space<hbm>>
      %dma_start3A_66 = tpu.memref_slice %arg3[%add3A_42] : memref<32768xi32, #tpu.memory_space<hbm>> -> memref<128xi32, #tpu.memory_space<hbm>>
      tpu.enqueue_dma source(%dma_start3A_66 : memref<128xi32, #tpu.memory_space<hbm>>) target(%arg5 : memref<128xi32, #tpu.memory_space<vmem>>) target_semaphore(%run_scoped3A : memref<!tpu.dma_semaphore, #tpu.memory_space<semaphore_mem>>)
      %dma_wait3A_67 = tpu.memref_slice %arg3[%add3A_42] : memref<32768xi32, #tpu.memory_space<hbm>> -> memref<128xi32, #tpu.memory_space<hbm>>
      %dma_wait3A_68 = tpu.memref_slice %arg3[%add3A_42] : memref<32768xi32, #tpu.memory_space<hbm>> -> memref<128xi32, #tpu.memory_space<hbm>>
      tpu.wait_dma2 semaphore(%run_scoped3A : memref<!tpu.dma_semaphore, #tpu.memory_space<semaphore_mem>>) src(%dma_wait3A_68 : memref<128xi32, #tpu.memory_space<hbm>>) dst(%arg5 : memref<128xi32, #tpu.memory_space<vmem>>)
      tpu.yield
    }) : () -> ()
    %dma_start3A_43 = arith.constant 0 : i32
    %dma_start3A_44 = arith.constant 0 : i32
    %dma_start3A_45 = tpu.memref_slice %arg2[%dma_start3A_43, %dma_start3A_44] : memref<4096x256xf32, #tpu.memory_space<hbm>> -> memref<4096x256xf32, #tpu.memory_space<hbm>>
    tpu.enqueue_indirect_dma source(%dma_start3A_45 : memref<4096x256xf32, #tpu.memory_space<hbm>>) target(%arg6 : memref<128x256xf32, #tpu.memory_space<vmem>>) offsets(%arg5 : memref<128xi32, #tpu.memory_space<vmem>>) semaphore(%arg7 : memref<!tpu.dma_semaphore, #tpu.memory_space<semaphore_mem>>)
    %dma_wait3A_46 = arith.constant 0 : i32
    %dma_wait3A_47 = arith.constant 0 : i32
    %dma_wait3A_48 = tpu.memref_slice %arg2[%dma_wait3A_46, %dma_wait3A_47] : memref<4096x256xf32, #tpu.memory_space<hbm>> -> memref<4096x256xf32, #tpu.memory_space<hbm>>
    tpu.wait_indirect_dma semaphore(%arg7 : memref<!tpu.dma_semaphore, #tpu.memory_space<semaphore_mem>>) src(%dma_wait3A_48 : memref<4096x256xf32, #tpu.memory_space<hbm>>) dst(%arg6 : memref<128x256xf32, #tpu.memory_space<vmem>>)
    "tpu.region"() ({
      %run_scoped3A = tpu.sem_alloc : memref<!tpu.dma_semaphore, #tpu.memory_space<semaphore_mem>>
      %dma_start3A_65 = arith.constant 0 : i32
      %dma_start3A_66 = tpu.memref_slice %arg4[%add3A_42, %dma_start3A_65] : memref<32768x256xf32, #tpu.memory_space<hbm>> -> memref<128x256xf32, #tpu.memory_space<hbm>>
      %dma_start3A_67 = arith.constant 0 : i32
      %dma_start3A_68 = tpu.memref_slice %arg4[%add3A_42, %dma_start3A_67] : memref<32768x256xf32, #tpu.memory_space<hbm>> -> memref<128x256xf32, #tpu.memory_space<hbm>>
      tpu.enqueue_dma source(%arg6 : memref<128x256xf32, #tpu.memory_space<vmem>>) target(%dma_start3A_68 : memref<128x256xf32, #tpu.memory_space<hbm>>) target_semaphore(%run_scoped3A : memref<!tpu.dma_semaphore, #tpu.memory_space<semaphore_mem>>)
      %dma_wait3A_69 = arith.constant 0 : i32
      %dma_wait3A_70 = tpu.memref_slice %arg4[%add3A_42, %dma_wait3A_69] : memref<32768x256xf32, #tpu.memory_space<hbm>> -> memref<128x256xf32, #tpu.memory_space<hbm>>
      %dma_wait3A_71 = arith.constant 0 : i32
      %dma_wait3A_72 = tpu.memref_slice %arg4[%add3A_42, %dma_wait3A_71] : memref<32768x256xf32, #tpu.memory_space<hbm>> -> memref<128x256xf32, #tpu.memory_space<hbm>>
      tpu.wait_dma2 semaphore(%run_scoped3A : memref<!tpu.dma_semaphore, #tpu.memory_space<semaphore_mem>>) src(%arg6 : memref<128x256xf32, #tpu.memory_space<vmem>>) dst(%dma_wait3A_72 : memref<128x256xf32, #tpu.memory_space<hbm>>)
      tpu.yield
    }) : () -> ()
    %add3A_49 = arith.constant 768 : i32
    %add3A_50 = arith.addi %mul3A_2, %add3A_49 : i32
    "tpu.region"() ({
      %run_scoped3A = tpu.sem_alloc : memref<!tpu.dma_semaphore, #tpu.memory_space<semaphore_mem>>
      %dma_start3A_65 = tpu.memref_slice %arg3[%add3A_50] : memref<32768xi32, #tpu.memory_space<hbm>> -> memref<128xi32, #tpu.memory_space<hbm>>
      %dma_start3A_66 = tpu.memref_slice %arg3[%add3A_50] : memref<32768xi32, #tpu.memory_space<hbm>> -> memref<128xi32, #tpu.memory_space<hbm>>
      tpu.enqueue_dma source(%dma_start3A_66 : memref<128xi32, #tpu.memory_space<hbm>>) target(%arg5 : memref<128xi32, #tpu.memory_space<vmem>>) target_semaphore(%run_scoped3A : memref<!tpu.dma_semaphore, #tpu.memory_space<semaphore_mem>>)
      %dma_wait3A_67 = tpu.memref_slice %arg3[%add3A_50] : memref<32768xi32, #tpu.memory_space<hbm>> -> memref<128xi32, #tpu.memory_space<hbm>>
      %dma_wait3A_68 = tpu.memref_slice %arg3[%add3A_50] : memref<32768xi32, #tpu.memory_space<hbm>> -> memref<128xi32, #tpu.memory_space<hbm>>
      tpu.wait_dma2 semaphore(%run_scoped3A : memref<!tpu.dma_semaphore, #tpu.memory_space<semaphore_mem>>) src(%dma_wait3A_68 : memref<128xi32, #tpu.memory_space<hbm>>) dst(%arg5 : memref<128xi32, #tpu.memory_space<vmem>>)
      tpu.yield
    }) : () -> ()
    %dma_start3A_51 = arith.constant 0 : i32
    %dma_start3A_52 = arith.constant 0 : i32
    %dma_start3A_53 = tpu.memref_slice %arg2[%dma_start3A_51, %dma_start3A_52] : memref<4096x256xf32, #tpu.memory_space<hbm>> -> memref<4096x256xf32, #tpu.memory_space<hbm>>
    tpu.enqueue_indirect_dma source(%dma_start3A_53 : memref<4096x256xf32, #tpu.memory_space<hbm>>) target(%arg6 : memref<128x256xf32, #tpu.memory_space<vmem>>) offsets(%arg5 : memref<128xi32, #tpu.memory_space<vmem>>) semaphore(%arg7 : memref<!tpu.dma_semaphore, #tpu.memory_space<semaphore_mem>>)
    %dma_wait3A_54 = arith.constant 0 : i32
    %dma_wait3A_55 = arith.constant 0 : i32
    %dma_wait3A_56 = tpu.memref_slice %arg2[%dma_wait3A_54, %dma_wait3A_55] : memref<4096x256xf32, #tpu.memory_space<hbm>> -> memref<4096x256xf32, #tpu.memory_space<hbm>>
    tpu.wait_indirect_dma semaphore(%arg7 : memref<!tpu.dma_semaphore, #tpu.memory_space<semaphore_mem>>) src(%dma_wait3A_56 : memref<4096x256xf32, #tpu.memory_space<hbm>>) dst(%arg6 : memref<128x256xf32, #tpu.memory_space<vmem>>)
    "tpu.region"() ({
      %run_scoped3A = tpu.sem_alloc : memref<!tpu.dma_semaphore, #tpu.memory_space<semaphore_mem>>
      %dma_start3A_65 = arith.constant 0 : i32
      %dma_start3A_66 = tpu.memref_slice %arg4[%add3A_50, %dma_start3A_65] : memref<32768x256xf32, #tpu.memory_space<hbm>> -> memref<128x256xf32, #tpu.memory_space<hbm>>
      %dma_start3A_67 = arith.constant 0 : i32
      %dma_start3A_68 = tpu.memref_slice %arg4[%add3A_50, %dma_start3A_67] : memref<32768x256xf32, #tpu.memory_space<hbm>> -> memref<128x256xf32, #tpu.memory_space<hbm>>
      tpu.enqueue_dma source(%arg6 : memref<128x256xf32, #tpu.memory_space<vmem>>) target(%dma_start3A_68 : memref<128x256xf32, #tpu.memory_space<hbm>>) target_semaphore(%run_scoped3A : memref<!tpu.dma_semaphore, #tpu.memory_space<semaphore_mem>>)
      %dma_wait3A_69 = arith.constant 0 : i32
      %dma_wait3A_70 = tpu.memref_slice %arg4[%add3A_50, %dma_wait3A_69] : memref<32768x256xf32, #tpu.memory_space<hbm>> -> memref<128x256xf32, #tpu.memory_space<hbm>>
      %dma_wait3A_71 = arith.constant 0 : i32
      %dma_wait3A_72 = tpu.memref_slice %arg4[%add3A_50, %dma_wait3A_71] : memref<32768x256xf32, #tpu.memory_space<hbm>> -> memref<128x256xf32, #tpu.memory_space<hbm>>
      tpu.wait_dma2 semaphore(%run_scoped3A : memref<!tpu.dma_semaphore, #tpu.memory_space<semaphore_mem>>) src(%arg6 : memref<128x256xf32, #tpu.memory_space<vmem>>) dst(%dma_wait3A_72 : memref<128x256xf32, #tpu.memory_space<hbm>>)
      tpu.yield
    }) : () -> ()
    %add3A_57 = arith.constant 896 : i32
    %add3A_58 = arith.addi %mul3A_2, %add3A_57 : i32
    "tpu.region"() ({
      %run_scoped3A = tpu.sem_alloc : memref<!tpu.dma_semaphore, #tpu.memory_space<semaphore_mem>>
      %dma_start3A_65 = tpu.memref_slice %arg3[%add3A_58] : memref<32768xi32, #tpu.memory_space<hbm>> -> memref<128xi32, #tpu.memory_space<hbm>>
      %dma_start3A_66 = tpu.memref_slice %arg3[%add3A_58] : memref<32768xi32, #tpu.memory_space<hbm>> -> memref<128xi32, #tpu.memory_space<hbm>>
      tpu.enqueue_dma source(%dma_start3A_66 : memref<128xi32, #tpu.memory_space<hbm>>) target(%arg5 : memref<128xi32, #tpu.memory_space<vmem>>) target_semaphore(%run_scoped3A : memref<!tpu.dma_semaphore, #tpu.memory_space<semaphore_mem>>)
      %dma_wait3A_67 = tpu.memref_slice %arg3[%add3A_58] : memref<32768xi32, #tpu.memory_space<hbm>> -> memref<128xi32, #tpu.memory_space<hbm>>
      %dma_wait3A_68 = tpu.memref_slice %arg3[%add3A_58] : memref<32768xi32, #tpu.memory_space<hbm>> -> memref<128xi32, #tpu.memory_space<hbm>>
      tpu.wait_dma2 semaphore(%run_scoped3A : memref<!tpu.dma_semaphore, #tpu.memory_space<semaphore_mem>>) src(%dma_wait3A_68 : memref<128xi32, #tpu.memory_space<hbm>>) dst(%arg5 : memref<128xi32, #tpu.memory_space<vmem>>)
      tpu.yield
    }) : () -> ()
    %dma_start3A_59 = arith.constant 0 : i32
    %dma_start3A_60 = arith.constant 0 : i32
    %dma_start3A_61 = tpu.memref_slice %arg2[%dma_start3A_59, %dma_start3A_60] : memref<4096x256xf32, #tpu.memory_space<hbm>> -> memref<4096x256xf32, #tpu.memory_space<hbm>>
    tpu.enqueue_indirect_dma source(%dma_start3A_61 : memref<4096x256xf32, #tpu.memory_space<hbm>>) target(%arg6 : memref<128x256xf32, #tpu.memory_space<vmem>>) offsets(%arg5 : memref<128xi32, #tpu.memory_space<vmem>>) semaphore(%arg7 : memref<!tpu.dma_semaphore, #tpu.memory_space<semaphore_mem>>)
    %dma_wait3A_62 = arith.constant 0 : i32
    %dma_wait3A_63 = arith.constant 0 : i32
    %dma_wait3A_64 = tpu.memref_slice %arg2[%dma_wait3A_62, %dma_wait3A_63] : memref<4096x256xf32, #tpu.memory_space<hbm>> -> memref<4096x256xf32, #tpu.memory_space<hbm>>
    tpu.wait_indirect_dma semaphore(%arg7 : memref<!tpu.dma_semaphore, #tpu.memory_space<semaphore_mem>>) src(%dma_wait3A_64 : memref<4096x256xf32, #tpu.memory_space<hbm>>) dst(%arg6 : memref<128x256xf32, #tpu.memory_space<vmem>>)
    "tpu.region"() ({
      %run_scoped3A = tpu.sem_alloc : memref<!tpu.dma_semaphore, #tpu.memory_space<semaphore_mem>>
      %dma_start3A_65 = arith.constant 0 : i32
      %dma_start3A_66 = tpu.memref_slice %arg4[%add3A_58, %dma_start3A_65] : memref<32768x256xf32, #tpu.memory_space<hbm>> -> memref<128x256xf32, #tpu.memory_space<hbm>>
      %dma_start3A_67 = arith.constant 0 : i32
      %dma_start3A_68 = tpu.memref_slice %arg4[%add3A_58, %dma_start3A_67] : memref<32768x256xf32, #tpu.memory_space<hbm>> -> memref<128x256xf32, #tpu.memory_space<hbm>>
      tpu.enqueue_dma source(%arg6 : memref<128x256xf32, #tpu.memory_space<vmem>>) target(%dma_start3A_68 : memref<128x256xf32, #tpu.memory_space<hbm>>) target_semaphore(%run_scoped3A : memref<!tpu.dma_semaphore, #tpu.memory_space<semaphore_mem>>)
      %dma_wait3A_69 = arith.constant 0 : i32
      %dma_wait3A_70 = tpu.memref_slice %arg4[%add3A_58, %dma_wait3A_69] : memref<32768x256xf32, #tpu.memory_space<hbm>> -> memref<128x256xf32, #tpu.memory_space<hbm>>
      %dma_wait3A_71 = arith.constant 0 : i32
      %dma_wait3A_72 = tpu.memref_slice %arg4[%add3A_58, %dma_wait3A_71] : memref<32768x256xf32, #tpu.memory_space<hbm>> -> memref<128x256xf32, #tpu.memory_space<hbm>>
      tpu.wait_dma2 semaphore(%run_scoped3A : memref<!tpu.dma_semaphore, #tpu.memory_space<semaphore_mem>>) src(%arg6 : memref<128x256xf32, #tpu.memory_space<vmem>>) dst(%dma_wait3A_72 : memref<128x256xf32, #tpu.memory_space<hbm>>)
      tpu.yield
    }) : () -> ()
    return
  }
}

module attributes {stable_mosaic.version = 14 : i64} {
  func.func @_prep_body(%arg0: memref<4096x256xf32, #tpu.memory_space<vmem>>, %arg1: memref<256x256xf32, #tpu.memory_space<vmem>>, %arg2: memref<256x256xf32, #tpu.memory_space<vmem>>, %arg3: memref<4096x256xf32, #tpu.memory_space<vmem>>, %arg4: memref<4096x256xf32, #tpu.memory_space<vmem>>, %arg5: memref<4096x256xf32, #tpu.memory_space<vmem>>, %arg6: memref<4096x1xf32, #tpu.memory_space<vmem>>) attributes {dimension_semantics = [], scalar_prefetch = 0 : i64, scratch_operands = 0 : i64, tpu.core_type = #tpu.core_type<tc>} {
    %get3A = arith.constant 0 : index
    %get3A_0 = arith.constant 0 : index
    %get3A_1 = vector.load %arg0[%get3A, %get3A_0] : memref<4096x256xf32, #tpu.memory_space<vmem>>, vector<4096x256xf32>
    %mul3A = arith.mulf %get3A_1, %get3A_1 : vector<4096x256xf32>
    %reduce_sum3A = arith.constant dense<0.000000e+00> : vector<4096xf32>
    %reduce_sum3A_2 = vector.multi_reduction <add>, %mul3A, %reduce_sum3A [1] : vector<4096x256xf32> to vector<4096xf32>
    %broadcast_in_dim3A = vector.shape_cast %reduce_sum3A_2 : vector<4096xf32> to vector<4096x1xf32>
    %sqrt3A = math.sqrt %broadcast_in_dim3A : vector<4096x1xf32>
    %max3A = arith.constant 9.99999996E-13 : f32
    %max3A_3 = vector.broadcast %max3A : f32 to vector<4096x1xf32>
    %max3A_4 = arith.maximumf %sqrt3A, %max3A_3 : vector<4096x1xf32>
    %div3A = vector.broadcast %max3A_4 : vector<4096x1xf32> to vector<4096x256xf32>
    %div3A_5 = arith.divf %get3A_1, %div3A : vector<4096x256xf32>
    %swap3A = arith.constant 0 : index
    %swap3A_6 = arith.constant 0 : index
    %swap3A_7 = vector.load %arg3[%swap3A, %swap3A_6] : memref<4096x256xf32, #tpu.memory_space<vmem>>, vector<4096x256xf32>
    tpu.vector_store %arg3[%swap3A, %swap3A_6], %div3A_5 {strides = array<i32>} : memref<4096x256xf32, #tpu.memory_space<vmem>>, vector<4096x256xf32>,
    %mul3A_8 = arith.mulf %div3A_5, %div3A_5 : vector<4096x256xf32>
    %reduce_sum3A_9 = arith.constant dense<0.000000e+00> : vector<4096xf32>
    %reduce_sum3A_10 = vector.multi_reduction <add>, %mul3A_8, %reduce_sum3A_9 [1] : vector<4096x256xf32> to vector<4096xf32>
    %broadcast_in_dim3A_11 = vector.shape_cast %reduce_sum3A_10 : vector<4096xf32> to vector<4096x1xf32>
    %swap3A_12 = arith.constant 0 : index
    %swap3A_13 = arith.constant 0 : index
    %swap3A_14 = vector.load %arg6[%swap3A_12, %swap3A_13] : memref<4096x1xf32, #tpu.memory_space<vmem>>, vector<4096x1xf32>
    tpu.vector_store %arg6[%swap3A_12, %swap3A_13], %broadcast_in_dim3A_11 {strides = array<i32>} : memref<4096x1xf32, #tpu.memory_space<vmem>>, vector<4096x1xf32>,
    %get3A_15 = arith.constant 0 : index
    %get3A_16 = arith.constant 0 : index
    %get3A_17 = vector.load %arg1[%get3A_15, %get3A_16] : memref<256x256xf32, #tpu.memory_space<vmem>>, vector<256x256xf32>
    %convert_element_type3A = arith.truncf %div3A_5 : vector<4096x256xf32> to vector<4096x256xbf16>
    %convert_element_type3A_18 = arith.extf %convert_element_type3A : vector<4096x256xbf16> to vector<4096x256xf32>
    %convert_element_type3A_19 = arith.truncf %convert_element_type3A_18 : vector<4096x256xf32> to vector<4096x256xbf16>
    %sub3A = arith.subf %div3A_5, %convert_element_type3A_18 : vector<4096x256xf32>
    %convert_element_type3A_20 = arith.truncf %sub3A : vector<4096x256xf32> to vector<4096x256xbf16>
    %convert_element_type3A_21 = arith.truncf %get3A_17 : vector<256x256xf32> to vector<256x256xbf16>
    %convert_element_type3A_22 = arith.extf %convert_element_type3A_21 : vector<256x256xbf16> to vector<256x256xf32>
    %convert_element_type3A_23 = arith.truncf %convert_element_type3A_22 : vector<256x256xf32> to vector<256x256xbf16>
    %sub3A_24 = arith.subf %get3A_17, %convert_element_type3A_22 : vector<256x256xf32>
    %convert_element_type3A_25 = arith.truncf %sub3A_24 : vector<256x256xf32> to vector<256x256xbf16>
    %dot_general3A = arith.constant dense<0.000000e+00> : vector<4096x256xf32>
    %dot_general3A_26 = tpu.matmul %convert_element_type3A_19, %convert_element_type3A_23, %dot_general3A {dimension_numbers = #tpu.dot_dimension_numbers<[1], [1], [0], [0], [0, 0, 1, 0], [], []>, transpose_lhs_hint = false} : vector<4096x256xbf16>, vector<256x256xbf16>, vector<4096x256xf32> -> vector<4096x256xf32>
    %dot_general3A_27 = arith.constant dense<0.000000e+00> : vector<4096x256xf32>
    %dot_general3A_28 = tpu.matmul %convert_element_type3A_20, %convert_element_type3A_23, %dot_general3A_27 {dimension_numbers = #tpu.dot_dimension_numbers<[1], [1], [0], [0], [0, 0, 1, 0], [], []>, transpose_lhs_hint = false} : vector<4096x256xbf16>, vector<256x256xbf16>, vector<4096x256xf32> -> vector<4096x256xf32>
    %dot_general3A_29 = arith.constant dense<0.000000e+00> : vector<4096x256xf32>
    %dot_general3A_30 = tpu.matmul %convert_element_type3A_19, %convert_element_type3A_25, %dot_general3A_29 {dimension_numbers = #tpu.dot_dimension_numbers<[1], [1], [0], [0], [0, 0, 1, 0], [], []>, transpose_lhs_hint = false} : vector<4096x256xbf16>, vector<256x256xbf16>, vector<4096x256xf32> -> vector<4096x256xf32>
    %add3A = arith.addf %dot_general3A_26, %dot_general3A_28 : vector<4096x256xf32>
    %add3A_31 = arith.addf %add3A, %dot_general3A_30 : vector<4096x256xf32>
    %swap3A_32 = arith.constant 0 : index
    %swap3A_33 = arith.constant 0 : index
    %swap3A_34 = vector.load %arg4[%swap3A_32, %swap3A_33] : memref<4096x256xf32, #tpu.memory_space<vmem>>, vector<4096x256xf32>
    tpu.vector_store %arg4[%swap3A_32, %swap3A_33], %add3A_31 {strides = array<i32>} : memref<4096x256xf32, #tpu.memory_space<vmem>>, vector<4096x256xf32>,
    %get3A_35 = arith.constant 0 : index
    %get3A_36 = arith.constant 0 : index
    %get3A_37 = vector.load %arg2[%get3A_35, %get3A_36] : memref<256x256xf32, #tpu.memory_space<vmem>>, vector<256x256xf32>
    %convert_element_type3A_38 = arith.truncf %div3A_5 : vector<4096x256xf32> to vector<4096x256xbf16>
    %convert_element_type3A_39 = arith.extf %convert_element_type3A_38 : vector<4096x256xbf16> to vector<4096x256xf32>
    %convert_element_type3A_40 = arith.truncf %convert_element_type3A_39 : vector<4096x256xf32> to vector<4096x256xbf16>
    %sub3A_41 = arith.subf %div3A_5, %convert_element_type3A_39 : vector<4096x256xf32>
    %convert_element_type3A_42 = arith.truncf %sub3A_41 : vector<4096x256xf32> to vector<4096x256xbf16>
    %convert_element_type3A_43 = arith.truncf %get3A_37 : vector<256x256xf32> to vector<256x256xbf16>
    %convert_element_type3A_44 = arith.extf %convert_element_type3A_43 : vector<256x256xbf16> to vector<256x256xf32>
    %convert_element_type3A_45 = arith.truncf %convert_element_type3A_44 : vector<256x256xf32> to vector<256x256xbf16>
    %sub3A_46 = arith.subf %get3A_37, %convert_element_type3A_44 : vector<256x256xf32>
    %convert_element_type3A_47 = arith.truncf %sub3A_46 : vector<256x256xf32> to vector<256x256xbf16>
    %dot_general3A_48 = arith.constant dense<0.000000e+00> : vector<4096x256xf32>
    %dot_general3A_49 = tpu.matmul %convert_element_type3A_40, %convert_element_type3A_45, %dot_general3A_48 {dimension_numbers = #tpu.dot_dimension_numbers<[1], [1], [0], [0], [0, 0, 1, 0], [], []>, transpose_lhs_hint = false} : vector<4096x256xbf16>, vector<256x256xbf16>, vector<4096x256xf32> -> vector<4096x256xf32>
    %dot_general3A_50 = arith.constant dense<0.000000e+00> : vector<4096x256xf32>
    %dot_general3A_51 = tpu.matmul %convert_element_type3A_42, %convert_element_type3A_45, %dot_general3A_50 {dimension_numbers = #tpu.dot_dimension_numbers<[1], [1], [0], [0], [0, 0, 1, 0], [], []>, transpose_lhs_hint = false} : vector<4096x256xbf16>, vector<256x256xbf16>, vector<4096x256xf32> -> vector<4096x256xf32>
    %dot_general3A_52 = arith.constant dense<0.000000e+00> : vector<4096x256xf32>
    %dot_general3A_53 = tpu.matmul %convert_element_type3A_40, %convert_element_type3A_47, %dot_general3A_52 {dimension_numbers = #tpu.dot_dimension_numbers<[1], [1], [0], [0], [0, 0, 1, 0], [], []>, transpose_lhs_hint = false} : vector<4096x256xbf16>, vector<256x256xbf16>, vector<4096x256xf32> -> vector<4096x256xf32>
    %add3A_54 = arith.addf %dot_general3A_49, %dot_general3A_51 : vector<4096x256xf32>
    %add3A_55 = arith.addf %add3A_54, %dot_general3A_53 : vector<4096x256xf32>
    %swap3A_56 = arith.constant 0 : index
    %swap3A_57 = arith.constant 0 : index
    %swap3A_58 = vector.load %arg5[%swap3A_56, %swap3A_57] : memref<4096x256xf32, #tpu.memory_space<vmem>>, vector<4096x256xf32>
    tpu.vector_store %arg5[%swap3A_56, %swap3A_57], %add3A_55 {strides = array<i32>} : memref<4096x256xf32, #tpu.memory_space<vmem>>, vector<4096x256xf32>,
    return
  }
}

module attributes {stable_mosaic.version = 14 : i64} {
  func.func @_knn_win_body(%arg0: i32, %arg1: memref<16xi32, #tpu.memory_space<smem>>, %arg2: memref<256x256xf32, #tpu.memory_space<vmem>>, %arg3: memref<256x1xi32, #tpu.memory_space<vmem>>, %arg4: memref<256x1xf32, #tpu.memory_space<vmem>>, %arg5: memref<512x256xf32, #tpu.memory_space<vmem>>, %arg6: memref<512x256xf32, #tpu.memory_space<vmem>>, %arg7: memref<512x256xf32, #tpu.memory_space<vmem>>, %arg8: memref<1x512xi32, #tpu.memory_space<vmem>>, %arg9: memref<1x512xi32, #tpu.memory_space<vmem>>, %arg10: memref<1x512xi32, #tpu.memory_space<vmem>>, %arg11: memref<1x512xf32, #tpu.memory_space<vmem>>, %arg12: memref<1x512xf32, #tpu.memory_space<vmem>>, %arg13: memref<1x512xf32, #tpu.memory_space<vmem>>, %arg14: memref<256x8xi32, #tpu.memory_space<vmem>>) attributes {dimension_semantics = [#tpu.dimension_semantics<arbitrary>], iteration_bounds = array<i64: 16>, scalar_prefetch = 1 : i64, scratch_operands = 0 : i64, tpu.core_type = #tpu.core_type<tc>, window_params = [{transform_indices = @transform_0, window_bounds = array<i64: 256, 256>}, {transform_indices = @transform_1, window_bounds = array<i64: 256, 1>}, {transform_indices = @transform_2, window_bounds = array<i64: 256, 1>}, {transform_indices = @transform_3, window_bounds = array<i64: 512, 256>}, {transform_indices = @transform_4, window_bounds = array<i64: 512, 256>}, {transform_indices = @transform_5, window_bounds = array<i64: 512, 256>}, {transform_indices = @transform_6, window_bounds = array<i64: 1, 512>}, {transform_indices = @transform_7, window_bounds = array<i64: 1, 512>}, {transform_indices = @transform_8, window_bounds = array<i64: 1, 512>}, {transform_indices = @transform_9, window_bounds = array<i64: 1, 512>}, {transform_indices = @transform_10, window_bounds = array<i64: 1, 512>}, {transform_indices = @transform_11, window_bounds = array<i64: 1, 512>}, {transform_indices = @transform_12, window_bounds = array<i64: 256, 8>}]} {
    %get3A = arith.index_cast %arg0 : i32 to index
    %get3A_0 = memref.load %arg1[%get3A] : memref<16xi32, #tpu.memory_space<smem>>
    %mul3A = arith.constant 512 : i32
    %mul3A_1 = arith.muli %get3A_0, %mul3A : i32
    %get3A_2 = arith.constant 0 : index
    %get3A_3 = arith.constant 0 : index
    %get3A_4 = vector.load %arg5[%get3A_2, %get3A_3] : memref<512x256xf32, #tpu.memory_space<vmem>>, vector<512x256xf32>
    %get3A_5 = arith.constant 0 : index
    %get3A_6 = arith.constant 0 : index
    %get3A_7 = vector.load %arg6[%get3A_5, %get3A_6] : memref<512x256xf32, #tpu.memory_space<vmem>>, vector<512x256xf32>
    %get3A_8 = arith.constant 0 : index
    %get3A_9 = arith.constant 0 : index
    %get3A_10 = vector.load %arg7[%get3A_8, %get3A_9] : memref<512x256xf32, #tpu.memory_space<vmem>>, vector<512x256xf32>
    %concatenate3A = tpu.concatenate %get3A_4, %get3A_7, %get3A_10 in 0 : vector<512x256xf32>, vector<512x256xf32>, vector<512x256xf32> -> vector<1536x256xf32>
    %get3A_11 = arith.constant 0 : index
    %get3A_12 = arith.constant 0 : index
    %get3A_13 = vector.load %arg8[%get3A_11, %get3A_12] : memref<1x512xi32, #tpu.memory_space<vmem>>, vector<1x512xi32>
    %get3A_14 = arith.constant 0 : index
    %get3A_15 = arith.constant 0 : index
    %get3A_16 = vector.load %arg9[%get3A_14, %get3A_15] : memref<1x512xi32, #tpu.memory_space<vmem>>, vector<1x512xi32>
    %get3A_17 = arith.constant 0 : index
    %get3A_18 = arith.constant 0 : index
    %get3A_19 = vector.load %arg10[%get3A_17, %get3A_18] : memref<1x512xi32, #tpu.memory_space<vmem>>, vector<1x512xi32>
    %concatenate3A_20 = tpu.concatenate %get3A_13, %get3A_16, %get3A_19 in 1 : vector<1x512xi32>, vector<1x512xi32>, vector<1x512xi32> -> vector<1x1536xi32>
    %get3A_21 = arith.constant 0 : index
    %get3A_22 = arith.constant 0 : index
    %get3A_23 = vector.load %arg11[%get3A_21, %get3A_22] : memref<1x512xf32, #tpu.memory_space<vmem>>, vector<1x512xf32>
    %get3A_24 = arith.constant 0 : index
    %get3A_25 = arith.constant 0 : index
    %get3A_26 = vector.load %arg12[%get3A_24, %get3A_25] : memref<1x512xf32, #tpu.memory_space<vmem>>, vector<1x512xf32>
    %get3A_27 = arith.constant 0 : index
    %get3A_28 = arith.constant 0 : index
    %get3A_29 = vector.load %arg13[%get3A_27, %get3A_28] : memref<1x512xf32, #tpu.memory_space<vmem>>, vector<1x512xf32>
    %concatenate3A_30 = tpu.concatenate %get3A_23, %get3A_26, %get3A_29 in 1 : vector<1x512xf32>, vector<1x512xf32>, vector<1x512xf32> -> vector<1x1536xf32>
    %get3A_31 = arith.constant 0 : index
    %get3A_32 = arith.constant 0 : index
    %get3A_33 = vector.load %arg2[%get3A_31, %get3A_32] : memref<256x256xf32, #tpu.memory_space<vmem>>, vector<256x256xf32>
    %dot_general3A = arith.constant dense<0.000000e+00> : vector<256x1536xf32>
    %dot_general3A_34 = tpu.matmul %get3A_33, %concatenate3A, %dot_general3A {dimension_numbers = #tpu.dot_dimension_numbers<[1], [1], [0], [0], [0, 0, 1, 0], [], []>, transpose_lhs_hint = false} : vector<256x256xf32>, vector<1536x256xf32>, vector<256x1536xf32> -> vector<256x1536xf32>
    %get3A_35 = arith.constant 0 : index
    %get3A_36 = arith.constant 0 : index
    %get3A_37 = vector.load %arg4[%get3A_35, %get3A_36] : memref<256x1xf32, #tpu.memory_space<vmem>>, vector<256x1xf32>
    %add3A = vector.broadcast %get3A_37 : vector<256x1xf32> to vector<256x1536xf32>
    %add3A_38 = vector.broadcast %concatenate3A_30 : vector<1x1536xf32> to vector<256x1536xf32>
    %add3A_39 = arith.addf %add3A, %add3A_38 : vector<256x1536xf32>
    %mul3A_40 = arith.constant 2.000000e+00 : f32
    %mul3A_41 = vector.broadcast %mul3A_40 : f32 to vector<256x1536xf32>
    %mul3A_42 = arith.mulf %mul3A_41, %dot_general3A_34 : vector<256x1536xf32>
    %sub3A = arith.subf %add3A_39, %mul3A_42 : vector<256x1536xf32>
    %get3A_43 = arith.constant 0 : index
    %get3A_44 = arith.constant 0 : index
    %get3A_45 = vector.load %arg3[%get3A_43, %get3A_44] : memref<256x1xi32, #tpu.memory_space<vmem>>, vector<256x1xi32>
    %ne3A = vector.broadcast %get3A_45 : vector<256x1xi32> to vector<256x1536xi32>
    %ne3A_46 = vector.broadcast %concatenate3A_20 : vector<1x1536xi32> to vector<256x1536xi32>
    %ne3A_47 = arith.cmpi ne, %ne3A, %ne3A_46 : vector<256x1536xi32>
    %neg3A = arith.constant 0.000000e+00 : f32
    %neg3A_48 = vector.broadcast %neg3A : f32 to vector<256x1536xf32>
    %neg3A_49 = arith.subf %neg3A_48, %sub3A : vector<256x1536xf32>
    %jit3A = arith.constant -1.000000e+30 : f32
    %broadcast_in_dim3A = vector.broadcast %jit3A : f32 to vector<256x1536xf32>
    %select_n3A = arith.select %ne3A_47, %broadcast_in_dim3A, %neg3A_49 : vector<256x1536xi1>, vector<256x1536xf32>
    %iota3A = tpu.iota {dimensions = array<i32: 1>} : vector<256x1536xi32>
    %add3A_50 = vector.broadcast %mul3A_1 : i32 to vector<256x1536xi32>
    %add3A_51 = arith.addi %iota3A, %add3A_50 : vector<256x1536xi32>
    %reduce_max3A = arith.constant dense<0xFF800000> : vector<256xf32>
    %reduce_max3A_52 = vector.multi_reduction <maximumf>, %select_n3A, %reduce_max3A [1] : vector<256x1536xf32> to vector<256xf32>
    %broadcast_in_dim3A_53 = vector.shape_cast %reduce_max3A_52 : vector<256xf32> to vector<256x1xf32>
    %eq3A = vector.broadcast %broadcast_in_dim3A_53 : vector<256x1xf32> to vector<256x1536xf32>
    %eq3A_54 = arith.cmpf oeq, %select_n3A, %eq3A : vector<256x1536xf32>
    %jit3A_55 = arith.constant 4096 : i32
    %broadcast_in_dim3A_56 = vector.broadcast %jit3A_55 : i32 to vector<256x1536xi32>
    %select_n3A_57 = arith.select %eq3A_54, %add3A_51, %broadcast_in_dim3A_56 : vector<256x1536xi1>, vector<256x1536xi32>
    %reduce_min3A = arith.constant dense<2147483647> : vector<256xi32>
    %reduce_min3A_58 = vector.multi_reduction <minsi>, %select_n3A_57, %reduce_min3A [1] : vector<256x1536xi32> to vector<256xi32>
    %broadcast_in_dim3A_59 = vector.shape_cast %reduce_min3A_58 : vector<256xi32> to vector<256x1xi32>
    %eq3A_60 = vector.broadcast %broadcast_in_dim3A_59 : vector<256x1xi32> to vector<256x1536xi32>
    %eq3A_61 = arith.cmpi eq, %add3A_51, %eq3A_60 : vector<256x1536xi32>
    %jit3A_62 = arith.constant 0xFF800000 : f32
    %broadcast_in_dim3A_63 = vector.broadcast %jit3A_62 : f32 to vector<256x1536xf32>
    %select_n3A_64 = arith.select %eq3A_61, %broadcast_in_dim3A_63, %select_n3A : vector<256x1536xi1>, vector<256x1536xf32>
    %reduce_max3A_65 = arith.constant dense<0xFF800000> : vector<256xf32>
    %reduce_max3A_66 = vector.multi_reduction <maximumf>, %select_n3A_64, %reduce_max3A_65 [1] : vector<256x1536xf32> to vector<256xf32>
    %broadcast_in_dim3A_67 = vector.shape_cast %reduce_max3A_66 : vector<256xf32> to vector<256x1xf32>
    %eq3A_68 = vector.broadcast %broadcast_in_dim3A_67 : vector<256x1xf32> to vector<256x1536xf32>
    %eq3A_69 = arith.cmpf oeq, %select_n3A_64, %eq3A_68 : vector<256x1536xf32>
    %jit3A_70 = arith.constant 4096 : i32
    %broadcast_in_dim3A_71 = vector.broadcast %jit3A_70 : i32 to vector<256x1536xi32>
    %select_n3A_72 = arith.select %eq3A_69, %add3A_51, %broadcast_in_dim3A_71 : vector<256x1536xi1>, vector<256x1536xi32>
    %reduce_min3A_73 = arith.constant dense<2147483647> : vector<256xi32>
    %reduce_min3A_74 = vector.multi_reduction <minsi>, %select_n3A_72, %reduce_min3A_73 [1] : vector<256x1536xi32> to vector<256xi32>
    %broadcast_in_dim3A_75 = vector.shape_cast %reduce_min3A_74 : vector<256xi32> to vector<256x1xi32>
    %eq3A_76 = vector.broadcast %broadcast_in_dim3A_75 : vector<256x1xi32> to vector<256x1536xi32>
    %eq3A_77 = arith.cmpi eq, %add3A_51, %eq3A_76 : vector<256x1536xi32>
    %jit3A_78 = arith.constant 0xFF800000 : f32
    %broadcast_in_dim3A_79 = vector.broadcast %jit3A_78 : f32 to vector<256x1536xf32>
    %select_n3A_80 = arith.select %eq3A_77, %broadcast_in_dim3A_79, %select_n3A_64 : vector<256x1536xi1>, vector<256x1536xf32>
    %reduce_max3A_81 = arith.constant dense<0xFF800000> : vector<256xf32>
    %reduce_max3A_82 = vector.multi_reduction <maximumf>, %select_n3A_80, %reduce_max3A_81 [1] : vector<256x1536xf32> to vector<256xf32>
    %broadcast_in_dim3A_83 = vector.shape_cast %reduce_max3A_82 : vector<256xf32> to vector<256x1xf32>
    %eq3A_84 = vector.broadcast %broadcast_in_dim3A_83 : vector<256x1xf32> to vector<256x1536xf32>
    %eq3A_85 = arith.cmpf oeq, %select_n3A_80, %eq3A_84 : vector<256x1536xf32>
    %jit3A_86 = arith.constant 4096 : i32
    %broadcast_in_dim3A_87 = vector.broadcast %jit3A_86 : i32 to vector<256x1536xi32>
    %select_n3A_88 = arith.select %eq3A_85, %add3A_51, %broadcast_in_dim3A_87 : vector<256x1536xi1>, vector<256x1536xi32>
    %reduce_min3A_89 = arith.constant dense<2147483647> : vector<256xi32>
    %reduce_min3A_90 = vector.multi_reduction <minsi>, %select_n3A_88, %reduce_min3A_89 [1] : vector<256x1536xi32> to vector<256xi32>
    %broadcast_in_dim3A_91 = vector.shape_cast %reduce_min3A_90 : vector<256xi32> to vector<256x1xi32>
    %eq3A_92 = vector.broadcast %broadcast_in_dim3A_91 : vector<256x1xi32> to vector<256x1536xi32>
    %eq3A_93 = arith.cmpi eq, %add3A_51, %eq3A_92 : vector<256x1536xi32>
    %jit3A_94 = arith.constant 0xFF800000 : f32
    %broadcast_in_dim3A_95 = vector.broadcast %jit3A_94 : f32 to vector<256x1536xf32>
    %select_n3A_96 = arith.select %eq3A_93, %broadcast_in_dim3A_95, %select_n3A_80 : vector<256x1536xi1>, vector<256x1536xf32>
    %reduce_max3A_97 = arith.constant dense<0xFF800000> : vector<256xf32>
    %reduce_max3A_98 = vector.multi_reduction <maximumf>, %select_n3A_96, %reduce_max3A_97 [1] : vector<256x1536xf32> to vector<256xf32>
    %broadcast_in_dim3A_99 = vector.shape_cast %reduce_max3A_98 : vector<256xf32> to vector<256x1xf32>
    %eq3A_100 = vector.broadcast %broadcast_in_dim3A_99 : vector<256x1xf32> to vector<256x1536xf32>
    %eq3A_101 = arith.cmpf oeq, %select_n3A_96, %eq3A_100 : vector<256x1536xf32>
    %jit3A_102 = arith.constant 4096 : i32
    %broadcast_in_dim3A_103 = vector.broadcast %jit3A_102 : i32 to vector<256x1536xi32>
    %select_n3A_104 = arith.select %eq3A_101, %add3A_51, %broadcast_in_dim3A_103 : vector<256x1536xi1>, vector<256x1536xi32>
    %reduce_min3A_105 = arith.constant dense<2147483647> : vector<256xi32>
    %reduce_min3A_106 = vector.multi_reduction <minsi>, %select_n3A_104, %reduce_min3A_105 [1] : vector<256x1536xi32> to vector<256xi32>
    %broadcast_in_dim3A_107 = vector.shape_cast %reduce_min3A_106 : vector<256xi32> to vector<256x1xi32>
    %eq3A_108 = vector.broadcast %broadcast_in_dim3A_107 : vector<256x1xi32> to vector<256x1536xi32>
    %eq3A_109 = arith.cmpi eq, %add3A_51, %eq3A_108 : vector<256x1536xi32>
    %jit3A_110 = arith.constant 0xFF800000 : f32
    %broadcast_in_dim3A_111 = vector.broadcast %jit3A_110 : f32 to vector<256x1536xf32>
    %select_n3A_112 = arith.select %eq3A_109, %broadcast_in_dim3A_111, %select_n3A_96 : vector<256x1536xi1>, vector<256x1536xf32>
    %reduce_max3A_113 = arith.constant dense<0xFF800000> : vector<256xf32>
    %reduce_max3A_114 = vector.multi_reduction <maximumf>, %select_n3A_112, %reduce_max3A_113 [1] : vector<256x1536xf32> to vector<256xf32>
    %broadcast_in_dim3A_115 = vector.shape_cast %reduce_max3A_114 : vector<256xf32> to vector<256x1xf32>
    %eq3A_116 = vector.broadcast %broadcast_in_dim3A_115 : vector<256x1xf32> to vector<256x1536xf32>
    %eq3A_117 = arith.cmpf oeq, %select_n3A_112, %eq3A_116 : vector<256x1536xf32>
    %jit3A_118 = arith.constant 4096 : i32
    %broadcast_in_dim3A_119 = vector.broadcast %jit3A_118 : i32 to vector<256x1536xi32>
    %select_n3A_120 = arith.select %eq3A_117, %add3A_51, %broadcast_in_dim3A_119 : vector<256x1536xi1>, vector<256x1536xi32>
    %reduce_min3A_121 = arith.constant dense<2147483647> : vector<256xi32>
    %reduce_min3A_122 = vector.multi_reduction <minsi>, %select_n3A_120, %reduce_min3A_121 [1] : vector<256x1536xi32> to vector<256xi32>
    %broadcast_in_dim3A_123 = vector.shape_cast %reduce_min3A_122 : vector<256xi32> to vector<256x1xi32>
    %eq3A_124 = vector.broadcast %broadcast_in_dim3A_123 : vector<256x1xi32> to vector<256x1536xi32>
    %eq3A_125 = arith.cmpi eq, %add3A_51, %eq3A_124 : vector<256x1536xi32>
    %jit3A_126 = arith.constant 0xFF800000 : f32
    %broadcast_in_dim3A_127 = vector.broadcast %jit3A_126 : f32 to vector<256x1536xf32>
    %select_n3A_128 = arith.select %eq3A_125, %broadcast_in_dim3A_127, %select_n3A_112 : vector<256x1536xi1>, vector<256x1536xf32>
    %reduce_max3A_129 = arith.constant dense<0xFF800000> : vector<256xf32>
    %reduce_max3A_130 = vector.multi_reduction <maximumf>, %select_n3A_128, %reduce_max3A_129 [1] : vector<256x1536xf32> to vector<256xf32>
    %broadcast_in_dim3A_131 = vector.shape_cast %reduce_max3A_130 : vector<256xf32> to vector<256x1xf32>
    %eq3A_132 = vector.broadcast %broadcast_in_dim3A_131 : vector<256x1xf32> to vector<256x1536xf32>
    %eq3A_133 = arith.cmpf oeq, %select_n3A_128, %eq3A_132 : vector<256x1536xf32>
    %jit3A_134 = arith.constant 4096 : i32
    %broadcast_in_dim3A_135 = vector.broadcast %jit3A_134 : i32 to vector<256x1536xi32>
    %select_n3A_136 = arith.select %eq3A_133, %add3A_51, %broadcast_in_dim3A_135 : vector<256x1536xi1>, vector<256x1536xi32>
    %reduce_min3A_137 = arith.constant dense<2147483647> : vector<256xi32>
    %reduce_min3A_138 = vector.multi_reduction <minsi>, %select_n3A_136, %reduce_min3A_137 [1] : vector<256x1536xi32> to vector<256xi32>
    %broadcast_in_dim3A_139 = vector.shape_cast %reduce_min3A_138 : vector<256xi32> to vector<256x1xi32>
    %eq3A_140 = vector.broadcast %broadcast_in_dim3A_139 : vector<256x1xi32> to vector<256x1536xi32>
    %eq3A_141 = arith.cmpi eq, %add3A_51, %eq3A_140 : vector<256x1536xi32>
    %jit3A_142 = arith.constant 0xFF800000 : f32
    %broadcast_in_dim3A_143 = vector.broadcast %jit3A_142 : f32 to vector<256x1536xf32>
    %select_n3A_144 = arith.select %eq3A_141, %broadcast_in_dim3A_143, %select_n3A_128 : vector<256x1536xi1>, vector<256x1536xf32>
    %reduce_max3A_145 = arith.constant dense<0xFF800000> : vector<256xf32>
    %reduce_max3A_146 = vector.multi_reduction <maximumf>, %select_n3A_144, %reduce_max3A_145 [1] : vector<256x1536xf32> to vector<256xf32>
    %broadcast_in_dim3A_147 = vector.shape_cast %reduce_max3A_146 : vector<256xf32> to vector<256x1xf32>
    %eq3A_148 = vector.broadcast %broadcast_in_dim3A_147 : vector<256x1xf32> to vector<256x1536xf32>
    %eq3A_149 = arith.cmpf oeq, %select_n3A_144, %eq3A_148 : vector<256x1536xf32>
    %jit3A_150 = arith.constant 4096 : i32
    %broadcast_in_dim3A_151 = vector.broadcast %jit3A_150 : i32 to vector<256x1536xi32>
    %select_n3A_152 = arith.select %eq3A_149, %add3A_51, %broadcast_in_dim3A_151 : vector<256x1536xi1>, vector<256x1536xi32>
    %reduce_min3A_153 = arith.constant dense<2147483647> : vector<256xi32>
    %reduce_min3A_154 = vector.multi_reduction <minsi>, %select_n3A_152, %reduce_min3A_153 [1] : vector<256x1536xi32> to vector<256xi32>
    %broadcast_in_dim3A_155 = vector.shape_cast %reduce_min3A_154 : vector<256xi32> to vector<256x1xi32>
    %eq3A_156 = vector.broadcast %broadcast_in_dim3A_155 : vector<256x1xi32> to vector<256x1536xi32>
    %eq3A_157 = arith.cmpi eq, %add3A_51, %eq3A_156 : vector<256x1536xi32>
    %jit3A_158 = arith.constant 0xFF800000 : f32
    %broadcast_in_dim3A_159 = vector.broadcast %jit3A_158 : f32 to vector<256x1536xf32>
    %select_n3A_160 = arith.select %eq3A_157, %broadcast_in_dim3A_159, %select_n3A_144 : vector<256x1536xi1>, vector<256x1536xf32>
    %reduce_max3A_161 = arith.constant dense<0xFF800000> : vector<256xf32>
    %reduce_max3A_162 = vector.multi_reduction <maximumf>, %select_n3A_160, %reduce_max3A_161 [1] : vector<256x1536xf32> to vector<256xf32>
    %broadcast_in_dim3A_163 = vector.shape_cast %reduce_max3A_162 : vector<256xf32> to vector<256x1xf32>
    %eq3A_164 = vector.broadcast %broadcast_in_dim3A_163 : vector<256x1xf32> to vector<256x1536xf32>
    %eq3A_165 = arith.cmpf oeq, %select_n3A_160, %eq3A_164 : vector<256x1536xf32>
    %jit3A_166 = arith.constant 4096 : i32
    %broadcast_in_dim3A_167 = vector.broadcast %jit3A_166 : i32 to vector<256x1536xi32>
    %select_n3A_168 = arith.select %eq3A_165, %add3A_51, %broadcast_in_dim3A_167 : vector<256x1536xi1>, vector<256x1536xi32>
    %reduce_min3A_169 = arith.constant dense<2147483647> : vector<256xi32>
    %reduce_min3A_170 = vector.multi_reduction <minsi>, %select_n3A_168, %reduce_min3A_169 [1] : vector<256x1536xi32> to vector<256xi32>
    %broadcast_in_dim3A_171 = vector.shape_cast %reduce_min3A_170 : vector<256xi32> to vector<256x1xi32>
    %concatenate3A_172 = tpu.concatenate %broadcast_in_dim3A_59, %broadcast_in_dim3A_75, %broadcast_in_dim3A_91, %broadcast_in_dim3A_107, %broadcast_in_dim3A_123, %broadcast_in_dim3A_139, %broadcast_in_dim3A_155, %broadcast_in_dim3A_171 in 1 : vector<256x1xi32>, vector<256x1xi32>, vector<256x1xi32>, vector<256x1xi32>, vector<256x1xi32>, vector<256x1xi32>, vector<256x1xi32>, vector<256x1xi32> -> vector<256x8xi32>
    %swap3A = arith.constant 0 : index
    %swap3A_173 = arith.constant 0 : index
    %swap3A_174 = vector.load %arg14[%swap3A, %swap3A_173] : memref<256x8xi32, #tpu.memory_space<vmem>>, vector<256x8xi32>
    tpu.vector_store %arg14[%swap3A, %swap3A_173], %concatenate3A_172 {strides = array<i32>} : memref<256x8xi32, #tpu.memory_space<vmem>>, vector<256x8xi32>,
    return
  }
  func.func @transform_0(%arg0: i32, %arg1: memref<16xi32, #tpu.memory_space<smem>>) -> (i32, i32) {
    %c0_i32 = arith.constant 0 : i32
    %c0_i32_0 = arith.constant 0 : i32
    return %arg0, %c0_i32 : i32, i32
  }
  func.func @transform_1(%arg0: i32, %arg1: memref<16xi32, #tpu.memory_space<smem>>) -> (i32, i32) {
    %c0_i32 = arith.constant 0 : i32
    %c0_i32_0 = arith.constant 0 : i32
    return %arg0, %c0_i32 : i32, i32
  }
  func.func @transform_2(%arg0: i32, %arg1: memref<16xi32, #tpu.memory_space<smem>>) -> (i32, i32) {
    %c0_i32 = arith.constant 0 : i32
    %c0_i32_0 = arith.constant 0 : i32
    return %arg0, %c0_i32 : i32, i32
  }
  func.func @transform_3(%arg0: i32, %arg1: memref<16xi32, #tpu.memory_space<smem>>) -> (i32, i32) {
    %get3A = arith.index_cast %arg0 : i32 to index
    %get3A_0 = memref.load %arg1[%get3A] : memref<16xi32, #tpu.memory_space<smem>>
    %c0_i32 = arith.constant 0 : i32
    %c0_i32_1 = arith.constant 0 : i32
    return %get3A_0, %c0_i32 : i32, i32
  }
  func.func @transform_4(%arg0: i32, %arg1: memref<16xi32, #tpu.memory_space<smem>>) -> (i32, i32) {
    %get3A = arith.index_cast %arg0 : i32 to index
    %get3A_0 = memref.load %arg1[%get3A] : memref<16xi32, #tpu.memory_space<smem>>
    %add3A = arith.constant 1 : i32
    %add3A_1 = arith.addi %get3A_0, %add3A : i32
    %c0_i32 = arith.constant 0 : i32
    %c0_i32_2 = arith.constant 0 : i32
    return %add3A_1, %c0_i32 : i32, i32
  }
  func.func @transform_5(%arg0: i32, %arg1: memref<16xi32, #tpu.memory_space<smem>>) -> (i32, i32) {
    %get3A = arith.index_cast %arg0 : i32 to index
    %get3A_0 = memref.load %arg1[%get3A] : memref<16xi32, #tpu.memory_space<smem>>
    %add3A = arith.constant 2 : i32
    %add3A_1 = arith.addi %get3A_0, %add3A : i32
    %c0_i32 = arith.constant 0 : i32
    %c0_i32_2 = arith.constant 0 : i32
    return %add3A_1, %c0_i32 : i32, i32
  }
  func.func @transform_6(%arg0: i32, %arg1: memref<16xi32, #tpu.memory_space<smem>>) -> (i32, i32) {
    %get3A = arith.index_cast %arg0 : i32 to index
    %get3A_0 = memref.load %arg1[%get3A] : memref<16xi32, #tpu.memory_space<smem>>
    %c0_i32 = arith.constant 0 : i32
    %c0_i32_1 = arith.constant 0 : i32
    return %c0_i32, %get3A_0 : i32, i32
  }
  func.func @transform_7(%arg0: i32, %arg1: memref<16xi32, #tpu.memory_space<smem>>) -> (i32, i32) {
    %get3A = arith.index_cast %arg0 : i32 to index
    %get3A_0 = memref.load %arg1[%get3A] : memref<16xi32, #tpu.memory_space<smem>>
    %add3A = arith.constant 1 : i32
    %add3A_1 = arith.addi %get3A_0, %add3A : i32
    %c0_i32 = arith.constant 0 : i32
    %c0_i32_2 = arith.constant 0 : i32
    return %c0_i32, %add3A_1 : i32, i32
  }
  func.func @transform_8(%arg0: i32, %arg1: memref<16xi32, #tpu.memory_space<smem>>) -> (i32, i32) {
    %get3A = arith.index_cast %arg0 : i32 to index
    %get3A_0 = memref.load %arg1[%get3A] : memref<16xi32, #tpu.memory_space<smem>>
    %add3A = arith.constant 2 : i32
    %add3A_1 = arith.addi %get3A_0, %add3A : i32
    %c0_i32 = arith.constant 0 : i32
    %c0_i32_2 = arith.constant 0 : i32
    return %c0_i32, %add3A_1 : i32, i32
  }
  func.func @transform_9(%arg0: i32, %arg1: memref<16xi32, #tpu.memory_space<smem>>) -> (i32, i32) {
    %get3A = arith.index_cast %arg0 : i32 to index
    %get3A_0 = memref.load %arg1[%get3A] : memref<16xi32, #tpu.memory_space<smem>>
    %c0_i32 = arith.constant 0 : i32
    %c0_i32_1 = arith.constant 0 : i32
    return %c0_i32, %get3A_0 : i32, i32
  }
  func.func @transform_10(%arg0: i32, %arg1: memref<16xi32, #tpu.memory_space<smem>>) -> (i32, i32) {
    %get3A = arith.index_cast %arg0 : i32 to index
    %get3A_0 = memref.load %arg1[%get3A] : memref<16xi32, #tpu.memory_space<smem>>
    %add3A = arith.constant 1 : i32
    %add3A_1 = arith.addi %get3A_0, %add3A : i32
    %c0_i32 = arith.constant 0 : i32
    %c0_i32_2 = arith.constant 0 : i32
    return %c0_i32, %add3A_1 : i32, i32
  }
  func.func @transform_11(%arg0: i32, %arg1: memref<16xi32, #tpu.memory_space<smem>>) -> (i32, i32) {
    %get3A = arith.index_cast %arg0 : i32 to index
    %get3A_0 = memref.load %arg1[%get3A] : memref<16xi32, #tpu.memory_space<smem>>
    %add3A = arith.constant 2 : i32
    %add3A_1 = arith.addi %get3A_0, %add3A : i32
    %c0_i32 = arith.constant 0 : i32
    %c0_i32_2 = arith.constant 0 : i32
    return %c0_i32, %add3A_1 : i32, i32
  }
  func.func @transform_12(%arg0: i32, %arg1: memref<16xi32, #tpu.memory_space<smem>>) -> (i32, i32) {
    %c0_i32 = arith.constant 0 : i32
    %c0_i32_0 = arith.constant 0 : i32
    return %arg0, %c0_i32 : i32, i32
  }
}

module attributes {stable_mosaic.version = 14 : i64} {
  func.func @_knn_body(%arg0: i32, %arg1: memref<256x256xf32, #tpu.memory_space<vmem>>, %arg2: memref<256x1xi32, #tpu.memory_space<vmem>>, %arg3: memref<4096x256xf32, #tpu.memory_space<vmem>>, %arg4: memref<1x4096xi32, #tpu.memory_space<vmem>>, %arg5: memref<256x1xf32, #tpu.memory_space<vmem>>, %arg6: memref<1x4096xf32, #tpu.memory_space<vmem>>, %arg7: memref<256x8xi32, #tpu.memory_space<vmem>>) attributes {dimension_semantics = [#tpu.dimension_semantics<arbitrary>], iteration_bounds = array<i64: 16>, scalar_prefetch = 0 : i64, scratch_operands = 0 : i64, tpu.core_type = #tpu.core_type<tc>, window_params = [{transform_indices = @transform_0, window_bounds = array<i64: 256, 256>}, {transform_indices = @transform_1, window_bounds = array<i64: 256, 1>}, {pipeline_mode = #tpu.pipeline_mode<synchronous>, transform_indices = @transform_2, window_bounds = array<i64: 4096, 256>}, {pipeline_mode = #tpu.pipeline_mode<synchronous>, transform_indices = @transform_3, window_bounds = array<i64: 1, 4096>}, {transform_indices = @transform_4, window_bounds = array<i64: 256, 1>}, {pipeline_mode = #tpu.pipeline_mode<synchronous>, transform_indices = @transform_5, window_bounds = array<i64: 1, 4096>}, {transform_indices = @transform_6, window_bounds = array<i64: 256, 8>}]} {
    %get3A = arith.constant 0 : index
    %get3A_0 = arith.constant 0 : index
    %get3A_1 = vector.load %arg1[%get3A, %get3A_0] : memref<256x256xf32, #tpu.memory_space<vmem>>, vector<256x256xf32>
    %get3A_2 = arith.constant 0 : index
    %get3A_3 = arith.constant 0 : index
    %get3A_4 = vector.load %arg3[%get3A_2, %get3A_3] : memref<4096x256xf32, #tpu.memory_space<vmem>>, vector<4096x256xf32>
    %dot_general3A = arith.constant dense<0.000000e+00> : vector<256x4096xf32>
    %dot_general3A_5 = tpu.matmul %get3A_1, %get3A_4, %dot_general3A {dimension_numbers = #tpu.dot_dimension_numbers<[1], [1], [0], [0], [0, 0, 1, 0], [], []>, transpose_lhs_hint = false} : vector<256x256xf32>, vector<4096x256xf32>, vector<256x4096xf32> -> vector<256x4096xf32>
    %get3A_6 = arith.constant 0 : index
    %get3A_7 = arith.constant 0 : index
    %get3A_8 = vector.load %arg5[%get3A_6, %get3A_7] : memref<256x1xf32, #tpu.memory_space<vmem>>, vector<256x1xf32>
    %get3A_9 = arith.constant 0 : index
    %get3A_10 = arith.constant 0 : index
    %get3A_11 = vector.load %arg6[%get3A_9, %get3A_10] : memref<1x4096xf32, #tpu.memory_space<vmem>>, vector<1x4096xf32>
    %add3A = vector.broadcast %get3A_8 : vector<256x1xf32> to vector<256x4096xf32>
    %add3A_12 = vector.broadcast %get3A_11 : vector<1x4096xf32> to vector<256x4096xf32>
    %add3A_13 = arith.addf %add3A, %add3A_12 : vector<256x4096xf32>
    %mul3A = arith.constant 2.000000e+00 : f32
    %mul3A_14 = vector.broadcast %mul3A : f32 to vector<256x4096xf32>
    %mul3A_15 = arith.mulf %mul3A_14, %dot_general3A_5 : vector<256x4096xf32>
    %sub3A = arith.subf %add3A_13, %mul3A_15 : vector<256x4096xf32>
    %get3A_16 = arith.constant 0 : index
    %get3A_17 = arith.constant 0 : index
    %get3A_18 = vector.load %arg2[%get3A_16, %get3A_17] : memref<256x1xi32, #tpu.memory_space<vmem>>, vector<256x1xi32>
    %get3A_19 = arith.constant 0 : index
    %get3A_20 = arith.constant 0 : index
    %get3A_21 = vector.load %arg4[%get3A_19, %get3A_20] : memref<1x4096xi32, #tpu.memory_space<vmem>>, vector<1x4096xi32>
    %ne3A = vector.broadcast %get3A_18 : vector<256x1xi32> to vector<256x4096xi32>
    %ne3A_22 = vector.broadcast %get3A_21 : vector<1x4096xi32> to vector<256x4096xi32>
    %ne3A_23 = arith.cmpi ne, %ne3A, %ne3A_22 : vector<256x4096xi32>
    %neg3A = arith.constant 0.000000e+00 : f32
    %neg3A_24 = vector.broadcast %neg3A : f32 to vector<256x4096xf32>
    %neg3A_25 = arith.subf %neg3A_24, %sub3A : vector<256x4096xf32>
    %jit3A = arith.constant -1.000000e+30 : f32
    %broadcast_in_dim3A = vector.broadcast %jit3A : f32 to vector<256x4096xf32>
    %select_n3A = arith.select %ne3A_23, %broadcast_in_dim3A, %neg3A_25 : vector<256x4096xi1>, vector<256x4096xf32>
    %iota3A = tpu.iota {dimensions = array<i32: 1>} : vector<256x4096xi32>
    %reduce_max3A = arith.constant dense<0xFF800000> : vector<256xf32>
    %reduce_max3A_26 = vector.multi_reduction <maximumf>, %select_n3A, %reduce_max3A [1] : vector<256x4096xf32> to vector<256xf32>
    %broadcast_in_dim3A_27 = vector.shape_cast %reduce_max3A_26 : vector<256xf32> to vector<256x1xf32>
    %eq3A = vector.broadcast %broadcast_in_dim3A_27 : vector<256x1xf32> to vector<256x4096xf32>
    %eq3A_28 = arith.cmpf oeq, %select_n3A, %eq3A : vector<256x4096xf32>
    %jit3A_29 = arith.constant 4096 : i32
    %broadcast_in_dim3A_30 = vector.broadcast %jit3A_29 : i32 to vector<256x4096xi32>
    %select_n3A_31 = arith.select %eq3A_28, %iota3A, %broadcast_in_dim3A_30 : vector<256x4096xi1>, vector<256x4096xi32>
    %reduce_min3A = arith.constant dense<2147483647> : vector<256xi32>
    %reduce_min3A_32 = vector.multi_reduction <minsi>, %select_n3A_31, %reduce_min3A [1] : vector<256x4096xi32> to vector<256xi32>
    %broadcast_in_dim3A_33 = vector.shape_cast %reduce_min3A_32 : vector<256xi32> to vector<256x1xi32>
    %eq3A_34 = vector.broadcast %broadcast_in_dim3A_33 : vector<256x1xi32> to vector<256x4096xi32>
    %eq3A_35 = arith.cmpi eq, %iota3A, %eq3A_34 : vector<256x4096xi32>
    %jit3A_36 = arith.constant 0xFF800000 : f32
    %broadcast_in_dim3A_37 = vector.broadcast %jit3A_36 : f32 to vector<256x4096xf32>
    %select_n3A_38 = arith.select %eq3A_35, %broadcast_in_dim3A_37, %select_n3A : vector<256x4096xi1>, vector<256x4096xf32>
    %reduce_max3A_39 = arith.constant dense<0xFF800000> : vector<256xf32>
    %reduce_max3A_40 = vector.multi_reduction <maximumf>, %select_n3A_38, %reduce_max3A_39 [1] : vector<256x4096xf32> to vector<256xf32>
    %broadcast_in_dim3A_41 = vector.shape_cast %reduce_max3A_40 : vector<256xf32> to vector<256x1xf32>
    %eq3A_42 = vector.broadcast %broadcast_in_dim3A_41 : vector<256x1xf32> to vector<256x4096xf32>
    %eq3A_43 = arith.cmpf oeq, %select_n3A_38, %eq3A_42 : vector<256x4096xf32>
    %jit3A_44 = arith.constant 4096 : i32
    %broadcast_in_dim3A_45 = vector.broadcast %jit3A_44 : i32 to vector<256x4096xi32>
    %select_n3A_46 = arith.select %eq3A_43, %iota3A, %broadcast_in_dim3A_45 : vector<256x4096xi1>, vector<256x4096xi32>
    %reduce_min3A_47 = arith.constant dense<2147483647> : vector<256xi32>
    %reduce_min3A_48 = vector.multi_reduction <minsi>, %select_n3A_46, %reduce_min3A_47 [1] : vector<256x4096xi32> to vector<256xi32>
    %broadcast_in_dim3A_49 = vector.shape_cast %reduce_min3A_48 : vector<256xi32> to vector<256x1xi32>
    %eq3A_50 = vector.broadcast %broadcast_in_dim3A_49 : vector<256x1xi32> to vector<256x4096xi32>
    %eq3A_51 = arith.cmpi eq, %iota3A, %eq3A_50 : vector<256x4096xi32>
    %jit3A_52 = arith.constant 0xFF800000 : f32
    %broadcast_in_dim3A_53 = vector.broadcast %jit3A_52 : f32 to vector<256x4096xf32>
    %select_n3A_54 = arith.select %eq3A_51, %broadcast_in_dim3A_53, %select_n3A_38 : vector<256x4096xi1>, vector<256x4096xf32>
    %reduce_max3A_55 = arith.constant dense<0xFF800000> : vector<256xf32>
    %reduce_max3A_56 = vector.multi_reduction <maximumf>, %select_n3A_54, %reduce_max3A_55 [1] : vector<256x4096xf32> to vector<256xf32>
    %broadcast_in_dim3A_57 = vector.shape_cast %reduce_max3A_56 : vector<256xf32> to vector<256x1xf32>
    %eq3A_58 = vector.broadcast %broadcast_in_dim3A_57 : vector<256x1xf32> to vector<256x4096xf32>
    %eq3A_59 = arith.cmpf oeq, %select_n3A_54, %eq3A_58 : vector<256x4096xf32>
    %jit3A_60 = arith.constant 4096 : i32
    %broadcast_in_dim3A_61 = vector.broadcast %jit3A_60 : i32 to vector<256x4096xi32>
    %select_n3A_62 = arith.select %eq3A_59, %iota3A, %broadcast_in_dim3A_61 : vector<256x4096xi1>, vector<256x4096xi32>
    %reduce_min3A_63 = arith.constant dense<2147483647> : vector<256xi32>
    %reduce_min3A_64 = vector.multi_reduction <minsi>, %select_n3A_62, %reduce_min3A_63 [1] : vector<256x4096xi32> to vector<256xi32>
    %broadcast_in_dim3A_65 = vector.shape_cast %reduce_min3A_64 : vector<256xi32> to vector<256x1xi32>
    %eq3A_66 = vector.broadcast %broadcast_in_dim3A_65 : vector<256x1xi32> to vector<256x4096xi32>
    %eq3A_67 = arith.cmpi eq, %iota3A, %eq3A_66 : vector<256x4096xi32>
    %jit3A_68 = arith.constant 0xFF800000 : f32
    %broadcast_in_dim3A_69 = vector.broadcast %jit3A_68 : f32 to vector<256x4096xf32>
    %select_n3A_70 = arith.select %eq3A_67, %broadcast_in_dim3A_69, %select_n3A_54 : vector<256x4096xi1>, vector<256x4096xf32>
    %reduce_max3A_71 = arith.constant dense<0xFF800000> : vector<256xf32>
    %reduce_max3A_72 = vector.multi_reduction <maximumf>, %select_n3A_70, %reduce_max3A_71 [1] : vector<256x4096xf32> to vector<256xf32>
    %broadcast_in_dim3A_73 = vector.shape_cast %reduce_max3A_72 : vector<256xf32> to vector<256x1xf32>
    %eq3A_74 = vector.broadcast %broadcast_in_dim3A_73 : vector<256x1xf32> to vector<256x4096xf32>
    %eq3A_75 = arith.cmpf oeq, %select_n3A_70, %eq3A_74 : vector<256x4096xf32>
    %jit3A_76 = arith.constant 4096 : i32
    %broadcast_in_dim3A_77 = vector.broadcast %jit3A_76 : i32 to vector<256x4096xi32>
    %select_n3A_78 = arith.select %eq3A_75, %iota3A, %broadcast_in_dim3A_77 : vector<256x4096xi1>, vector<256x4096xi32>
    %reduce_min3A_79 = arith.constant dense<2147483647> : vector<256xi32>
    %reduce_min3A_80 = vector.multi_reduction <minsi>, %select_n3A_78, %reduce_min3A_79 [1] : vector<256x4096xi32> to vector<256xi32>
    %broadcast_in_dim3A_81 = vector.shape_cast %reduce_min3A_80 : vector<256xi32> to vector<256x1xi32>
    %eq3A_82 = vector.broadcast %broadcast_in_dim3A_81 : vector<256x1xi32> to vector<256x4096xi32>
    %eq3A_83 = arith.cmpi eq, %iota3A, %eq3A_82 : vector<256x4096xi32>
    %jit3A_84 = arith.constant 0xFF800000 : f32
    %broadcast_in_dim3A_85 = vector.broadcast %jit3A_84 : f32 to vector<256x4096xf32>
    %select_n3A_86 = arith.select %eq3A_83, %broadcast_in_dim3A_85, %select_n3A_70 : vector<256x4096xi1>, vector<256x4096xf32>
    %reduce_max3A_87 = arith.constant dense<0xFF800000> : vector<256xf32>
    %reduce_max3A_88 = vector.multi_reduction <maximumf>, %select_n3A_86, %reduce_max3A_87 [1] : vector<256x4096xf32> to vector<256xf32>
    %broadcast_in_dim3A_89 = vector.shape_cast %reduce_max3A_88 : vector<256xf32> to vector<256x1xf32>
    %eq3A_90 = vector.broadcast %broadcast_in_dim3A_89 : vector<256x1xf32> to vector<256x4096xf32>
    %eq3A_91 = arith.cmpf oeq, %select_n3A_86, %eq3A_90 : vector<256x4096xf32>
    %jit3A_92 = arith.constant 4096 : i32
    %broadcast_in_dim3A_93 = vector.broadcast %jit3A_92 : i32 to vector<256x4096xi32>
    %select_n3A_94 = arith.select %eq3A_91, %iota3A, %broadcast_in_dim3A_93 : vector<256x4096xi1>, vector<256x4096xi32>
    %reduce_min3A_95 = arith.constant dense<2147483647> : vector<256xi32>
    %reduce_min3A_96 = vector.multi_reduction <minsi>, %select_n3A_94, %reduce_min3A_95 [1] : vector<256x4096xi32> to vector<256xi32>
    %broadcast_in_dim3A_97 = vector.shape_cast %reduce_min3A_96 : vector<256xi32> to vector<256x1xi32>
    %eq3A_98 = vector.broadcast %broadcast_in_dim3A_97 : vector<256x1xi32> to vector<256x4096xi32>
    %eq3A_99 = arith.cmpi eq, %iota3A, %eq3A_98 : vector<256x4096xi32>
    %jit3A_100 = arith.constant 0xFF800000 : f32
    %broadcast_in_dim3A_101 = vector.broadcast %jit3A_100 : f32 to vector<256x4096xf32>
    %select_n3A_102 = arith.select %eq3A_99, %broadcast_in_dim3A_101, %select_n3A_86 : vector<256x4096xi1>, vector<256x4096xf32>
    %reduce_max3A_103 = arith.constant dense<0xFF800000> : vector<256xf32>
    %reduce_max3A_104 = vector.multi_reduction <maximumf>, %select_n3A_102, %reduce_max3A_103 [1] : vector<256x4096xf32> to vector<256xf32>
    %broadcast_in_dim3A_105 = vector.shape_cast %reduce_max3A_104 : vector<256xf32> to vector<256x1xf32>
    %eq3A_106 = vector.broadcast %broadcast_in_dim3A_105 : vector<256x1xf32> to vector<256x4096xf32>
    %eq3A_107 = arith.cmpf oeq, %select_n3A_102, %eq3A_106 : vector<256x4096xf32>
    %jit3A_108 = arith.constant 4096 : i32
    %broadcast_in_dim3A_109 = vector.broadcast %jit3A_108 : i32 to vector<256x4096xi32>
    %select_n3A_110 = arith.select %eq3A_107, %iota3A, %broadcast_in_dim3A_109 : vector<256x4096xi1>, vector<256x4096xi32>
    %reduce_min3A_111 = arith.constant dense<2147483647> : vector<256xi32>
    %reduce_min3A_112 = vector.multi_reduction <minsi>, %select_n3A_110, %reduce_min3A_111 [1] : vector<256x4096xi32> to vector<256xi32>
    %broadcast_in_dim3A_113 = vector.shape_cast %reduce_min3A_112 : vector<256xi32> to vector<256x1xi32>
    %eq3A_114 = vector.broadcast %broadcast_in_dim3A_113 : vector<256x1xi32> to vector<256x4096xi32>
    %eq3A_115 = arith.cmpi eq, %iota3A, %eq3A_114 : vector<256x4096xi32>
    %jit3A_116 = arith.constant 0xFF800000 : f32
    %broadcast_in_dim3A_117 = vector.broadcast %jit3A_116 : f32 to vector<256x4096xf32>
    %select_n3A_118 = arith.select %eq3A_115, %broadcast_in_dim3A_117, %select_n3A_102 : vector<256x4096xi1>, vector<256x4096xf32>
    %reduce_max3A_119 = arith.constant dense<0xFF800000> : vector<256xf32>
    %reduce_max3A_120 = vector.multi_reduction <maximumf>, %select_n3A_118, %reduce_max3A_119 [1] : vector<256x4096xf32> to vector<256xf32>
    %broadcast_in_dim3A_121 = vector.shape_cast %reduce_max3A_120 : vector<256xf32> to vector<256x1xf32>
    %eq3A_122 = vector.broadcast %broadcast_in_dim3A_121 : vector<256x1xf32> to vector<256x4096xf32>
    %eq3A_123 = arith.cmpf oeq, %select_n3A_118, %eq3A_122 : vector<256x4096xf32>
    %jit3A_124 = arith.constant 4096 : i32
    %broadcast_in_dim3A_125 = vector.broadcast %jit3A_124 : i32 to vector<256x4096xi32>
    %select_n3A_126 = arith.select %eq3A_123, %iota3A, %broadcast_in_dim3A_125 : vector<256x4096xi1>, vector<256x4096xi32>
    %reduce_min3A_127 = arith.constant dense<2147483647> : vector<256xi32>
    %reduce_min3A_128 = vector.multi_reduction <minsi>, %select_n3A_126, %reduce_min3A_127 [1] : vector<256x4096xi32> to vector<256xi32>
    %broadcast_in_dim3A_129 = vector.shape_cast %reduce_min3A_128 : vector<256xi32> to vector<256x1xi32>
    %eq3A_130 = vector.broadcast %broadcast_in_dim3A_129 : vector<256x1xi32> to vector<256x4096xi32>
    %eq3A_131 = arith.cmpi eq, %iota3A, %eq3A_130 : vector<256x4096xi32>
    %jit3A_132 = arith.constant 0xFF800000 : f32
    %broadcast_in_dim3A_133 = vector.broadcast %jit3A_132 : f32 to vector<256x4096xf32>
    %select_n3A_134 = arith.select %eq3A_131, %broadcast_in_dim3A_133, %select_n3A_118 : vector<256x4096xi1>, vector<256x4096xf32>
    %reduce_max3A_135 = arith.constant dense<0xFF800000> : vector<256xf32>
    %reduce_max3A_136 = vector.multi_reduction <maximumf>, %select_n3A_134, %reduce_max3A_135 [1] : vector<256x4096xf32> to vector<256xf32>
    %broadcast_in_dim3A_137 = vector.shape_cast %reduce_max3A_136 : vector<256xf32> to vector<256x1xf32>
    %eq3A_138 = vector.broadcast %broadcast_in_dim3A_137 : vector<256x1xf32> to vector<256x4096xf32>
    %eq3A_139 = arith.cmpf oeq, %select_n3A_134, %eq3A_138 : vector<256x4096xf32>
    %jit3A_140 = arith.constant 4096 : i32
    %broadcast_in_dim3A_141 = vector.broadcast %jit3A_140 : i32 to vector<256x4096xi32>
    %select_n3A_142 = arith.select %eq3A_139, %iota3A, %broadcast_in_dim3A_141 : vector<256x4096xi1>, vector<256x4096xi32>
    %reduce_min3A_143 = arith.constant dense<2147483647> : vector<256xi32>
    %reduce_min3A_144 = vector.multi_reduction <minsi>, %select_n3A_142, %reduce_min3A_143 [1] : vector<256x4096xi32> to vector<256xi32>
    %broadcast_in_dim3A_145 = vector.shape_cast %reduce_min3A_144 : vector<256xi32> to vector<256x1xi32>
    %concatenate3A = tpu.concatenate %broadcast_in_dim3A_33, %broadcast_in_dim3A_49, %broadcast_in_dim3A_65, %broadcast_in_dim3A_81, %broadcast_in_dim3A_97, %broadcast_in_dim3A_113, %broadcast_in_dim3A_129, %broadcast_in_dim3A_145 in 1 : vector<256x1xi32>, vector<256x1xi32>, vector<256x1xi32>, vector<256x1xi32>, vector<256x1xi32>, vector<256x1xi32>, vector<256x1xi32>, vector<256x1xi32> -> vector<256x8xi32>
    %swap3A = arith.constant 0 : index
    %swap3A_146 = arith.constant 0 : index
    %swap3A_147 = vector.load %arg7[%swap3A, %swap3A_146] : memref<256x8xi32, #tpu.memory_space<vmem>>, vector<256x8xi32>
    tpu.vector_store %arg7[%swap3A, %swap3A_146], %concatenate3A {strides = array<i32>} : memref<256x8xi32, #tpu.memory_space<vmem>>, vector<256x8xi32>,
    return
  }
  func.func @transform_0(%arg0: i32) -> (i32, i32) {
    %c0_i32 = arith.constant 0 : i32
    %c0_i32_0 = arith.constant 0 : i32
    return %arg0, %c0_i32 : i32, i32
  }
  func.func @transform_1(%arg0: i32) -> (i32, i32) {
    %c0_i32 = arith.constant 0 : i32
    %c0_i32_0 = arith.constant 0 : i32
    return %arg0, %c0_i32 : i32, i32
  }
  func.func @transform_2(%arg0: i32) -> (i32, i32) {
    %c0_i32 = arith.constant 0 : i32
    %c0_i32_0 = arith.constant 0 : i32
    %c0_i32_1 = arith.constant 0 : i32
    return %c0_i32, %c0_i32_0 : i32, i32
  }
  func.func @transform_3(%arg0: i32) -> (i32, i32) {
    %c0_i32 = arith.constant 0 : i32
    %c0_i32_0 = arith.constant 0 : i32
    %c0_i32_1 = arith.constant 0 : i32
    return %c0_i32, %c0_i32_0 : i32, i32
  }
  func.func @transform_4(%arg0: i32) -> (i32, i32) {
    %c0_i32 = arith.constant 0 : i32
    %c0_i32_0 = arith.constant 0 : i32
    return %arg0, %c0_i32 : i32, i32
  }
  func.func @transform_5(%arg0: i32) -> (i32, i32) {
    %c0_i32 = arith.constant 0 : i32
    %c0_i32_0 = arith.constant 0 : i32
    %c0_i32_1 = arith.constant 0 : i32
    return %c0_i32, %c0_i32_0 : i32, i32
  }
  func.func @transform_6(%arg0: i32) -> (i32, i32) {
    %c0_i32 = arith.constant 0 : i32
    %c0_i32_0 = arith.constant 0 : i32
    return %arg0, %c0_i32 : i32, i32
  }
}

module attributes {stable_mosaic.version = 14 : i64} {
  func.func @_edge_body(%arg0: i32, %arg1: memref<8x256x256xf32, #tpu.memory_space<vmem>>, %arg2: memref<256x256xf32, #tpu.memory_space<vmem>>, %arg3: memref<1x1x256xf32, #tpu.memory_space<vmem>>, %arg4: memref<1x256xf32, #tpu.memory_space<vmem>>, %arg5: memref<1x256xf32, #tpu.memory_space<vmem>>, %arg6: memref<256x256xf32, #tpu.memory_space<vmem>>, %arg7: memref<1x256xf32, #tpu.memory_space<vmem>>, %arg8: memref<256x1xi32, #tpu.memory_space<vmem>>, %arg9: memref<256x256xf32, #tpu.memory_space<vmem>>, %arg10: memref<1x256xf32, #tpu.memory_space<vmem>>, %arg11: memref<256x256xf32, #tpu.memory_space<vmem>>, %arg12: memref<1x256xf32, #tpu.memory_space<vmem>>, %arg13: memref<16x256xf32, #tpu.memory_space<vmem>>, %arg14: memref<8x256xf32, #tpu.memory_space<vmem>>, %arg15: memref<8x256xf32, #tpu.memory_space<vmem>>, %arg16: memref<128x256xf32, #tpu.memory_space<vmem>>) attributes {dimension_semantics = [#tpu.dimension_semantics<arbitrary>], iteration_bounds = array<i64: 32>, scalar_prefetch = 0 : i64, scratch_operands = 3 : i64, tpu.core_type = #tpu.core_type<tc>, window_params = [{transform_indices = @transform_0, window_bounds = array<i64: 8, 256, 256>}, {transform_indices = @transform_1, window_bounds = array<i64: 256, 256>}, {pipeline_mode = #tpu.pipeline_mode<synchronous>, transform_indices = @transform_2, window_bounds = array<i64: 1, 1, 256>}, {pipeline_mode = #tpu.pipeline_mode<synchronous>, transform_indices = @transform_3, window_bounds = array<i64: 1, 256>}, {pipeline_mode = #tpu.pipeline_mode<synchronous>, transform_indices = @transform_4, window_bounds = array<i64: 1, 256>}, {pipeline_mode = #tpu.pipeline_mode<synchronous>, transform_indices = @transform_5, window_bounds = array<i64: 256, 256>}, {pipeline_mode = #tpu.pipeline_mode<synchronous>, transform_indices = @transform_6, window_bounds = array<i64: 1, 256>}, {transform_indices = @transform_7, window_bounds = array<i64: 256, 1>}, {pipeline_mode = #tpu.pipeline_mode<synchronous>, transform_indices = @transform_8, window_bounds = array<i64: 256, 256>}, {pipeline_mode = #tpu.pipeline_mode<synchronous>, transform_indices = @transform_9, window_bounds = array<i64: 1, 256>}, {pipeline_mode = #tpu.pipeline_mode<synchronous>, transform_indices = @transform_10, window_bounds = array<i64: 256, 256>}, {pipeline_mode = #tpu.pipeline_mode<synchronous>, transform_indices = @transform_11, window_bounds = array<i64: 1, 256>}, {pipeline_mode = #tpu.pipeline_mode<synchronous>, transform_indices = @transform_12, window_bounds = array<i64: 16, 256>}]} {
    %get3A = arith.constant 0 : index
    %get3A_0 = arith.constant 0 : index
    %get3A_1 = arith.constant 0 : index
    %get3A_2 = vector.load %arg1[%get3A, %get3A_0, %get3A_1] : memref<8x256x256xf32, #tpu.memory_space<vmem>>, vector<8x256x256xf32>
    %get3A_3 = arith.constant 0 : index
    %get3A_4 = arith.constant 0 : index
    %get3A_5 = vector.load %arg2[%get3A_3, %get3A_4] : memref<256x256xf32, #tpu.memory_space<vmem>>, vector<256x256xf32>
    %reshape3A = vector.shape_cast %get3A_5 : vector<256x256xf32> to vector<1x256x256xf32>
    %add3A = vector.broadcast %reshape3A : vector<1x256x256xf32> to vector<8x256x256xf32>
    %add3A_6 = arith.addf %get3A_2, %add3A : vector<8x256x256xf32>
    %get3A_7 = arith.constant 0 : index
    %get3A_8 = arith.constant 0 : index
    %get3A_9 = arith.constant 0 : index
    %get3A_10 = vector.load %arg3[%get3A_7, %get3A_8, %get3A_9] : memref<1x1x256xf32, #tpu.memory_space<vmem>>, vector<1x1x256xf32>
    %add3A_11 = vector.broadcast %get3A_10 : vector<1x1x256xf32> to vector<8x256x256xf32>
    %add3A_12 = arith.addf %add3A_6, %add3A_11 : vector<8x256x256xf32>
    %max3A = arith.constant 0.000000e+00 : f32
    %max3A_13 = vector.broadcast %max3A : f32 to vector<8x256x256xf32>
    %max3A_14 = arith.maximumf %add3A_12, %max3A_13 : vector<8x256x256xf32>
    %eq3A = arith.constant 0 : i32
    %eq3A_15 = arith.cmpi eq, %arg0, %eq3A : i32
    %convert_element_type3A = arith.extui %eq3A_15 : i1 to i32
    %cond3A = arith.constant 0 : i32
    %cond3A_16 = arith.cmpi ne, %convert_element_type3A, %cond3A : i32
    scf.if %cond3A_16 {
      %broadcast_in_dim3A = arith.constant 0.000000e+00 : f32
      %broadcast_in_dim3A_30 = vector.broadcast %broadcast_in_dim3A : f32 to vector<8x256xf32>
      %swap3A = arith.constant 0 : index
      %swap3A_31 = arith.constant 0 : index
      %swap3A_32 = vector.load %arg14[%swap3A, %swap3A_31] : memref<8x256xf32, #tpu.memory_space<vmem>>, vector<8x256xf32>
      tpu.vector_store %arg14[%swap3A, %swap3A_31], %broadcast_in_dim3A_30 {strides = array<i32>} : memref<8x256xf32, #tpu.memory_space<vmem>>, vector<8x256xf32>,
      %broadcast_in_dim3A_33 = arith.constant 0.000000e+00 : f32
      %broadcast_in_dim3A_34 = vector.broadcast %broadcast_in_dim3A_33 : f32 to vector<8x256xf32>
      %swap3A_35 = arith.constant 0 : index
      %swap3A_36 = arith.constant 0 : index
      %swap3A_37 = vector.load %arg15[%swap3A_35, %swap3A_36] : memref<8x256xf32, #tpu.memory_space<vmem>>, vector<8x256xf32>
      tpu.vector_store %arg15[%swap3A_35, %swap3A_36], %broadcast_in_dim3A_34 {strides = array<i32>} : memref<8x256xf32, #tpu.memory_space<vmem>>, vector<8x256xf32>,
      %broadcast_in_dim3A_38 = arith.constant 0xFF800000 : f32
      %broadcast_in_dim3A_39 = vector.broadcast %broadcast_in_dim3A_38 : f32 to vector<128x256xf32>
      %swap3A_40 = arith.constant 0 : index
      %swap3A_41 = arith.constant 0 : index
      %swap3A_42 = vector.load %arg16[%swap3A_40, %swap3A_41] : memref<128x256xf32, #tpu.memory_space<vmem>>, vector<128x256xf32>
      tpu.vector_store %arg16[%swap3A_40, %swap3A_41], %broadcast_in_dim3A_39 {strides = array<i32>} : memref<128x256xf32, #tpu.memory_space<vmem>>, vector<128x256xf32>,
    } else {
    }
    %lt3A = arith.constant 16 : i32
    %lt3A_17 = arith.cmpi slt, %arg0, %lt3A : i32
    %convert_element_type3A_18 = arith.extui %lt3A_17 : i1 to i32
    %cond3A_19 = arith.constant 0 : i32
    %cond3A_20 = arith.cmpi ne, %convert_element_type3A_18, %cond3A_19 : i32
    scf.if %cond3A_20 {
      %slice3A = vector.extract_strided_slice %max3A_14 {offsets = [0, 0, 0], sizes = [1, 256, 256], strides = [1, 1, 1]} : vector<8x256x256xf32> to vector<1x256x256xf32>
      %squeeze3A = vector.shape_cast %slice3A : vector<1x256x256xf32> to vector<256x256xf32>
      %slice3A_30 = vector.extract_strided_slice %max3A_14 {offsets = [1, 0, 0], sizes = [1, 256, 256], strides = [1, 1, 1]} : vector<8x256x256xf32> to vector<1x256x256xf32>
      %squeeze3A_31 = vector.shape_cast %slice3A_30 : vector<1x256x256xf32> to vector<256x256xf32>
      %slice3A_32 = vector.extract_strided_slice %max3A_14 {offsets = [2, 0, 0], sizes = [1, 256, 256], strides = [1, 1, 1]} : vector<8x256x256xf32> to vector<1x256x256xf32>
      %squeeze3A_33 = vector.shape_cast %slice3A_32 : vector<1x256x256xf32> to vector<256x256xf32>
      %slice3A_34 = vector.extract_strided_slice %max3A_14 {offsets = [3, 0, 0], sizes = [1, 256, 256], strides = [1, 1, 1]} : vector<8x256x256xf32> to vector<1x256x256xf32>
      %squeeze3A_35 = vector.shape_cast %slice3A_34 : vector<1x256x256xf32> to vector<256x256xf32>
      %slice3A_36 = vector.extract_strided_slice %max3A_14 {offsets = [4, 0, 0], sizes = [1, 256, 256], strides = [1, 1, 1]} : vector<8x256x256xf32> to vector<1x256x256xf32>
      %squeeze3A_37 = vector.shape_cast %slice3A_36 : vector<1x256x256xf32> to vector<256x256xf32>
      %slice3A_38 = vector.extract_strided_slice %max3A_14 {offsets = [5, 0, 0], sizes = [1, 256, 256], strides = [1, 1, 1]} : vector<8x256x256xf32> to vector<1x256x256xf32>
      %squeeze3A_39 = vector.shape_cast %slice3A_38 : vector<1x256x256xf32> to vector<256x256xf32>
      %slice3A_40 = vector.extract_strided_slice %max3A_14 {offsets = [6, 0, 0], sizes = [1, 256, 256], strides = [1, 1, 1]} : vector<8x256x256xf32> to vector<1x256x256xf32>
      %squeeze3A_41 = vector.shape_cast %slice3A_40 : vector<1x256x256xf32> to vector<256x256xf32>
      %slice3A_42 = vector.extract_strided_slice %max3A_14 {offsets = [7, 0, 0], sizes = [1, 256, 256], strides = [1, 1, 1]} : vector<8x256x256xf32> to vector<1x256x256xf32>
      %squeeze3A_43 = vector.shape_cast %slice3A_42 : vector<1x256x256xf32> to vector<256x256xf32>
      %add3A_44 = arith.addf %squeeze3A, %squeeze3A_31 : vector<256x256xf32>
      %add3A_45 = arith.addf %add3A_44, %squeeze3A_33 : vector<256x256xf32>
      %add3A_46 = arith.addf %add3A_45, %squeeze3A_35 : vector<256x256xf32>
      %add3A_47 = arith.addf %add3A_46, %squeeze3A_37 : vector<256x256xf32>
      %add3A_48 = arith.addf %add3A_47, %squeeze3A_39 : vector<256x256xf32>
      %add3A_49 = arith.addf %add3A_48, %squeeze3A_41 : vector<256x256xf32>
      %add3A_50 = arith.addf %add3A_49, %squeeze3A_43 : vector<256x256xf32>
      %slice3A_51 = vector.extract_strided_slice %max3A_14 {offsets = [0, 0, 0], sizes = [1, 256, 256], strides = [1, 1, 1]} : vector<8x256x256xf32> to vector<1x256x256xf32>
      %squeeze3A_52 = vector.shape_cast %slice3A_51 : vector<1x256x256xf32> to vector<256x256xf32>
      %slice3A_53 = vector.extract_strided_slice %max3A_14 {offsets = [0, 0, 0], sizes = [1, 256, 256], strides = [1, 1, 1]} : vector<8x256x256xf32> to vector<1x256x256xf32>
      %squeeze3A_54 = vector.shape_cast %slice3A_53 : vector<1x256x256xf32> to vector<256x256xf32>
      %mul3A = arith.mulf %squeeze3A_52, %squeeze3A_54 : vector<256x256xf32>
      %slice3A_55 = vector.extract_strided_slice %max3A_14 {offsets = [1, 0, 0], sizes = [1, 256, 256], strides = [1, 1, 1]} : vector<8x256x256xf32> to vector<1x256x256xf32>
      %squeeze3A_56 = vector.shape_cast %slice3A_55 : vector<1x256x256xf32> to vector<256x256xf32>
      %slice3A_57 = vector.extract_strided_slice %max3A_14 {offsets = [1, 0, 0], sizes = [1, 256, 256], strides = [1, 1, 1]} : vector<8x256x256xf32> to vector<1x256x256xf32>
      %squeeze3A_58 = vector.shape_cast %slice3A_57 : vector<1x256x256xf32> to vector<256x256xf32>
      %mul3A_59 = arith.mulf %squeeze3A_56, %squeeze3A_58 : vector<256x256xf32>
      %slice3A_60 = vector.extract_strided_slice %max3A_14 {offsets = [2, 0, 0], sizes = [1, 256, 256], strides = [1, 1, 1]} : vector<8x256x256xf32> to vector<1x256x256xf32>
      %squeeze3A_61 = vector.shape_cast %slice3A_60 : vector<1x256x256xf32> to vector<256x256xf32>
      %slice3A_62 = vector.extract_strided_slice %max3A_14 {offsets = [2, 0, 0], sizes = [1, 256, 256], strides = [1, 1, 1]} : vector<8x256x256xf32> to vector<1x256x256xf32>
      %squeeze3A_63 = vector.shape_cast %slice3A_62 : vector<1x256x256xf32> to vector<256x256xf32>
      %mul3A_64 = arith.mulf %squeeze3A_61, %squeeze3A_63 : vector<256x256xf32>
      %slice3A_65 = vector.extract_strided_slice %max3A_14 {offsets = [3, 0, 0], sizes = [1, 256, 256], strides = [1, 1, 1]} : vector<8x256x256xf32> to vector<1x256x256xf32>
      %squeeze3A_66 = vector.shape_cast %slice3A_65 : vector<1x256x256xf32> to vector<256x256xf32>
      %slice3A_67 = vector.extract_strided_slice %max3A_14 {offsets = [3, 0, 0], sizes = [1, 256, 256], strides = [1, 1, 1]} : vector<8x256x256xf32> to vector<1x256x256xf32>
      %squeeze3A_68 = vector.shape_cast %slice3A_67 : vector<1x256x256xf32> to vector<256x256xf32>
      %mul3A_69 = arith.mulf %squeeze3A_66, %squeeze3A_68 : vector<256x256xf32>
      %slice3A_70 = vector.extract_strided_slice %max3A_14 {offsets = [4, 0, 0], sizes = [1, 256, 256], strides = [1, 1, 1]} : vector<8x256x256xf32> to vector<1x256x256xf32>
      %squeeze3A_71 = vector.shape_cast %slice3A_70 : vector<1x256x256xf32> to vector<256x256xf32>
      %slice3A_72 = vector.extract_strided_slice %max3A_14 {offsets = [4, 0, 0], sizes = [1, 256, 256], strides = [1, 1, 1]} : vector<8x256x256xf32> to vector<1x256x256xf32>
      %squeeze3A_73 = vector.shape_cast %slice3A_72 : vector<1x256x256xf32> to vector<256x256xf32>
      %mul3A_74 = arith.mulf %squeeze3A_71, %squeeze3A_73 : vector<256x256xf32>
      %slice3A_75 = vector.extract_strided_slice %max3A_14 {offsets = [5, 0, 0], sizes = [1, 256, 256], strides = [1, 1, 1]} : vector<8x256x256xf32> to vector<1x256x256xf32>
      %squeeze3A_76 = vector.shape_cast %slice3A_75 : vector<1x256x256xf32> to vector<256x256xf32>
      %slice3A_77 = vector.extract_strided_slice %max3A_14 {offsets = [5, 0, 0], sizes = [1, 256, 256], strides = [1, 1, 1]} : vector<8x256x256xf32> to vector<1x256x256xf32>
      %squeeze3A_78 = vector.shape_cast %slice3A_77 : vector<1x256x256xf32> to vector<256x256xf32>
      %mul3A_79 = arith.mulf %squeeze3A_76, %squeeze3A_78 : vector<256x256xf32>
      %slice3A_80 = vector.extract_strided_slice %max3A_14 {offsets = [6, 0, 0], sizes = [1, 256, 256], strides = [1, 1, 1]} : vector<8x256x256xf32> to vector<1x256x256xf32>
      %squeeze3A_81 = vector.shape_cast %slice3A_80 : vector<1x256x256xf32> to vector<256x256xf32>
      %slice3A_82 = vector.extract_strided_slice %max3A_14 {offsets = [6, 0, 0], sizes = [1, 256, 256], strides = [1, 1, 1]} : vector<8x256x256xf32> to vector<1x256x256xf32>
      %squeeze3A_83 = vector.shape_cast %slice3A_82 : vector<1x256x256xf32> to vector<256x256xf32>
      %mul3A_84 = arith.mulf %squeeze3A_81, %squeeze3A_83 : vector<256x256xf32>
      %slice3A_85 = vector.extract_strided_slice %max3A_14 {offsets = [7, 0, 0], sizes = [1, 256, 256], strides = [1, 1, 1]} : vector<8x256x256xf32> to vector<1x256x256xf32>
      %squeeze3A_86 = vector.shape_cast %slice3A_85 : vector<1x256x256xf32> to vector<256x256xf32>
      %slice3A_87 = vector.extract_strided_slice %max3A_14 {offsets = [7, 0, 0], sizes = [1, 256, 256], strides = [1, 1, 1]} : vector<8x256x256xf32> to vector<1x256x256xf32>
      %squeeze3A_88 = vector.shape_cast %slice3A_87 : vector<1x256x256xf32> to vector<256x256xf32>
      %mul3A_89 = arith.mulf %squeeze3A_86, %squeeze3A_88 : vector<256x256xf32>
      %add3A_90 = arith.addf %mul3A, %mul3A_59 : vector<256x256xf32>
      %add3A_91 = arith.addf %add3A_90, %mul3A_64 : vector<256x256xf32>
      %add3A_92 = arith.addf %add3A_91, %mul3A_69 : vector<256x256xf32>
      %add3A_93 = arith.addf %add3A_92, %mul3A_74 : vector<256x256xf32>
      %add3A_94 = arith.addf %add3A_93, %mul3A_79 : vector<256x256xf32>
      %add3A_95 = arith.addf %add3A_94, %mul3A_84 : vector<256x256xf32>
      %add3A_96 = arith.addf %add3A_95, %mul3A_89 : vector<256x256xf32>
      %get3A_97 = arith.constant 0 : index
      %get3A_98 = arith.constant 0 : index
      %get3A_99 = vector.load %arg14[%get3A_97, %get3A_98] : memref<8x256xf32, #tpu.memory_space<vmem>>, vector<8x256xf32>
      %reshape3A_100 = vector.shape_cast %add3A_50 : vector<256x256xf32> to vector<32x8x256xf32>
      %reduce_sum3A = arith.constant dense<0.000000e+00> : vector<8x256xf32>
      %reduce_sum3A_101 = vector.multi_reduction <add>, %reshape3A_100, %reduce_sum3A [0] : vector<32x8x256xf32> to vector<8x256xf32>
      %add3A_102 = arith.addf %get3A_99, %reduce_sum3A_101 : vector<8x256xf32>
      %swap3A = arith.constant 0 : index
      %swap3A_103 = arith.constant 0 : index
      %swap3A_104 = vector.load %arg14[%swap3A, %swap3A_103] : memref<8x256xf32, #tpu.memory_space<vmem>>, vector<8x256xf32>
      tpu.vector_store %arg14[%swap3A, %swap3A_103], %add3A_102 {strides = array<i32>} : memref<8x256xf32, #tpu.memory_space<vmem>>, vector<8x256xf32>,
      %get3A_105 = arith.constant 0 : index
      %get3A_106 = arith.constant 0 : index
      %get3A_107 = vector.load %arg15[%get3A_105, %get3A_106] : memref<8x256xf32, #tpu.memory_space<vmem>>, vector<8x256xf32>
      %reshape3A_108 = vector.shape_cast %add3A_96 : vector<256x256xf32> to vector<32x8x256xf32>
      %reduce_sum3A_109 = arith.constant dense<0.000000e+00> : vector<8x256xf32>
      %reduce_sum3A_110 = vector.multi_reduction <add>, %reshape3A_108, %reduce_sum3A_109 [0] : vector<32x8x256xf32> to vector<8x256xf32>
      %add3A_111 = arith.addf %get3A_107, %reduce_sum3A_110 : vector<8x256xf32>
      %swap3A_112 = arith.constant 0 : index
      %swap3A_113 = arith.constant 0 : index
      %swap3A_114 = vector.load %arg15[%swap3A_112, %swap3A_113] : memref<8x256xf32, #tpu.memory_space<vmem>>, vector<8x256xf32>
      tpu.vector_store %arg15[%swap3A_112, %swap3A_113], %add3A_111 {strides = array<i32>} : memref<8x256xf32, #tpu.memory_space<vmem>>, vector<8x256xf32>,
    } else {
    }
    %ge3A = arith.constant 16 : i32
    %ge3A_21 = arith.cmpi sge, %arg0, %ge3A : i32
    %convert_element_type3A_22 = arith.extui %ge3A_21 : i1 to i32
    %cond3A_23 = arith.constant 0 : i32
    %cond3A_24 = arith.cmpi ne, %convert_element_type3A_22, %cond3A_23 : i32
    scf.if %cond3A_24 {
      %get3A_30 = arith.constant 0 : index
      %get3A_31 = arith.constant 0 : index
      %get3A_32 = vector.load %arg14[%get3A_30, %get3A_31] : memref<8x256xf32, #tpu.memory_space<vmem>>, vector<8x256xf32>
      %reduce_sum3A = arith.constant dense<0.000000e+00> : vector<256xf32>
      %reduce_sum3A_33 = vector.multi_reduction <add>, %get3A_32, %reduce_sum3A [0] : vector<8x256xf32> to vector<256xf32>
      %broadcast_in_dim3A = vector.shape_cast %reduce_sum3A_33 : vector<256xf32> to vector<1x256xf32>
      %div3A = arith.constant 3.276800e+04 : f32
      %div3A_34 = vector.broadcast %div3A : f32 to vector<1x256xf32>
      %div3A_35 = arith.divf %broadcast_in_dim3A, %div3A_34 : vector<1x256xf32>
      %get3A_36 = arith.constant 0 : index
      %get3A_37 = arith.constant 0 : index
      %get3A_38 = vector.load %arg15[%get3A_36, %get3A_37] : memref<8x256xf32, #tpu.memory_space<vmem>>, vector<8x256xf32>
      %reduce_sum3A_39 = arith.constant dense<0.000000e+00> : vector<256xf32>
      %reduce_sum3A_40 = vector.multi_reduction <add>, %get3A_38, %reduce_sum3A_39 [0] : vector<8x256xf32> to vector<256xf32>
      %broadcast_in_dim3A_41 = vector.shape_cast %reduce_sum3A_40 : vector<256xf32> to vector<1x256xf32>
      %div3A_42 = arith.constant 3.276800e+04 : f32
      %div3A_43 = vector.broadcast %div3A_42 : f32 to vector<1x256xf32>
      %div3A_44 = arith.divf %broadcast_in_dim3A_41, %div3A_43 : vector<1x256xf32>
      %mul3A = arith.mulf %div3A_35, %div3A_35 : vector<1x256xf32>
      %sub3A = arith.subf %div3A_44, %mul3A : vector<1x256xf32>
      %get3A_45 = arith.constant 0 : index
      %get3A_46 = arith.constant 0 : index
      %get3A_47 = vector.load %arg4[%get3A_45, %get3A_46] : memref<1x256xf32, #tpu.memory_space<vmem>>, vector<1x256xf32>
      %add3A_48 = arith.constant 9.99999974E-6 : f32
      %add3A_49 = vector.broadcast %add3A_48 : f32 to vector<1x256xf32>
      %add3A_50 = arith.addf %sub3A, %add3A_49 : vector<1x256xf32>
      %sqrt3A = math.sqrt %add3A_50 : vector<1x256xf32>
      %div3A_51 = arith.divf %get3A_47, %sqrt3A : vector<1x256xf32>
      %get3A_52 = arith.constant 0 : index
      %get3A_53 = arith.constant 0 : index
      %get3A_54 = vector.load %arg5[%get3A_52, %get3A_53] : memref<1x256xf32, #tpu.memory_space<vmem>>, vector<1x256xf32>
      %mul3A_55 = arith.mulf %div3A_51, %div3A_35 : vector<1x256xf32>
      %sub3A_56 = arith.subf %get3A_54, %mul3A_55 : vector<1x256xf32>
      %reshape3A_57 = vector.shape_cast %max3A_14 : vector<8x256x256xf32> to vector<2048x256xf32>
      %mul3A_58 = vector.broadcast %div3A_51 : vector<1x256xf32> to vector<2048x256xf32>
      %mul3A_59 = arith.mulf %reshape3A_57, %mul3A_58 : vector<2048x256xf32>
      %get3A_60 = arith.constant 0 : index
      %get3A_61 = arith.constant 0 : index
      %get3A_62 = vector.load %arg6[%get3A_60, %get3A_61] : memref<256x256xf32, #tpu.memory_space<vmem>>, vector<256x256xf32>
      %convert_element_type3A_63 = arith.truncf %mul3A_59 : vector<2048x256xf32> to vector<2048x256xbf16>
      %convert_element_type3A_64 = arith.extf %convert_element_type3A_63 : vector<2048x256xbf16> to vector<2048x256xf32>
      %convert_element_type3A_65 = arith.truncf %convert_element_type3A_64 : vector<2048x256xf32> to vector<2048x256xbf16>
      %sub3A_66 = arith.subf %mul3A_59, %convert_element_type3A_64 : vector<2048x256xf32>
      %convert_element_type3A_67 = arith.truncf %sub3A_66 : vector<2048x256xf32> to vector<2048x256xbf16>
      %convert_element_type3A_68 = arith.truncf %get3A_62 : vector<256x256xf32> to vector<256x256xbf16>
      %convert_element_type3A_69 = arith.extf %convert_element_type3A_68 : vector<256x256xbf16> to vector<256x256xf32>
      %convert_element_type3A_70 = arith.truncf %convert_element_type3A_69 : vector<256x256xf32> to vector<256x256xbf16>
      %sub3A_71 = arith.subf %get3A_62, %convert_element_type3A_69 : vector<256x256xf32>
      %convert_element_type3A_72 = arith.truncf %sub3A_71 : vector<256x256xf32> to vector<256x256xbf16>
      %dot_general3A = arith.constant dense<0.000000e+00> : vector<2048x256xf32>
      %dot_general3A_73 = tpu.matmul %convert_element_type3A_65, %convert_element_type3A_70, %dot_general3A {dimension_numbers = #tpu.dot_dimension_numbers<[1], [1], [0], [0], [0, 0, 1, 0], [], []>, transpose_lhs_hint = false} : vector<2048x256xbf16>, vector<256x256xbf16>, vector<2048x256xf32> -> vector<2048x256xf32>
      %dot_general3A_74 = arith.constant dense<0.000000e+00> : vector<2048x256xf32>
      %dot_general3A_75 = tpu.matmul %convert_element_type3A_67, %convert_element_type3A_70, %dot_general3A_74 {dimension_numbers = #tpu.dot_dimension_numbers<[1], [1], [0], [0], [0, 0, 1, 0], [], []>, transpose_lhs_hint = false} : vector<2048x256xbf16>, vector<256x256xbf16>, vector<2048x256xf32> -> vector<2048x256xf32>
      %dot_general3A_76 = arith.constant dense<0.000000e+00> : vector<2048x256xf32>
      %dot_general3A_77 = tpu.matmul %convert_element_type3A_65, %convert_element_type3A_72, %dot_general3A_76 {dimension_numbers = #tpu.dot_dimension_numbers<[1], [1], [0], [0], [0, 0, 1, 0], [], []>, transpose_lhs_hint = false} : vector<2048x256xbf16>, vector<256x256xbf16>, vector<2048x256xf32> -> vector<2048x256xf32>
      %add3A_78 = arith.addf %dot_general3A_73, %dot_general3A_75 : vector<2048x256xf32>
      %add3A_79 = arith.addf %add3A_78, %dot_general3A_77 : vector<2048x256xf32>
      %get3A_80 = arith.constant 0 : index
      %get3A_81 = arith.constant 0 : index
      %get3A_82 = vector.load %arg6[%get3A_80, %get3A_81] : memref<256x256xf32, #tpu.memory_space<vmem>>, vector<256x256xf32>
      %dot_general3A_83 = arith.constant dense<0.000000e+00> : vector<1x256xf32>
      %dot_general3A_84 = tpu.matmul %sub3A_56, %get3A_82, %dot_general3A_83 {dimension_numbers = #tpu.dot_dimension_numbers<[1], [1], [0], [0], [0, 0, 1, 0], [], []>, precision = #tpu.contract_precision<fp32>, transpose_lhs_hint = false} : vector<1x256xf32>, vector<256x256xf32>, vector<1x256xf32> -> vector<1x256xf32>
      %get3A_85 = arith.constant 0 : index
      %get3A_86 = arith.constant 0 : index
      %get3A_87 = vector.load %arg7[%get3A_85, %get3A_86] : memref<1x256xf32, #tpu.memory_space<vmem>>, vector<1x256xf32>
      %add3A_88 = arith.addf %dot_general3A_84, %get3A_87 : vector<1x256xf32>
      %add3A_89 = vector.broadcast %add3A_88 : vector<1x256xf32> to vector<2048x256xf32>
      %add3A_90 = arith.addf %add3A_79, %add3A_89 : vector<2048x256xf32>
      %reshape3A_91 = vector.shape_cast %add3A_90 : vector<2048x256xf32> to vector<8x256x256xf32>
      %slice3A = vector.extract_strided_slice %reshape3A_91 {offsets = [0, 0, 0], sizes = [1, 256, 256], strides = [1, 1, 1]} : vector<8x256x256xf32> to vector<1x256x256xf32>
      %squeeze3A = vector.shape_cast %slice3A : vector<1x256x256xf32> to vector<256x256xf32>
      %slice3A_92 = vector.extract_strided_slice %reshape3A_91 {offsets = [1, 0, 0], sizes = [1, 256, 256], strides = [1, 1, 1]} : vector<8x256x256xf32> to vector<1x256x256xf32>
      %squeeze3A_93 = vector.shape_cast %slice3A_92 : vector<1x256x256xf32> to vector<256x256xf32>
      %slice3A_94 = vector.extract_strided_slice %reshape3A_91 {offsets = [2, 0, 0], sizes = [1, 256, 256], strides = [1, 1, 1]} : vector<8x256x256xf32> to vector<1x256x256xf32>
      %squeeze3A_95 = vector.shape_cast %slice3A_94 : vector<1x256x256xf32> to vector<256x256xf32>
      %slice3A_96 = vector.extract_strided_slice %reshape3A_91 {offsets = [3, 0, 0], sizes = [1, 256, 256], strides = [1, 1, 1]} : vector<8x256x256xf32> to vector<1x256x256xf32>
      %squeeze3A_97 = vector.shape_cast %slice3A_96 : vector<1x256x256xf32> to vector<256x256xf32>
      %slice3A_98 = vector.extract_strided_slice %reshape3A_91 {offsets = [4, 0, 0], sizes = [1, 256, 256], strides = [1, 1, 1]} : vector<8x256x256xf32> to vector<1x256x256xf32>
      %squeeze3A_99 = vector.shape_cast %slice3A_98 : vector<1x256x256xf32> to vector<256x256xf32>
      %slice3A_100 = vector.extract_strided_slice %reshape3A_91 {offsets = [5, 0, 0], sizes = [1, 256, 256], strides = [1, 1, 1]} : vector<8x256x256xf32> to vector<1x256x256xf32>
      %squeeze3A_101 = vector.shape_cast %slice3A_100 : vector<1x256x256xf32> to vector<256x256xf32>
      %slice3A_102 = vector.extract_strided_slice %reshape3A_91 {offsets = [6, 0, 0], sizes = [1, 256, 256], strides = [1, 1, 1]} : vector<8x256x256xf32> to vector<1x256x256xf32>
      %squeeze3A_103 = vector.shape_cast %slice3A_102 : vector<1x256x256xf32> to vector<256x256xf32>
      %slice3A_104 = vector.extract_strided_slice %reshape3A_91 {offsets = [7, 0, 0], sizes = [1, 256, 256], strides = [1, 1, 1]} : vector<8x256x256xf32> to vector<1x256x256xf32>
      %squeeze3A_105 = vector.shape_cast %slice3A_104 : vector<1x256x256xf32> to vector<256x256xf32>
      %max3A_106 = arith.maximumf %squeeze3A, %squeeze3A_93 : vector<256x256xf32>
      %max3A_107 = arith.maximumf %max3A_106, %squeeze3A_95 : vector<256x256xf32>
      %max3A_108 = arith.maximumf %max3A_107, %squeeze3A_97 : vector<256x256xf32>
      %max3A_109 = arith.maximumf %max3A_108, %squeeze3A_99 : vector<256x256xf32>
      %max3A_110 = arith.maximumf %max3A_109, %squeeze3A_101 : vector<256x256xf32>
      %max3A_111 = arith.maximumf %max3A_110, %squeeze3A_103 : vector<256x256xf32>
      %max3A_112 = arith.maximumf %max3A_111, %squeeze3A_105 : vector<256x256xf32>
      %get3A_113 = arith.constant 0 : index
      %get3A_114 = arith.constant 0 : index
      %get3A_115 = vector.load %arg8[%get3A_113, %get3A_114] : memref<256x1xi32, #tpu.memory_space<vmem>>, vector<256x1xi32>
      %eq3A_116 = arith.constant 0 : i32
      %eq3A_117 = vector.broadcast %eq3A_116 : i32 to vector<256x1xi32>
      %eq3A_118 = arith.cmpi eq, %get3A_115, %eq3A_117 : vector<256x1xi32>
      %jit3A = arith.constant 0xFF800000 : f32
      %broadcast_in_dim3A_119 = vector.shape_cast %eq3A_118 : vector<256x1xi1> to vector<256x1xi1>
      %broadcast_in_dim3A_120 = vector.broadcast %broadcast_in_dim3A_119 : vector<256x1xi1> to vector<256x256xi1>
      %broadcast_in_dim3A_121 = vector.broadcast %jit3A : f32 to vector<256x256xf32>
      %select_n3A = arith.select %broadcast_in_dim3A_120, %max3A_112, %broadcast_in_dim3A_121 : vector<256x256xi1>, vector<256x256xf32>
      %reshape3A_122 = vector.shape_cast %select_n3A : vector<256x256xf32> to vector<32x8x256xf32>
      %reduce_max3A = arith.constant dense<0xFF800000> : vector<8x256xf32>
      %reduce_max3A_123 = vector.multi_reduction <maximumf>, %reshape3A_122, %reduce_max3A [0] : vector<32x8x256xf32> to vector<8x256xf32>
      %eq3A_124 = arith.constant 1 : i32
      %eq3A_125 = vector.broadcast %eq3A_124 : i32 to vector<256x1xi32>
      %eq3A_126 = arith.cmpi eq, %get3A_115, %eq3A_125 : vector<256x1xi32>
      %jit3A_127 = arith.constant 0xFF800000 : f32
      %broadcast_in_dim3A_128 = vector.shape_cast %eq3A_126 : vector<256x1xi1> to vector<256x1xi1>
      %broadcast_in_dim3A_129 = vector.broadcast %broadcast_in_dim3A_128 : vector<256x1xi1> to vector<256x256xi1>
      %broadcast_in_dim3A_130 = vector.broadcast %jit3A_127 : f32 to vector<256x256xf32>
      %select_n3A_131 = arith.select %broadcast_in_dim3A_129, %max3A_112, %broadcast_in_dim3A_130 : vector<256x256xi1>, vector<256x256xf32>
      %reshape3A_132 = vector.shape_cast %select_n3A_131 : vector<256x256xf32> to vector<32x8x256xf32>
      %reduce_max3A_133 = arith.constant dense<0xFF800000> : vector<8x256xf32>
      %reduce_max3A_134 = vector.multi_reduction <maximumf>, %reshape3A_132, %reduce_max3A_133 [0] : vector<32x8x256xf32> to vector<8x256xf32>
      %eq3A_135 = arith.constant 2 : i32
      %eq3A_136 = vector.broadcast %eq3A_135 : i32 to vector<256x1xi32>
      %eq3A_137 = arith.cmpi eq, %get3A_115, %eq3A_136 : vector<256x1xi32>
      %jit3A_138 = arith.constant 0xFF800000 : f32
      %broadcast_in_dim3A_139 = vector.shape_cast %eq3A_137 : vector<256x1xi1> to vector<256x1xi1>
      %broadcast_in_dim3A_140 = vector.broadcast %broadcast_in_dim3A_139 : vector<256x1xi1> to vector<256x256xi1>
      %broadcast_in_dim3A_141 = vector.broadcast %jit3A_138 : f32 to vector<256x256xf32>
      %select_n3A_142 = arith.select %broadcast_in_dim3A_140, %max3A_112, %broadcast_in_dim3A_141 : vector<256x256xi1>, vector<256x256xf32>
      %reshape3A_143 = vector.shape_cast %select_n3A_142 : vector<256x256xf32> to vector<32x8x256xf32>
      %reduce_max3A_144 = arith.constant dense<0xFF800000> : vector<8x256xf32>
      %reduce_max3A_145 = vector.multi_reduction <maximumf>, %reshape3A_143, %reduce_max3A_144 [0] : vector<32x8x256xf32> to vector<8x256xf32>
      %eq3A_146 = arith.constant 3 : i32
      %eq3A_147 = vector.broadcast %eq3A_146 : i32 to vector<256x1xi32>
      %eq3A_148 = arith.cmpi eq, %get3A_115, %eq3A_147 : vector<256x1xi32>
      %jit3A_149 = arith.constant 0xFF800000 : f32
      %broadcast_in_dim3A_150 = vector.shape_cast %eq3A_148 : vector<256x1xi1> to vector<256x1xi1>
      %broadcast_in_dim3A_151 = vector.broadcast %broadcast_in_dim3A_150 : vector<256x1xi1> to vector<256x256xi1>
      %broadcast_in_dim3A_152 = vector.broadcast %jit3A_149 : f32 to vector<256x256xf32>
      %select_n3A_153 = arith.select %broadcast_in_dim3A_151, %max3A_112, %broadcast_in_dim3A_152 : vector<256x256xi1>, vector<256x256xf32>
      %reshape3A_154 = vector.shape_cast %select_n3A_153 : vector<256x256xf32> to vector<32x8x256xf32>
      %reduce_max3A_155 = arith.constant dense<0xFF800000> : vector<8x256xf32>
      %reduce_max3A_156 = vector.multi_reduction <maximumf>, %reshape3A_154, %reduce_max3A_155 [0] : vector<32x8x256xf32> to vector<8x256xf32>
      %eq3A_157 = arith.constant 4 : i32
      %eq3A_158 = vector.broadcast %eq3A_157 : i32 to vector<256x1xi32>
      %eq3A_159 = arith.cmpi eq, %get3A_115, %eq3A_158 : vector<256x1xi32>
      %jit3A_160 = arith.constant 0xFF800000 : f32
      %broadcast_in_dim3A_161 = vector.shape_cast %eq3A_159 : vector<256x1xi1> to vector<256x1xi1>
      %broadcast_in_dim3A_162 = vector.broadcast %broadcast_in_dim3A_161 : vector<256x1xi1> to vector<256x256xi1>
      %broadcast_in_dim3A_163 = vector.broadcast %jit3A_160 : f32 to vector<256x256xf32>
      %select_n3A_164 = arith.select %broadcast_in_dim3A_162, %max3A_112, %broadcast_in_dim3A_163 : vector<256x256xi1>, vector<256x256xf32>
      %reshape3A_165 = vector.shape_cast %select_n3A_164 : vector<256x256xf32> to vector<32x8x256xf32>
      %reduce_max3A_166 = arith.constant dense<0xFF800000> : vector<8x256xf32>
      %reduce_max3A_167 = vector.multi_reduction <maximumf>, %reshape3A_165, %reduce_max3A_166 [0] : vector<32x8x256xf32> to vector<8x256xf32>
      %eq3A_168 = arith.constant 5 : i32
      %eq3A_169 = vector.broadcast %eq3A_168 : i32 to vector<256x1xi32>
      %eq3A_170 = arith.cmpi eq, %get3A_115, %eq3A_169 : vector<256x1xi32>
      %jit3A_171 = arith.constant 0xFF800000 : f32
      %broadcast_in_dim3A_172 = vector.shape_cast %eq3A_170 : vector<256x1xi1> to vector<256x1xi1>
      %broadcast_in_dim3A_173 = vector.broadcast %broadcast_in_dim3A_172 : vector<256x1xi1> to vector<256x256xi1>
      %broadcast_in_dim3A_174 = vector.broadcast %jit3A_171 : f32 to vector<256x256xf32>
      %select_n3A_175 = arith.select %broadcast_in_dim3A_173, %max3A_112, %broadcast_in_dim3A_174 : vector<256x256xi1>, vector<256x256xf32>
      %reshape3A_176 = vector.shape_cast %select_n3A_175 : vector<256x256xf32> to vector<32x8x256xf32>
      %reduce_max3A_177 = arith.constant dense<0xFF800000> : vector<8x256xf32>
      %reduce_max3A_178 = vector.multi_reduction <maximumf>, %reshape3A_176, %reduce_max3A_177 [0] : vector<32x8x256xf32> to vector<8x256xf32>
      %eq3A_179 = arith.constant 6 : i32
      %eq3A_180 = vector.broadcast %eq3A_179 : i32 to vector<256x1xi32>
      %eq3A_181 = arith.cmpi eq, %get3A_115, %eq3A_180 : vector<256x1xi32>
      %jit3A_182 = arith.constant 0xFF800000 : f32
      %broadcast_in_dim3A_183 = vector.shape_cast %eq3A_181 : vector<256x1xi1> to vector<256x1xi1>
      %broadcast_in_dim3A_184 = vector.broadcast %broadcast_in_dim3A_183 : vector<256x1xi1> to vector<256x256xi1>
      %broadcast_in_dim3A_185 = vector.broadcast %jit3A_182 : f32 to vector<256x256xf32>
      %select_n3A_186 = arith.select %broadcast_in_dim3A_184, %max3A_112, %broadcast_in_dim3A_185 : vector<256x256xi1>, vector<256x256xf32>
      %reshape3A_187 = vector.shape_cast %select_n3A_186 : vector<256x256xf32> to vector<32x8x256xf32>
      %reduce_max3A_188 = arith.constant dense<0xFF800000> : vector<8x256xf32>
      %reduce_max3A_189 = vector.multi_reduction <maximumf>, %reshape3A_187, %reduce_max3A_188 [0] : vector<32x8x256xf32> to vector<8x256xf32>
      %eq3A_190 = arith.constant 7 : i32
      %eq3A_191 = vector.broadcast %eq3A_190 : i32 to vector<256x1xi32>
      %eq3A_192 = arith.cmpi eq, %get3A_115, %eq3A_191 : vector<256x1xi32>
      %jit3A_193 = arith.constant 0xFF800000 : f32
      %broadcast_in_dim3A_194 = vector.shape_cast %eq3A_192 : vector<256x1xi1> to vector<256x1xi1>
      %broadcast_in_dim3A_195 = vector.broadcast %broadcast_in_dim3A_194 : vector<256x1xi1> to vector<256x256xi1>
      %broadcast_in_dim3A_196 = vector.broadcast %jit3A_193 : f32 to vector<256x256xf32>
      %select_n3A_197 = arith.select %broadcast_in_dim3A_195, %max3A_112, %broadcast_in_dim3A_196 : vector<256x256xi1>, vector<256x256xf32>
      %reshape3A_198 = vector.shape_cast %select_n3A_197 : vector<256x256xf32> to vector<32x8x256xf32>
      %reduce_max3A_199 = arith.constant dense<0xFF800000> : vector<8x256xf32>
      %reduce_max3A_200 = vector.multi_reduction <maximumf>, %reshape3A_198, %reduce_max3A_199 [0] : vector<32x8x256xf32> to vector<8x256xf32>
      %eq3A_201 = arith.constant 8 : i32
      %eq3A_202 = vector.broadcast %eq3A_201 : i32 to vector<256x1xi32>
      %eq3A_203 = arith.cmpi eq, %get3A_115, %eq3A_202 : vector<256x1xi32>
      %jit3A_204 = arith.constant 0xFF800000 : f32
      %broadcast_in_dim3A_205 = vector.shape_cast %eq3A_203 : vector<256x1xi1> to vector<256x1xi1>
      %broadcast_in_dim3A_206 = vector.broadcast %broadcast_in_dim3A_205 : vector<256x1xi1> to vector<256x256xi1>
      %broadcast_in_dim3A_207 = vector.broadcast %jit3A_204 : f32 to vector<256x256xf32>
      %select_n3A_208 = arith.select %broadcast_in_dim3A_206, %max3A_112, %broadcast_in_dim3A_207 : vector<256x256xi1>, vector<256x256xf32>
      %reshape3A_209 = vector.shape_cast %select_n3A_208 : vector<256x256xf32> to vector<32x8x256xf32>
      %reduce_max3A_210 = arith.constant dense<0xFF800000> : vector<8x256xf32>
      %reduce_max3A_211 = vector.multi_reduction <maximumf>, %reshape3A_209, %reduce_max3A_210 [0] : vector<32x8x256xf32> to vector<8x256xf32>
      %eq3A_212 = arith.constant 9 : i32
      %eq3A_213 = vector.broadcast %eq3A_212 : i32 to vector<256x1xi32>
      %eq3A_214 = arith.cmpi eq, %get3A_115, %eq3A_213 : vector<256x1xi32>
      %jit3A_215 = arith.constant 0xFF800000 : f32
      %broadcast_in_dim3A_216 = vector.shape_cast %eq3A_214 : vector<256x1xi1> to vector<256x1xi1>
      %broadcast_in_dim3A_217 = vector.broadcast %broadcast_in_dim3A_216 : vector<256x1xi1> to vector<256x256xi1>
      %broadcast_in_dim3A_218 = vector.broadcast %jit3A_215 : f32 to vector<256x256xf32>
      %select_n3A_219 = arith.select %broadcast_in_dim3A_217, %max3A_112, %broadcast_in_dim3A_218 : vector<256x256xi1>, vector<256x256xf32>
      %reshape3A_220 = vector.shape_cast %select_n3A_219 : vector<256x256xf32> to vector<32x8x256xf32>
      %reduce_max3A_221 = arith.constant dense<0xFF800000> : vector<8x256xf32>
      %reduce_max3A_222 = vector.multi_reduction <maximumf>, %reshape3A_220, %reduce_max3A_221 [0] : vector<32x8x256xf32> to vector<8x256xf32>
      %eq3A_223 = arith.constant 10 : i32
      %eq3A_224 = vector.broadcast %eq3A_223 : i32 to vector<256x1xi32>
      %eq3A_225 = arith.cmpi eq, %get3A_115, %eq3A_224 : vector<256x1xi32>
      %jit3A_226 = arith.constant 0xFF800000 : f32
      %broadcast_in_dim3A_227 = vector.shape_cast %eq3A_225 : vector<256x1xi1> to vector<256x1xi1>
      %broadcast_in_dim3A_228 = vector.broadcast %broadcast_in_dim3A_227 : vector<256x1xi1> to vector<256x256xi1>
      %broadcast_in_dim3A_229 = vector.broadcast %jit3A_226 : f32 to vector<256x256xf32>
      %select_n3A_230 = arith.select %broadcast_in_dim3A_228, %max3A_112, %broadcast_in_dim3A_229 : vector<256x256xi1>, vector<256x256xf32>
      %reshape3A_231 = vector.shape_cast %select_n3A_230 : vector<256x256xf32> to vector<32x8x256xf32>
      %reduce_max3A_232 = arith.constant dense<0xFF800000> : vector<8x256xf32>
      %reduce_max3A_233 = vector.multi_reduction <maximumf>, %reshape3A_231, %reduce_max3A_232 [0] : vector<32x8x256xf32> to vector<8x256xf32>
      %eq3A_234 = arith.constant 11 : i32
      %eq3A_235 = vector.broadcast %eq3A_234 : i32 to vector<256x1xi32>
      %eq3A_236 = arith.cmpi eq, %get3A_115, %eq3A_235 : vector<256x1xi32>
      %jit3A_237 = arith.constant 0xFF800000 : f32
      %broadcast_in_dim3A_238 = vector.shape_cast %eq3A_236 : vector<256x1xi1> to vector<256x1xi1>
      %broadcast_in_dim3A_239 = vector.broadcast %broadcast_in_dim3A_238 : vector<256x1xi1> to vector<256x256xi1>
      %broadcast_in_dim3A_240 = vector.broadcast %jit3A_237 : f32 to vector<256x256xf32>
      %select_n3A_241 = arith.select %broadcast_in_dim3A_239, %max3A_112, %broadcast_in_dim3A_240 : vector<256x256xi1>, vector<256x256xf32>
      %reshape3A_242 = vector.shape_cast %select_n3A_241 : vector<256x256xf32> to vector<32x8x256xf32>
      %reduce_max3A_243 = arith.constant dense<0xFF800000> : vector<8x256xf32>
      %reduce_max3A_244 = vector.multi_reduction <maximumf>, %reshape3A_242, %reduce_max3A_243 [0] : vector<32x8x256xf32> to vector<8x256xf32>
      %eq3A_245 = arith.constant 12 : i32
      %eq3A_246 = vector.broadcast %eq3A_245 : i32 to vector<256x1xi32>
      %eq3A_247 = arith.cmpi eq, %get3A_115, %eq3A_246 : vector<256x1xi32>
      %jit3A_248 = arith.constant 0xFF800000 : f32
      %broadcast_in_dim3A_249 = vector.shape_cast %eq3A_247 : vector<256x1xi1> to vector<256x1xi1>
      %broadcast_in_dim3A_250 = vector.broadcast %broadcast_in_dim3A_249 : vector<256x1xi1> to vector<256x256xi1>
      %broadcast_in_dim3A_251 = vector.broadcast %jit3A_248 : f32 to vector<256x256xf32>
      %select_n3A_252 = arith.select %broadcast_in_dim3A_250, %max3A_112, %broadcast_in_dim3A_251 : vector<256x256xi1>, vector<256x256xf32>
      %reshape3A_253 = vector.shape_cast %select_n3A_252 : vector<256x256xf32> to vector<32x8x256xf32>
      %reduce_max3A_254 = arith.constant dense<0xFF800000> : vector<8x256xf32>
      %reduce_max3A_255 = vector.multi_reduction <maximumf>, %reshape3A_253, %reduce_max3A_254 [0] : vector<32x8x256xf32> to vector<8x256xf32>
      %eq3A_256 = arith.constant 13 : i32
      %eq3A_257 = vector.broadcast %eq3A_256 : i32 to vector<256x1xi32>
      %eq3A_258 = arith.cmpi eq, %get3A_115, %eq3A_257 : vector<256x1xi32>
      %jit3A_259 = arith.constant 0xFF800000 : f32
      %broadcast_in_dim3A_260 = vector.shape_cast %eq3A_258 : vector<256x1xi1> to vector<256x1xi1>
      %broadcast_in_dim3A_261 = vector.broadcast %broadcast_in_dim3A_260 : vector<256x1xi1> to vector<256x256xi1>
      %broadcast_in_dim3A_262 = vector.broadcast %jit3A_259 : f32 to vector<256x256xf32>
      %select_n3A_263 = arith.select %broadcast_in_dim3A_261, %max3A_112, %broadcast_in_dim3A_262 : vector<256x256xi1>, vector<256x256xf32>
      %reshape3A_264 = vector.shape_cast %select_n3A_263 : vector<256x256xf32> to vector<32x8x256xf32>
      %reduce_max3A_265 = arith.constant dense<0xFF800000> : vector<8x256xf32>
      %reduce_max3A_266 = vector.multi_reduction <maximumf>, %reshape3A_264, %reduce_max3A_265 [0] : vector<32x8x256xf32> to vector<8x256xf32>
      %eq3A_267 = arith.constant 14 : i32
      %eq3A_268 = vector.broadcast %eq3A_267 : i32 to vector<256x1xi32>
      %eq3A_269 = arith.cmpi eq, %get3A_115, %eq3A_268 : vector<256x1xi32>
      %jit3A_270 = arith.constant 0xFF800000 : f32
      %broadcast_in_dim3A_271 = vector.shape_cast %eq3A_269 : vector<256x1xi1> to vector<256x1xi1>
      %broadcast_in_dim3A_272 = vector.broadcast %broadcast_in_dim3A_271 : vector<256x1xi1> to vector<256x256xi1>
      %broadcast_in_dim3A_273 = vector.broadcast %jit3A_270 : f32 to vector<256x256xf32>
      %select_n3A_274 = arith.select %broadcast_in_dim3A_272, %max3A_112, %broadcast_in_dim3A_273 : vector<256x256xi1>, vector<256x256xf32>
      %reshape3A_275 = vector.shape_cast %select_n3A_274 : vector<256x256xf32> to vector<32x8x256xf32>
      %reduce_max3A_276 = arith.constant dense<0xFF800000> : vector<8x256xf32>
      %reduce_max3A_277 = vector.multi_reduction <maximumf>, %reshape3A_275, %reduce_max3A_276 [0] : vector<32x8x256xf32> to vector<8x256xf32>
      %eq3A_278 = arith.constant 15 : i32
      %eq3A_279 = vector.broadcast %eq3A_278 : i32 to vector<256x1xi32>
      %eq3A_280 = arith.cmpi eq, %get3A_115, %eq3A_279 : vector<256x1xi32>
      %jit3A_281 = arith.constant 0xFF800000 : f32
      %broadcast_in_dim3A_282 = vector.shape_cast %eq3A_280 : vector<256x1xi1> to vector<256x1xi1>
      %broadcast_in_dim3A_283 = vector.broadcast %broadcast_in_dim3A_282 : vector<256x1xi1> to vector<256x256xi1>
      %broadcast_in_dim3A_284 = vector.broadcast %jit3A_281 : f32 to vector<256x256xf32>
      %select_n3A_285 = arith.select %broadcast_in_dim3A_283, %max3A_112, %broadcast_in_dim3A_284 : vector<256x256xi1>, vector<256x256xf32>
      %reshape3A_286 = vector.shape_cast %select_n3A_285 : vector<256x256xf32> to vector<32x8x256xf32>
      %reduce_max3A_287 = arith.constant dense<0xFF800000> : vector<8x256xf32>
      %reduce_max3A_288 = vector.multi_reduction <maximumf>, %reshape3A_286, %reduce_max3A_287 [0] : vector<32x8x256xf32> to vector<8x256xf32>
      %get3A_289 = arith.constant 0 : index
      %get3A_290 = arith.constant 0 : index
      %get3A_291 = vector.load %arg16[%get3A_289, %get3A_290] : memref<128x256xf32, #tpu.memory_space<vmem>>, vector<128x256xf32>
      %concatenate3A = tpu.concatenate %reduce_max3A_123, %reduce_max3A_134, %reduce_max3A_145, %reduce_max3A_156, %reduce_max3A_167, %reduce_max3A_178, %reduce_max3A_189, %reduce_max3A_200, %reduce_max3A_211, %reduce_max3A_222, %reduce_max3A_233, %reduce_max3A_244, %reduce_max3A_255, %reduce_max3A_266, %reduce_max3A_277, %reduce_max3A_288 in 0 : vector<8x256xf32>, vector<8x256xf32>, vector<8x256xf32>, vector<8x256xf32>, vector<8x256xf32>, vector<8x256xf32>, vector<8x256xf32>, vector<8x256xf32>, vector<8x256xf32>, vector<8x256xf32>, vector<8x256xf32>, vector<8x256xf32>, vector<8x256xf32>, vector<8x256xf32>, vector<8x256xf32>, vector<8x256xf32> -> vector<128x256xf32>
      %max3A_292 = arith.maximumf %get3A_291, %concatenate3A : vector<128x256xf32>
      %swap3A = arith.constant 0 : index
      %swap3A_293 = arith.constant 0 : index
      %swap3A_294 = vector.load %arg16[%swap3A, %swap3A_293] : memref<128x256xf32, #tpu.memory_space<vmem>>, vector<128x256xf32>
      tpu.vector_store %arg16[%swap3A, %swap3A_293], %max3A_292 {strides = array<i32>} : memref<128x256xf32, #tpu.memory_space<vmem>>, vector<128x256xf32>,
    } else {
    }
    %eq3A_25 = arith.constant 31 : i32
    %eq3A_26 = arith.cmpi eq, %arg0, %eq3A_25 : i32
    %convert_element_type3A_27 = arith.extui %eq3A_26 : i1 to i32
    %cond3A_28 = arith.constant 0 : i32
    %cond3A_29 = arith.cmpi ne, %convert_element_type3A_27, %cond3A_28 : i32
    scf.if %cond3A_29 {
      %get3A_30 = arith.constant 0 : index
      %get3A_31 = arith.constant 0 : index
      %get3A_32 = vector.load %arg16[%get3A_30, %get3A_31] : memref<128x256xf32, #tpu.memory_space<vmem>>, vector<128x256xf32>
      %reshape3A_33 = vector.shape_cast %get3A_32 : vector<128x256xf32> to vector<16x8x256xf32>
      %slice3A = vector.extract_strided_slice %reshape3A_33 {offsets = [0, 0, 0], sizes = [16, 1, 256], strides = [1, 1, 1]} : vector<16x8x256xf32> to vector<16x1x256xf32>
      %squeeze3A = vector.shape_cast %slice3A : vector<16x1x256xf32> to vector<16x256xf32>
      %slice3A_34 = vector.extract_strided_slice %reshape3A_33 {offsets = [0, 1, 0], sizes = [16, 1, 256], strides = [1, 1, 1]} : vector<16x8x256xf32> to vector<16x1x256xf32>
      %squeeze3A_35 = vector.shape_cast %slice3A_34 : vector<16x1x256xf32> to vector<16x256xf32>
      %slice3A_36 = vector.extract_strided_slice %reshape3A_33 {offsets = [0, 2, 0], sizes = [16, 1, 256], strides = [1, 1, 1]} : vector<16x8x256xf32> to vector<16x1x256xf32>
      %squeeze3A_37 = vector.shape_cast %slice3A_36 : vector<16x1x256xf32> to vector<16x256xf32>
      %slice3A_38 = vector.extract_strided_slice %reshape3A_33 {offsets = [0, 3, 0], sizes = [16, 1, 256], strides = [1, 1, 1]} : vector<16x8x256xf32> to vector<16x1x256xf32>
      %squeeze3A_39 = vector.shape_cast %slice3A_38 : vector<16x1x256xf32> to vector<16x256xf32>
      %slice3A_40 = vector.extract_strided_slice %reshape3A_33 {offsets = [0, 4, 0], sizes = [16, 1, 256], strides = [1, 1, 1]} : vector<16x8x256xf32> to vector<16x1x256xf32>
      %squeeze3A_41 = vector.shape_cast %slice3A_40 : vector<16x1x256xf32> to vector<16x256xf32>
      %slice3A_42 = vector.extract_strided_slice %reshape3A_33 {offsets = [0, 5, 0], sizes = [16, 1, 256], strides = [1, 1, 1]} : vector<16x8x256xf32> to vector<16x1x256xf32>
      %squeeze3A_43 = vector.shape_cast %slice3A_42 : vector<16x1x256xf32> to vector<16x256xf32>
      %slice3A_44 = vector.extract_strided_slice %reshape3A_33 {offsets = [0, 6, 0], sizes = [16, 1, 256], strides = [1, 1, 1]} : vector<16x8x256xf32> to vector<16x1x256xf32>
      %squeeze3A_45 = vector.shape_cast %slice3A_44 : vector<16x1x256xf32> to vector<16x256xf32>
      %slice3A_46 = vector.extract_strided_slice %reshape3A_33 {offsets = [0, 7, 0], sizes = [16, 1, 256], strides = [1, 1, 1]} : vector<16x8x256xf32> to vector<16x1x256xf32>
      %squeeze3A_47 = vector.shape_cast %slice3A_46 : vector<16x1x256xf32> to vector<16x256xf32>
      %max3A_48 = arith.maximumf %squeeze3A, %squeeze3A_35 : vector<16x256xf32>
      %max3A_49 = arith.maximumf %max3A_48, %squeeze3A_37 : vector<16x256xf32>
      %max3A_50 = arith.maximumf %max3A_49, %squeeze3A_39 : vector<16x256xf32>
      %max3A_51 = arith.maximumf %max3A_50, %squeeze3A_41 : vector<16x256xf32>
      %max3A_52 = arith.maximumf %max3A_51, %squeeze3A_43 : vector<16x256xf32>
      %max3A_53 = arith.maximumf %max3A_52, %squeeze3A_45 : vector<16x256xf32>
      %max3A_54 = arith.maximumf %max3A_53, %squeeze3A_47 : vector<16x256xf32>
      %get3A_55 = arith.constant 0 : index
      %get3A_56 = arith.constant 0 : index
      %get3A_57 = vector.load %arg9[%get3A_55, %get3A_56] : memref<256x256xf32, #tpu.memory_space<vmem>>, vector<256x256xf32>
      %dot_general3A = arith.constant dense<0.000000e+00> : vector<16x256xf32>
      %dot_general3A_58 = tpu.matmul %max3A_54, %get3A_57, %dot_general3A {dimension_numbers = #tpu.dot_dimension_numbers<[1], [1], [0], [0], [0, 0, 1, 0], [], []>, precision = #tpu.contract_precision<fp32>, transpose_lhs_hint = false} : vector<16x256xf32>, vector<256x256xf32>, vector<16x256xf32> -> vector<16x256xf32>
      %get3A_59 = arith.constant 0 : index
      %get3A_60 = arith.constant 0 : index
      %get3A_61 = vector.load %arg10[%get3A_59, %get3A_60] : memref<1x256xf32, #tpu.memory_space<vmem>>, vector<1x256xf32>
      %add3A_62 = vector.broadcast %get3A_61 : vector<1x256xf32> to vector<16x256xf32>
      %add3A_63 = arith.addf %dot_general3A_58, %add3A_62 : vector<16x256xf32>
      %max3A_64 = arith.constant 0.000000e+00 : f32
      %max3A_65 = vector.broadcast %max3A_64 : f32 to vector<16x256xf32>
      %max3A_66 = arith.maximumf %add3A_63, %max3A_65 : vector<16x256xf32>
      %get3A_67 = arith.constant 0 : index
      %get3A_68 = arith.constant 0 : index
      %get3A_69 = vector.load %arg11[%get3A_67, %get3A_68] : memref<256x256xf32, #tpu.memory_space<vmem>>, vector<256x256xf32>
      %dot_general3A_70 = arith.constant dense<0.000000e+00> : vector<16x256xf32>
      %dot_general3A_71 = tpu.matmul %max3A_66, %get3A_69, %dot_general3A_70 {dimension_numbers = #tpu.dot_dimension_numbers<[1], [1], [0], [0], [0, 0, 1, 0], [], []>, precision = #tpu.contract_precision<fp32>, transpose_lhs_hint = false} : vector<16x256xf32>, vector<256x256xf32>, vector<16x256xf32> -> vector<16x256xf32>
      %get3A_72 = arith.constant 0 : index
      %get3A_73 = arith.constant 0 : index
      %get3A_74 = vector.load %arg12[%get3A_72, %get3A_73] : memref<1x256xf32, #tpu.memory_space<vmem>>, vector<1x256xf32>
      %add3A_75 = vector.broadcast %get3A_74 : vector<1x256xf32> to vector<16x256xf32>
      %add3A_76 = arith.addf %dot_general3A_71, %add3A_75 : vector<16x256xf32>
      %mul3A = arith.mulf %add3A_76, %add3A_76 : vector<16x256xf32>
      %reduce_sum3A = arith.constant dense<0.000000e+00> : vector<16xf32>
      %reduce_sum3A_77 = vector.multi_reduction <add>, %mul3A, %reduce_sum3A [1] : vector<16x256xf32> to vector<16xf32>
      %broadcast_in_dim3A = vector.shape_cast %reduce_sum3A_77 : vector<16xf32> to vector<16x1xf32>
      %sqrt3A = math.sqrt %broadcast_in_dim3A : vector<16x1xf32>
      %max3A_78 = arith.constant 9.99999996E-13 : f32
      %max3A_79 = vector.broadcast %max3A_78 : f32 to vector<16x1xf32>
      %max3A_80 = arith.maximumf %sqrt3A, %max3A_79 : vector<16x1xf32>
      %div3A = vector.broadcast %max3A_80 : vector<16x1xf32> to vector<16x256xf32>
      %div3A_81 = arith.divf %add3A_76, %div3A : vector<16x256xf32>
      %swap3A = arith.constant 0 : index
      %swap3A_82 = arith.constant 0 : index
      %swap3A_83 = vector.load %arg13[%swap3A, %swap3A_82] : memref<16x256xf32, #tpu.memory_space<vmem>>, vector<16x256xf32>
      tpu.vector_store %arg13[%swap3A, %swap3A_82], %div3A_81 {strides = array<i32>} : memref<16x256xf32, #tpu.memory_space<vmem>>, vector<16x256xf32>,
    } else {
    }
    return
  }
  func.func @transform_0(%arg0: i32) -> (i32, i32, i32) {
    %jit3A = arith.constant 16 : i32
    %eq3A = arith.constant 0 : i32
    %eq3A_0 = arith.cmpi eq, %jit3A, %eq3A : i32
    %jit3A_1 = arith.constant 1 : i32
    %select_n3A = arith.select %eq3A_0, %jit3A_1, %jit3A : i32
    %rem3A = arith.remsi %arg0, %select_n3A : i32
    %ne3A = arith.constant 0 : i32
    %ne3A_2 = arith.cmpi ne, %rem3A, %ne3A : i32
    %lt3A = arith.constant 0 : i32
    %lt3A_3 = arith.cmpi slt, %rem3A, %lt3A : i32
    %lt3A_4 = arith.constant 0 : i32
    %lt3A_5 = arith.cmpi slt, %select_n3A, %lt3A_4 : i32
    %ne3A_6 = arith.xori %lt3A_3, %lt3A_5 : i1
    %and3A = arith.andi %ne3A_6, %ne3A_2 : i1
    %add3A = arith.addi %rem3A, %select_n3A : i32
    %select_n3A_7 = arith.select %and3A, %add3A, %rem3A : i32
    %c0_i32 = arith.constant 0 : i32
    %c0_i32_8 = arith.constant 0 : i32
    %c0_i32_9 = arith.constant 0 : i32
    return %c0_i32, %select_n3A_7, %c0_i32_8 : i32, i32, i32
  }
  func.func @transform_1(%arg0: i32) -> (i32, i32) {
    %jit3A = arith.constant 16 : i32
    %eq3A = arith.constant 0 : i32
    %eq3A_0 = arith.cmpi eq, %jit3A, %eq3A : i32
    %jit3A_1 = arith.constant 1 : i32
    %select_n3A = arith.select %eq3A_0, %jit3A_1, %jit3A : i32
    %rem3A = arith.remsi %arg0, %select_n3A : i32
    %ne3A = arith.constant 0 : i32
    %ne3A_2 = arith.cmpi ne, %rem3A, %ne3A : i32
    %lt3A = arith.constant 0 : i32
    %lt3A_3 = arith.cmpi slt, %rem3A, %lt3A : i32
    %lt3A_4 = arith.constant 0 : i32
    %lt3A_5 = arith.cmpi slt, %select_n3A, %lt3A_4 : i32
    %ne3A_6 = arith.xori %lt3A_3, %lt3A_5 : i1
    %and3A = arith.andi %ne3A_6, %ne3A_2 : i1
    %add3A = arith.addi %rem3A, %select_n3A : i32
    %select_n3A_7 = arith.select %and3A, %add3A, %rem3A : i32
    %c0_i32 = arith.constant 0 : i32
    %c0_i32_8 = arith.constant 0 : i32
    return %select_n3A_7, %c0_i32 : i32, i32
  }
  func.func @transform_2(%arg0: i32) -> (i32, i32, i32) {
    %c0_i32 = arith.constant 0 : i32
    %c0_i32_0 = arith.constant 0 : i32
    %c0_i32_1 = arith.constant 0 : i32
    %c0_i32_2 = arith.constant 0 : i32
    return %c0_i32, %c0_i32_0, %c0_i32_1 : i32, i32, i32
  }
  func.func @transform_3(%arg0: i32) -> (i32, i32) {
    %c0_i32 = arith.constant 0 : i32
    %c0_i32_0 = arith.constant 0 : i32
    %c0_i32_1 = arith.constant 0 : i32
    return %c0_i32, %c0_i32_0 : i32, i32
  }
  func.func @transform_4(%arg0: i32) -> (i32, i32) {
    %c0_i32 = arith.constant 0 : i32
    %c0_i32_0 = arith.constant 0 : i32
    %c0_i32_1 = arith.constant 0 : i32
    return %c0_i32, %c0_i32_0 : i32, i32
  }
  func.func @transform_5(%arg0: i32) -> (i32, i32) {
    %c0_i32 = arith.constant 0 : i32
    %c0_i32_0 = arith.constant 0 : i32
    %c0_i32_1 = arith.constant 0 : i32
    return %c0_i32, %c0_i32_0 : i32, i32
  }
  func.func @transform_6(%arg0: i32) -> (i32, i32) {
    %c0_i32 = arith.constant 0 : i32
    %c0_i32_0 = arith.constant 0 : i32
    %c0_i32_1 = arith.constant 0 : i32
    return %c0_i32, %c0_i32_0 : i32, i32
  }
  func.func @transform_7(%arg0: i32) -> (i32, i32) {
    %jit3A = arith.constant 16 : i32
    %eq3A = arith.constant 0 : i32
    %eq3A_0 = arith.cmpi eq, %jit3A, %eq3A : i32
    %jit3A_1 = arith.constant 1 : i32
    %select_n3A = arith.select %eq3A_0, %jit3A_1, %jit3A : i32
    %rem3A = arith.remsi %arg0, %select_n3A : i32
    %ne3A = arith.constant 0 : i32
    %ne3A_2 = arith.cmpi ne, %rem3A, %ne3A : i32
    %lt3A = arith.constant 0 : i32
    %lt3A_3 = arith.cmpi slt, %rem3A, %lt3A : i32
    %lt3A_4 = arith.constant 0 : i32
    %lt3A_5 = arith.cmpi slt, %select_n3A, %lt3A_4 : i32
    %ne3A_6 = arith.xori %lt3A_3, %lt3A_5 : i1
    %and3A = arith.andi %ne3A_6, %ne3A_2 : i1
    %add3A = arith.addi %rem3A, %select_n3A : i32
    %select_n3A_7 = arith.select %and3A, %add3A, %rem3A : i32
    %c0_i32 = arith.constant 0 : i32
    %c0_i32_8 = arith.constant 0 : i32
    return %select_n3A_7, %c0_i32 : i32, i32
  }
  func.func @transform_8(%arg0: i32) -> (i32, i32) {
    %c0_i32 = arith.constant 0 : i32
    %c0_i32_0 = arith.constant 0 : i32
    %c0_i32_1 = arith.constant 0 : i32
    return %c0_i32, %c0_i32_0 : i32, i32
  }
  func.func @transform_9(%arg0: i32) -> (i32, i32) {
    %c0_i32 = arith.constant 0 : i32
    %c0_i32_0 = arith.constant 0 : i32
    %c0_i32_1 = arith.constant 0 : i32
    return %c0_i32, %c0_i32_0 : i32, i32
  }
  func.func @transform_10(%arg0: i32) -> (i32, i32) {
    %c0_i32 = arith.constant 0 : i32
    %c0_i32_0 = arith.constant 0 : i32
    %c0_i32_1 = arith.constant 0 : i32
    return %c0_i32, %c0_i32_0 : i32, i32
  }
  func.func @transform_11(%arg0: i32) -> (i32, i32) {
    %c0_i32 = arith.constant 0 : i32
    %c0_i32_0 = arith.constant 0 : i32
    %c0_i32_1 = arith.constant 0 : i32
    return %c0_i32, %c0_i32_0 : i32, i32
  }
  func.func @transform_12(%arg0: i32) -> (i32, i32) {
    %c0_i32 = arith.constant 0 : i32
    %c0_i32_0 = arith.constant 0 : i32
    %c0_i32_1 = arith.constant 0 : i32
    return %c0_i32, %c0_i32_0 : i32, i32
  }
}

</mosaic_0001>

<sc_bundles>
// kernel: kernel.5.cloned.1.call-start
scs
__scs_entry_jumppad:
0x0: {  	(pc) =	sbr.rel $0x88, $3  }
0x1: {  	(tag) =	ssettag $0x0;
	lr =	simm.s32 $0x1  }
0x2: {  	[smem:$0x3F95] =	sst lr;
	_ =	strace $0xD0000000  }
0x3: {  	_ = 	snop  }
0x4: {  	_ = 	snop  }
0x5: {  	_ = 	snop  }
0x6: {  	_ = 	snop  }
0x7: {  	_ = 	snop  }
__scs_overlays_trampoline_lowered:
0x8: {  	[smem:$0x3FA4] =	sst s0  }
0x9: {  	[smem:$0x3FA5] =	sst s1  }
0xa: {  	[smem:$0x3FA6] =	sst s2  }
0xb: {  	[smem:$0x3FA7] =	sst s3  }
0xc: {  	[smem:$0x3FA8] =	sst s4  }
0xd: {  	[smem:$0x3FA9] =	sst s5  }
0xe: {  	[smem:$0x3FAA] =	sst s6  }
0xf: {  	[smem:$0x3FAB] =	sst s7  }
0x10: {  	[smem:$0x3FAC] =	sst s8  }
0x11: {  	[smem:$0x3FAD] =	sst s9;
	s0 =	simm.s32 @!p0 $0x0  }
0x12: {  	s1 =	sld [smem:$0x3F93];
	s0 =	simm.s32 @p0 $0x1  }
0x13: {  	[smem:$0x3FAE] =	sst s0;
	s0 =	simm.s32 @!p1 $0x0  }
0x14: {  	s2 =	sld [smem:$0x3F92];
	s0 =	simm.s32 @p1 $0x1  }
0x15: {  	[smem:$0x3FAF] =	sst s0;
	s0 =	simm.s32 @!p2 $0x0  }
0x16: {  	s3 =	sld [smem:$0x3FDB];
	s0 =	simm.s32 @p2 $0x1  }
0x17: {  	s4 =	simm.s32 $0x1BF5;
	[smem:$0x3FB1] =	sst s0  }
0x18: {  	s0 =	sld [smem:$0x3F94];
	_ =	swait.ge [sflag:s4], $0x0  }
0x19: {  	s7 =	sld [smem:$0x3F95]  }
0x1a: {  	s8 =	sadd.s32 $0xFFFFE003, lr  }
0x1b: {  	s9 =	sadd.s32 $0xFFFFFEF7, lr;
	s5 =	simm.s32 $0xFFFFFFFF;
	p2 =	slt.u32 s8, $0xFFFFF086  }
0x1c: {  	p1 =	slt.u32 s9, $0xF7A;
	s5 =	simm.s32 @!p2 $0x0  }
0x1d: {  	s5 =	simm.s32 @p1 $0x1;
	p0 =	seq.s32 s7, s2  }
0x1e: {  	s7 =	smul.u32 @!p0 $0xF7A, s2;
	p2 =	seq.s32 @!p0 s5, $0x0  }
0x1f: {  	s9 =	smul.u32 $0xF7A, s1;
	s8 =	simm.s32 @!p0 $0x1BF5;
	p2 =	por !p2, p0  }
0x20: {  	[sflag:s8] =	ssyncset.s32 @!p0 $0xFFFFF086;
	s6 =	sadd.s32 @!p0 s3, s7;
	s7 =	simm.s32 @!p0 $0x108  }
0x21: {  	s3 =	sadd.s32 s3, s9;
	s6 =	sadd.s32 @!p0 $0x88, s6;
	s7 =	simm.s32 @p2 $0x1082  }
0x22: {  	[simem:s7], [sflag:s8] =	dma.local @!p0 [hbm:s6], $0xF7A  }
0x23: {  	s9 =	sor.u32 $0xD0000000, s2;
	s6 =	simm.s32 $0x108;
	_ =	swait.ge @!p0 [sflag:s8], $0x0  }
0x24: {  	s3 =	sadd.s32 $0x88, s3;
	s6 =	simm.s32 @!p1 $0x1082;
	[sflag:s4] =	ssyncset.s32 $0xFFFFF086  }
0x25: {  	[simem:s6], [sflag:s4] =	dma.local [hbm:s3], $0xF7A  }
0x26: {  	[smem:$0x3F95] =	sst s1;
	(tag) =	ssettag s2;
	_ =	strace s9  }
0x27: {  	s1 =	sld [smem:$0x3FA5]  }
0x28: {  	s2 =	sld [smem:$0x3FA6]  }
0x29: {  	s4 =	sld [smem:$0x3FA8]  }
0x2a: {  	p0 =	seq.s32 s5, $0x0;
	s5 =	sld [smem:$0x3FA9]  }
0x2b: {  	s6 =	sld [smem:$0x3FAA]  }
0x2c: {  	s7 =	sld [smem:$0x3FAB]  }
0x2d: {  	s3 =	simm.s32 $0x108;
	s8 =	sld [smem:$0x3FAC]  }
0x2e: {  	s3 =	simm.s32 @!p0 $0x1082;
	s9 =	sld [smem:$0x3FAD]  }
0x2f: {  	lr =	sadd.s32 s0, s3;
	s0 =	sld [smem:$0x3FA4]  }
0x30: {  	s3 =	sld [smem:$0x3FA7]  }
0x31: {  	[smem:$0x3FB0] =	sst s10  }
0x32: {  	s10 =	sld [smem:$0x3FAE];
	_ =	sdelay $0x3  }
0x33: {  	p0 =	seq.s32 s10, $0x1;
	s10 =	sld [smem:$0x3FB0];
	_ =	sdelay $0x3  }
0x34: {  	[smem:$0x3FB0] =	sst s10  }
0x35: {  	s10 =	sld [smem:$0x3FAF];
	_ =	sdelay $0x3  }
0x36: {  	p1 =	seq.s32 s10, $0x1;
	s10 =	sld [smem:$0x3FB0];
	_ =	sdelay $0x3  }
0x37: {  	[smem:$0x3FB0] =	sst s10  }
0x38: {  	s10 =	sld [smem:$0x3FB1]  }
0x39: {  	_ = 	snop;
	(pc) =	sbr.ind lr, $3  }
0x3a: {  	_ = 	snop  }
0x3b: {  	_ = 	snop  }
0x3c: {  	p2 =	seq.s32 s10, $0x1;
	s10 =	sld [smem:$0x3FB0]  }
0x3d: {  	_ =	shalt  }
0x3e: {  	_ =	shalt  }
0x3f: {  	_ =	shalt  }
0x40: {  	_ =	shalt  }
0x41: {  	_ =	shalt  }
0x42: {  	_ =	shalt  }
0x43: {  	_ =	shalt  }
0x44: {  	_ =	shalt  }
0x45: {  	_ =	shalt  }
0x46: {  	_ =	shalt  }
0x47: {  	_ =	shalt  }
0x48: {  	_ =	shalt  }
0x49: {  	_ =	shalt  }
0x4a: {  	_ =	shalt  }
0x4b: {  	_ =	shalt  }
0x4c: {  	_ =	shalt  }
0x4d: {  	_ =	shalt  }
0x4e: {  	_ =	shalt  }
0x4f: {  	_ =	shalt  }
0x50: {  	_ =	shalt  }
0x51: {  	_ =	shalt  }
0x52: {  	_ =	shalt  }
0x53: {  	_ =	shalt  }
0x54: {  	_ =	shalt  }
0x55: {  	_ =	shalt  }
0x56: {  	_ =	shalt  }
0x57: {  	_ =	shalt  }
0x58: {  	_ =	shalt  }
0x59: {  	_ =	shalt  }
0x5a: {  	_ =	shalt  }
0x5b: {  	_ =	shalt  }
0x5c: {  	_ =	shalt  }
0x5d: {  	_ =	shalt  }
0x5e: {  	_ =	shalt  }
0x5f: {  	_ =	shalt  }
0x60: {  	_ =	shalt  }
0x61: {  	_ =	shalt  }
0x62: {  	_ =	shalt  }
0x63: {  	_ =	shalt  }
0x64: {  	_ =	shalt  }
0x65: {  	_ =	shalt  }
0x66: {  	_ =	shalt  }
0x67: {  	_ =	shalt  }
0x68: {  	_ =	shalt  }
0x69: {  	_ =	shalt  }
0x6a: {  	_ =	shalt  }
0x6b: {  	_ =	shalt  }
0x6c: {  	_ =	shalt  }
0x6d: {  	_ =	shalt  }
0x6e: {  	_ =	shalt  }
0x6f: {  	_ =	shalt  }
0x70: {  	_ =	shalt  }
0x71: {  	_ =	shalt  }
0x72: {  	_ =	shalt  }
0x73: {  	_ =	shalt  }
0x74: {  	_ =	shalt  }
0x75: {  	_ =	shalt  }
0x76: {  	_ =	shalt  }
0x77: {  	_ =	shalt  }
0x78: {  	_ =	shalt  }
0x79: {  	_ =	shalt  }
0x7a: {  	_ =	shalt  }
0x7b: {  	_ =	shalt  }
0x7c: {  	_ =	shalt  }
0x7d: {  	_ =	shalt  }
0x7e: {  	_ =	shalt  }
0x7f: {  	_ =	shalt  }
0x80: {  	_ =	shalt  }
0x81: {  	_ =	shalt  }
0x82: {  	_ =	shalt  }
0x83: {  	_ =	shalt  }
0x84: {  	_ =	shalt  }
0x85: {  	_ =	shalt  }
0x86: {  	_ =	shalt  }
0x87: {  	_ =	shalt  }
.Lfunc_end0:
.L_simem_size_0:
called_computation_lowered:
.L_overlay_start_0:
0x88: {  	s2 =	sld [smem:$0x3FD9]  }
0x89: {  	s3 =	sld [smem:$0x3FFE];
	_ =	sdelay $0x1  }
0x8a: {  	s1 =	srdreg.scid  }
0x8b: {  	s0 =	sand.u32 $0x1, s1  }
0x8c: {  	s16 =	sshll.u32 s0, $0xA;
	s2 =	sadd.s32 s3, s2  }
0x8d: {  	s2 =	sadd.s32 s2, s16  }
0x8e: {  	[smem:$0x3FBC] =	sst s2  }
0x8f: {  	_ = 	snop  }
0x90: {  	(tm) =	ssettm $0x1  }
0x91: {  	s17 =	sld [smem:$0x3FFB];
	_ =	sdelay $0x3  }
0x92: {  	_ =	strace s17  }
0x93: {  	s2 =	sld [smem:$0x3FFC];
	_ =	sdelay $0x3  }
0x94: {  	_ =	strace s2  }
0x95: {  	s2 =	sld [smem:$0x3FFD];
	_ =	sdelay $0x3  }
0x96: {  	_ =	strace s2  }
0x97: {  	_ =	strace $0x8FFFFFFF  }
0x98: {  	s18 =	sld [smem:$0x3FDB];
	_ =	sdelay $0x1  }
0x99: {  	s19 =	simm.s32 $_scs_section_size  }
0x9a: {  	s4 =	simm.s32 $_size__tile_overlayer_lowered;
	s5 =	simm.s32 $_tile_overlayer_lowered  }
0x9b: {  	s22 =	simm.s32 $0x1BFF;
	s21 =	sshll.u32 s5, $0x1;
	s2 =	sadd.s32 s19, s18  }
0x9c: {  	s6 =	simm.s32 $0x0;
	s20 =	sshll.u32 s4, $0x1;
	s4 =	sadd.s32 s21, s2  }
0x9d: {  	[timem:s6], [sflag:s22] =	dma.local [hbm:s4], s20  }
0x9e: {  	_ =	swait.ge [sflag:s22], s20  }
0x9f: {  	s3 =	ssub.s32 $0x0, s20;
	[sflag:s22] =	ssyncset.done $0x0  }
0xa0: {  	[sflag:s22] =	ssyncadd.s32 s3;
	_ =	sdelay $0x1  }
0xa1: {  	s23 =	simm.s32 $0x1B8B  }
0xa2: {  	_ =	swait.ge [sflag:s23], $0x1  }
0xa3: {  	[sflag:s23] =	ssyncset.done $0x0  }
0xa4: {  	s25 =	simm.s32 $0x1B8E;
	s24 =	sld [smem:$0x3FFE];
	[sflag:s23] =	ssyncadd.s32 $0xFFFFFFFF  }
0xa5: {  	s26 =	simm.s32 $execute0_lowered;
	[smem:$0x3FD2] =	sst s25  }
0xa6: {  	s4 =	sshll.u32 s26, $0x1;
	_ =	strace $0x80000046;
	[dreg:$0x1] =	wrdreg $0xFFFFFFFF  }
0xa7: {  	s28 =	simm.s32 $_size_execute0_lowered;
	s2 =	sadd.s32 s2, s4;
	[dreg:$0x0] =	wrdreg $0x0  }
0xa8: {  	s4 =	sshll.u32 s28, $0x1;
	[dreg:$0x2] =	wrdreg s2  }
0xa9: {  	[dreg:$0x3] =	wrdreg s4  }
0xaa: {  	[dreg:$0x4] =	wrdreg $0xC0  }
0xab: {  	_ =	task [dreg:s6], $0x5FFFF  }
0xac: {  	[dreg:$0x1] =	wrdreg $0xFFFFFFFF  }
0xad: {  	[dreg:$0x0] =	wrdreg $0x60  }
0xae: {  	[dreg:$0x2] =	wrdreg s24  }
0xaf: {  	[dreg:$0x3] =	wrdreg $0x9  }
0xb0: {  	_ =	task.clear_ibuf [dreg:s6], $0x4FFFF;
	_ =	strace $0x90000046  }
0xb1: {  	s29 =	simm.s32 $0x9;
	_ =	strace $0x80000048  }
0xb2: {  	_ =	swait.ge [sflag:s29], $0x1  }
0xb3: {  	[sflag:s29] =	ssyncadd.s32 $0xFFFFFFFF  }
0xb4: {  	_ =	strace $0x90000048  }
0xb5: {  	_ =	sfence  }
0xb6: {  	s30 =	sld [smem:$0x0];
	_ =	sdelay $0x2  }
0xb7: {  	s31 =	sshll.u32 s1, $0xD;
	s1 =	sshrl.u32 s1, $0x2  }
0xb8: {  	s3 =	sand.u32 $0x4000, s31;
	s1 =	sadd.s32 s1, s30  }
0xb9: {  	s0 =	sor.u32 s3, s0;
	s1 =	sshll.u32 s1, $0x11  }
0xba: {  	s0 =	sor.u32 s1, s0  }
0xbb: {  	s0 =	sadd.s32 $0x8F2B, s0  }
0xbc: {  	[sflag:s0] =	ssyncadd.remote.s32 $0x1  }
0xbd: {  	_ =	sfence.sel $0xFFFF  }
0xbe: {  	[dreg:$0x0] =	wrdreg $0xFFFFFFFF;
	(pc) =	sbr.abs _section_cstart, $3  }
0xbf: {  	[dreg:$0x1] =	wrdreg $0xFFFFFFFF  }
0xc0: {  	_ =	task.clear_ibuf [dreg:s6], $0x2FFFF;
	_ =	strace $0x9FFFFFFF  }
0xc1: {  	(tm) =	ssettm $0x7FFFFFFF  }
tec
execute0_lowered:
.L_overlay_start_1:
0x0: {  	(tag) =	ssettag $0x1  }
0x1: {  	s0 =	rddreg [dreg:$0x0];
	s2 =	simm.s32 $0x0;
	s3 =	srdreg.scid  }
0x2: {  	s1 =	stileid.u32;
	s28 =	simm.s32 $0x6080;
	s29 =	simm.s32 $0x6880  }
0x3: {  	s30 =	simm.s32 $0x7080;
	s31 =	simm.s32 $0x7880;
	[smem:$0x7FF] =	sst s2  }
0x4: {  	s4 =	sand.u32 $0x1, s3;
	s5 =	sshll.u32 s1, $0xB;
	s3 =	sadd.s32 $0x2200, s0  }
0x5: {  	s11 =	sadd.s32 $0x22200, s0;
	s0 =	sadd.s32 $0x23200, s0;
	s6 =	sshll.u32 s4, $0xA  }
0x6: {  	_ =	strace $0x80000047;
	s4 =	ssub.s32 $0x2, s4;
	s10 =	sor.u32 s6, s5  }
0x7: {  	s14 =	sshrl.u32 s4, $0x1;
	s5 =	sshrl.u32 s10, $0x3;
	s6 =	sshll.u32 s10, $0x5  }
0x8: {  	s7 =	sor.u32 $0x80, s10;
	s13 =	sor.u32 $0x100, s10;
	s20 =	sor.u32 $0x200, s10  }
0x9: {  	s23 =	sor.u32 $0x280, s10;
	s5 =	sadd.s32 s11, s5;
	s26 =	sadd.s32 s0, s6  }
0xa: {  	s1 =	sshrl.u32 s7, $0x3;
	s9 =	sshll.u32 s7, $0x5;
	s15 =	sshrl.u32 s13, $0x3  }
0xb: {  	s6 =	sshll.u32 s13, $0x5;
	s13 =	ssub.s32 s4, s14;
	s21 =	sshrl.u32 s20, $0x3  }
0xc: {  	s22 =	sshll.u32 s20, $0x5;
	s24 =	sshrl.u32 s23, $0x3;
	[dreg:$0x2] =	wrdreg s5  }
0xd: {  	s14 =	sor.u32 $0x380, s10;
	s20 =	simm.s32 $0x2880;
	[dreg:$0x3] =	wrdreg s26  }
0xe: {  	s8 =	sadd.s32 s11, s1;
	s12 =	sadd.s32 s0, s9;
	s5 =	sadd.s32 s11, s15  }
0xf: {  	s16 =	sadd.s32 s0, s6;
	s6 =	sadd.s32 s0, s22;
	s9 =	sshll.u32 s23, $0x5  }
0x10: {  	s7 =	sadd.s32 s11, s24;
	s26 =	sshrl.u32 s14, $0x3;
	s14 =	sshll.u32 s14, $0x5  }
0x11: {  	s13 =	smax.u32 s13, $0x1;
	s15 =	simm.s32 $0x80;
	[dreg:$0x4] =	wrdreg s8  }
0x12: {  	s22 =	simm.s32 $0x3880;
	s23 =	simm.s32 $0x4080;
	[dreg:$0x5] =	wrdreg s12  }
0x13: {  	s24 =	simm.s32 $0x4880;
	s8 =	sor.u32 $0x180, s10;
	[dreg:$0x6] =	wrdreg s5  }
0x14: {  	[dreg:$0x7] =	wrdreg s16;
	s5 =	sadd.s32 s11, s21;
	s12 =	sor.u32 $0x300, s10  }
0x15: {  	s16 =	simm.s32 $0x880;
	s21 =	simm.s32 $0x3080;
	s17 =	sshrl.u32 s8, $0x3  }
0x16: {  	s19 =	sshll.u32 s8, $0x5;
	s8 =	sadd.s32 s0, s9;
	s25 =	sshrl.u32 s12, $0x3  }
0x17: {  	s12 =	sshll.u32 s12, $0x5;
	s18 =	sadd.s32 s11, s17;
	s4 =	sadd.s32 s0, s19  }
0x18: {  	s9 =	sadd.s32 s11, s25;
	s10 =	sadd.s32 s0, s12;
	s11 =	sadd.s32 s11, s26  }
0x19: {  	v2 =	vlaneseq.u32;
	s12 =	sadd.s32 s0, s14;
	s14 =	simm.s32 $0x2;
	s17 =	simm.s32 $0x1080  }
0x1a: {  	vm0 =	vmmov $0xffff;
	v1 =	vshrl.u32 v2, $0x3;
	s19 =	simm.s32 $0x2080;
	s25 =	simm.s32 $0x5080;
	s26 =	simm.s32 $0x5880  }
0x1b: {  	v0 =	vand.u32 $0x7, v2;
	v2 =	vor.u32 $0x8, v2;
	v1 =	vmul.u32 $0x8, v1;
	s0 =	simm.s32 $0x1;
	[dreg:$0x8] =	wrdreg s18;
	s18 =	simm.s32 $0x1880  }
.LBB2_1:
0x1c: {  	s1 =	rddreg [dreg:$0x2]  }
0x1d: {  	[tilespmem:s2], [sflag:$0x2] =	stream.linear.gather [hbm4b:s1+s2], $0x80, $0x38;
	[tilespmem:$0x8080] =	vst v63  }
0x1e: {  	_ =	swait.ge [sflag:s14], $0x80  }
0x1f: {  	[sflag:s14] =	ssyncset.done $0x0  }
0x20: {  	[sflag:s14] =	ssyncadd.s32 $0xFFFFFF80  }
0x21: {  	v3 =	vld [tilespmem:$0x0];
	_ =	sdelay $0x4  }
0x22: {  	v4 =	vshll.u32 v3, $0x1  }
0x23: {  	v3 =	vand.u32 $0x7, v3;
	v4 =	vand.u32 $0xFFFFFFF0, v4  }
0x24: {  	v3 =	vor.u32 v3, v4  }
0x25: {  	v4 =	vperm.xlane v3, v0;
	_ =	sdelay $0x1  }
0x26: {  	v3 =	vperm.xlane v3, v2;
	v4 =	vadd.s32 v1, v4;
	_ =	sdelay $0x1  }
0x27: {  	v3 =	vadd.s32 v1, v3;
	_ =	sdelay $0x2  }
0x28: {  	[tilespmem:s15], [sflag:$0x1] =	stream.indirect_vreg.gather [hbm4b:s3+s2], $0x80, v4, vm0, $0xb8;
	[tilespmem:$0x8080] =	vst v63  }
0x29: {  	_ = 	snop  }
0x2a: {  	[tilespmem:s16], [sflag:$0x1] =	stream.indirect_vreg.gather [hbm4b:s3+s2], $0x80, v3, vm0, $0xb8;
	[tilespmem:$0x8080] =	vst v63  }
0x2b: {  	v3 =	vld [tilespmem:$0x10];
	_ =	sdelay $0x4  }
0x2c: {  	v57 =	vshll.u32 v3, $0x1  }
0x2d: {  	v3 =	vand.u32 $0x7, v3;
	v4 =	vand.u32 $0xFFFFFFF0, v57  }
0x2e: {  	v3 =	vor.u32 v3, v4  }
0x2f: {  	v4 =	vperm.xlane v3, v0;
	_ =	sdelay $0x1  }
0x30: {  	v3 =	vperm.xlane v3, v2;
	v4 =	vadd.s32 v1, v4;
	_ =	sdelay $0x1  }
0x31: {  	v3 =	vadd.s32 v1, v3;
	_ =	sdelay $0x2  }
0x32: {  	[tilespmem:s17], [sflag:$0x1] =	stream.indirect_vreg.gather [hbm4b:s3+s2], $0x80, v4, vm0, $0xb8;
	[tilespmem:$0x8080] =	vst v63  }
0x33: {  	_ = 	snop  }
0x34: {  	[tilespmem:s18], [sflag:$0x1] =	stream.indirect_vreg.gather [hbm4b:s3+s2], $0x80, v3, vm0, $0xb8;
	[tilespmem:$0x8080] =	vst v63  }
0x35: {  	v3 =	vld [tilespmem:$0x20];
	_ =	sdelay $0x4  }
0x36: {  	v58 =	vshll.u32 v3, $0x1  }
0x37: {  	v3 =	vand.u32 $0x7, v3;
	v4 =	vand.u32 $0xFFFFFFF0, v58  }
0x38: {  	v3 =	vor.u32 v3, v4  }
0x39: {  	v4 =	vperm.xlane v3, v0;
	_ =	sdelay $0x1  }
0x3a: {  	v3 =	vperm.xlane v3, v2;
	v4 =	vadd.s32 v1, v4;
	_ =	sdelay $0x1  }
0x3b: {  	v3 =	vadd.s32 v1, v3;
	_ =	sdelay $0x2  }
0x3c: {  	[tilespmem:s19], [sflag:$0x1] =	stream.indirect_vreg.gather [hbm4b:s3+s2], $0x80, v4, vm0, $0xb8;
	[tilespmem:$0x8080] =	vst v63  }
0x3d: {  	_ = 	snop  }
0x3e: {  	[tilespmem:s20], [sflag:$0x1] =	stream.indirect_vreg.gather [hbm4b:s3+s2], $0x80, v3, vm0, $0xb8;
	[tilespmem:$0x8080] =	vst v63  }
0x3f: {  	v3 =	vld [tilespmem:$0x30];
	_ =	sdelay $0x4  }
0x40: {  	v59 =	vshll.u32 v3, $0x1  }
0x41: {  	v3 =	vand.u32 $0x7, v3;
	v4 =	vand.u32 $0xFFFFFFF0, v59  }
0x42: {  	v3 =	vor.u32 v3, v4  }
0x43: {  	v4 =	vperm.xlane v3, v0;
	_ =	sdelay $0x1  }
0x44: {  	v3 =	vperm.xlane v3, v2;
	v4 =	vadd.s32 v1, v4;
	_ =	sdelay $0x1  }
0x45: {  	v3 =	vadd.s32 v1, v3;
	_ =	sdelay $0x2  }
0x46: {  	[tilespmem:s21], [sflag:$0x1] =	stream.indirect_vreg.gather [hbm4b:s3+s2], $0x80, v4, vm0, $0xb8;
	[tilespmem:$0x8080] =	vst v63  }
0x47: {  	_ = 	snop  }
0x48: {  	[tilespmem:s22], [sflag:$0x1] =	stream.indirect_vreg.gather [hbm4b:s3+s2], $0x80, v3, vm0, $0xb8;
	[tilespmem:$0x8080] =	vst v63  }
0x49: {  	v3 =	vld [tilespmem:$0x40];
	_ =	sdelay $0x4  }
0x4a: {  	v60 =	vshll.u32 v3, $0x1  }
0x4b: {  	v3 =	vand.u32 $0x7, v3;
	v4 =	vand.u32 $0xFFFFFFF0, v60  }
0x4c: {  	v3 =	vor.u32 v3, v4  }
0x4d: {  	v4 =	vperm.xlane v3, v0;
	_ =	sdelay $0x1  }
0x4e: {  	v3 =	vperm.xlane v3, v2;
	v4 =	vadd.s32 v1, v4;
	_ =	sdelay $0x1  }
0x4f: {  	v3 =	vadd.s32 v1, v3;
	_ =	sdelay $0x2  }
0x50: {  	[tilespmem:s23], [sflag:$0x1] =	stream.indirect_vreg.gather [hbm4b:s3+s2], $0x80, v4, vm0, $0xb8;
	[tilespmem:$0x8080] =	vst v63  }
0x51: {  	_ = 	snop  }
0x52: {  	[tilespmem:s24], [sflag:$0x1] =	stream.indirect_vreg.gather [hbm4b:s3+s2], $0x80, v3, vm0, $0xb8;
	[tilespmem:$0x8080] =	vst v63  }
0x53: {  	v3 =	vld [tilespmem:$0x50];
	_ =	sdelay $0x4  }
0x54: {  	v61 =	vshll.u32 v3, $0x1  }
0x55: {  	v3 =	vand.u32 $0x7, v3;
	v4 =	vand.u32 $0xFFFFFFF0, v61  }
0x56: {  	v3 =	vor.u32 v3, v4  }
0x57: {  	v4 =	vperm.xlane v3, v0;
	_ =	sdelay $0x1  }
0x58: {  	v3 =	vperm.xlane v3, v2;
	v4 =	vadd.s32 v1, v4;
	_ =	sdelay $0x1  }
0x59: {  	v3 =	vadd.s32 v1, v3;
	_ =	sdelay $0x2  }
0x5a: {  	[tilespmem:s25], [sflag:$0x1] =	stream.indirect_vreg.gather [hbm4b:s3+s2], $0x80, v4, vm0, $0xb8;
	[tilespmem:$0x8080] =	vst v63  }
0x5b: {  	_ = 	snop  }
0x5c: {  	[tilespmem:s26], [sflag:$0x1] =	stream.indirect_vreg.gather [hbm4b:s3+s2], $0x80, v3, vm0, $0xb8;
	[tilespmem:$0x8080] =	vst v63  }
0x5d: {  	v3 =	vld [tilespmem:$0x60];
	_ =	sdelay $0x4  }
0x5e: {  	v62 =	vshll.u32 v3, $0x1  }
0x5f: {  	v3 =	vand.u32 $0x7, v3;
	v4 =	vand.u32 $0xFFFFFFF0, v62  }
0x60: {  	v3 =	vor.u32 v3, v4  }
0x61: {  	v4 =	vperm.xlane v3, v0;
	_ =	sdelay $0x1  }
0x62: {  	v3 =	vperm.xlane v3, v2;
	v4 =	vadd.s32 v1, v4;
	_ =	sdelay $0x1  }
0x63: {  	v3 =	vadd.s32 v1, v3;
	_ =	sdelay $0x2  }
0x64: {  	[tilespmem:s28], [sflag:$0x1] =	stream.indirect_vreg.gather [hbm4b:s3+s2], $0x80, v4, vm0, $0xb8;
	[tilespmem:$0x8080] =	vst v63  }
0x65: {  	_ = 	snop  }
0x66: {  	[tilespmem:s29], [sflag:$0x1] =	stream.indirect_vreg.gather [hbm4b:s3+s2], $0x80, v3, vm0, $0xb8;
	[tilespmem:$0x8080] =	vst v63  }
0x67: {  	v3 =	vld [tilespmem:$0x70];
	_ =	sdelay $0x4  }
0x68: {  	v63 =	vshll.u32 v3, $0x1  }
0x69: {  	v3 =	vand.u32 $0x7, v3;
	v4 =	vand.u32 $0xFFFFFFF0, v63  }
0x6a: {  	v3 =	vor.u32 v3, v4  }
0x6b: {  	v4 =	vperm.xlane v3, v0;
	_ =	sdelay $0x1  }
0x6c: {  	v3 =	vperm.xlane v3, v2;
	v4 =	vadd.s32 v1, v4;
	_ =	sdelay $0x1  }
0x6d: {  	v3 =	vadd.s32 v1, v3;
	_ =	sdelay $0x2  }
0x6e: {  	[tilespmem:s30], [sflag:$0x1] =	stream.indirect_vreg.gather [hbm4b:s3+s2], $0x80, v4, vm0, $0xb8;
	[tilespmem:$0x8080] =	vst v63  }
0x6f: {  	_ = 	snop  }
0x70: {  	[tilespmem:s31], [sflag:$0x1] =	stream.indirect_vreg.gather [hbm4b:s3+s2], $0x80, v3, vm0, $0xb8;
	[tilespmem:$0x8080] =	vst v63  }
0x71: {  	_ =	swait.ge [sflag:s0], $0x8000  }
0x72: {  	[sflag:s0] =	ssyncset.done $0x0  }
0x73: {  	s1 =	rddreg [dreg:$0x3];
	[sflag:s0] =	ssyncadd.s32 $0xFFFF8000  }
0x74: {  	[hbm4b:s1+s2] =	stream.linear.scatter [tilespmem:s15], [sflag:$0x2], $0x8000, $0x38;
	[tilespmem:$0x8080] =	vst v63  }
0x75: {  	_ =	swait.ge [sflag:s14], $0x8000  }
0x76: {  	[sflag:s14] =	ssyncset.done $0x0  }
0x77: {  	s1 =	rddreg [dreg:$0x4];
	[sflag:s14] =	ssyncadd.s32 $0xFFFF8000  }
0x78: {  	[tilespmem:s2], [sflag:$0x2] =	stream.linear.gather [hbm4b:s1+s2], $0x80, $0x38;
	[tilespmem:$0x8080] =	vst v63  }
0x79: {  	_ =	swait.ge [sflag:s14], $0x80  }
0x7a: {  	[sflag:s14] =	ssyncset.done $0x0  }
0x7b: {  	[sflag:s14] =	ssyncadd.s32 $0xFFFFFF80  }
0x7c: {  	v3 =	vld [tilespmem:$0x0];
	_ =	sdelay $0x4  }
0x7d: {  	v8 =	vshll.u32 v3, $0x1  }
0x7e: {  	v3 =	vand.u32 $0x7, v3;
	v4 =	vand.u32 $0xFFFFFFF0, v8  }
0x7f: {  	v3 =	vor.u32 v3, v4  }
0x80: {  	v4 =	vperm.xlane v3, v0;
	_ =	sdelay $0x1  }
0x81: {  	v3 =	vperm.xlane v3, v2;
	v4 =	vadd.s32 v1, v4;
	_ =	sdelay $0x1  }
0x82: {  	v3 =	vadd.s32 v1, v3;
	_ =	sdelay $0x2  }
0x83: {  	[tilespmem:s15], [sflag:$0x1] =	stream.indirect_vreg.gather [hbm4b:s3+s2], $0x80, v4, vm0, $0xb8;
	[tilespmem:$0x8080] =	vst v63  }
0x84: {  	_ = 	snop  }
0x85: {  	[tilespmem:s16], [sflag:$0x1] =	stream.indirect_vreg.gather [hbm4b:s3+s2], $0x80, v3, vm0, $0xb8;
	[tilespmem:$0x8080] =	vst v63  }
0x86: {  	v3 =	vld [tilespmem:$0x10];
	_ =	sdelay $0x4  }
0x87: {  	v9 =	vshll.u32 v3, $0x1  }
0x88: {  	v3 =	vand.u32 $0x7, v3;
	v4 =	vand.u32 $0xFFFFFFF0, v9  }
0x89: {  	v3 =	vor.u32 v3, v4  }
0x8a: {  	v4 =	vperm.xlane v3, v0;
	_ =	sdelay $0x1  }
0x8b: {  	v3 =	vperm.xlane v3, v2;
	v4 =	vadd.s32 v1, v4;
	_ =	sdelay $0x1  }
0x8c: {  	v3 =	vadd.s32 v1, v3;
	_ =	sdelay $0x2  }
0x8d: {  	[tilespmem:s17], [sflag:$0x1] =	stream.indirect_vreg.gather [hbm4b:s3+s2], $0x80, v4, vm0, $0xb8;
	[tilespmem:$0x8080] =	vst v63  }
0x8e: {  	_ = 	snop  }
0x8f: {  	[tilespmem:s18], [sflag:$0x1] =	stream.indirect_vreg.gather [hbm4b:s3+s2], $0x80, v3, vm0, $0xb8;
	[tilespmem:$0x8080] =	vst v63  }
0x90: {  	v3 =	vld [tilespmem:$0x20];
	_ =	sdelay $0x4  }
0x91: {  	v10 =	vshll.u32 v3, $0x1  }
0x92: {  	v3 =	vand.u32 $0x7, v3;
	v4 =	vand.u32 $0xFFFFFFF0, v10  }
0x93: {  	v3 =	vor.u32 v3, v4  }
0x94: {  	v4 =	vperm.xlane v3, v0;
	_ =	sdelay $0x1  }
0x95: {  	v3 =	vperm.xlane v3, v2;
	v4 =	vadd.s32 v1, v4;
	_ =	sdelay $0x1  }
0x96: {  	v3 =	vadd.s32 v1, v3;
	_ =	sdelay $0x2  }
0x97: {  	[tilespmem:s19], [sflag:$0x1] =	stream.indirect_vreg.gather [hbm4b:s3+s2], $0x80, v4, vm0, $0xb8;
	[tilespmem:$0x8080] =	vst v63  }
0x98: {  	_ = 	snop  }
0x99: {  	[tilespmem:s20], [sflag:$0x1] =	stream.indirect_vreg.gather [hbm4b:s3+s2], $0x80, v3, vm0, $0xb8;
	[tilespmem:$0x8080] =	vst v63  }
0x9a: {  	v3 =	vld [tilespmem:$0x30];
	_ =	sdelay $0x4  }
0x9b: {  	v11 =	vshll.u32 v3, $0x1  }
0x9c: {  	v3 =	vand.u32 $0x7, v3;
	v4 =	vand.u32 $0xFFFFFFF0, v11  }
0x9d: {  	v3 =	vor.u32 v3, v4  }
0x9e: {  	v4 =	vperm.xlane v3, v0;
	_ =	sdelay $0x1  }
0x9f: {  	v3 =	vperm.xlane v3, v2;
	v4 =	vadd.s32 v1, v4;
	_ =	sdelay $0x1  }
0xa0: {  	v3 =	vadd.s32 v1, v3;
	_ =	sdelay $0x2  }
0xa1: {  	[tilespmem:s21], [sflag:$0x1] =	stream.indirect_vreg.gather [hbm4b:s3+s2], $0x80, v4, vm0, $0xb8;
	[tilespmem:$0x8080] =	vst v63  }
0xa2: {  	_ = 	snop  }
0xa3: {  	[tilespmem:s22], [sflag:$0x1] =	stream.indirect_vreg.gather [hbm4b:s3+s2], $0x80, v3, vm0, $0xb8;
	[tilespmem:$0x8080] =	vst v63  }
0xa4: {  	v3 =	vld [tilespmem:$0x40];
	_ =	sdelay $0x4  }
0xa5: {  	v12 =	vshll.u32 v3, $0x1  }
0xa6: {  	v3 =	vand.u32 $0x7, v3;
	v4 =	vand.u32 $0xFFFFFFF0, v12  }
0xa7: {  	v3 =	vor.u32 v3, v4  }
0xa8: {  	v4 =	vperm.xlane v3, v0;
	_ =	sdelay $0x1  }
0xa9: {  	v3 =	vperm.xlane v3, v2;
	v4 =	vadd.s32 v1, v4;
	_ =	sdelay $0x1  }
0xaa: {  	v3 =	vadd.s32 v1, v3;
	_ =	sdelay $0x2  }
0xab: {  	[tilespmem:s23], [sflag:$0x1] =	stream.indirect_vreg.gather [hbm4b:s3+s2], $0x80, v4, vm0, $0xb8;
	[tilespmem:$0x8080] =	vst v63  }
0xac: {  	_ = 	snop  }
0xad: {  	[tilespmem:s24], [sflag:$0x1] =	stream.indirect_vreg.gather [hbm4b:s3+s2], $0x80, v3, vm0, $0xb8;
	[tilespmem:$0x8080] =	vst v63  }
0xae: {  	v3 =	vld [tilespmem:$0x50];
	_ =	sdelay $0x4  }
0xaf: {  	v13 =	vshll.u32 v3, $0x1  }
0xb0: {  	v3 =	vand.u32 $0x7, v3;
	v4 =	vand.u32 $0xFFFFFFF0, v13  }
0xb1: {  	v3 =	vor.u32 v3, v4  }
0xb2: {  	v4 =	vperm.xlane v3, v0;
	_ =	sdelay $0x1  }
0xb3: {  	v3 =	vperm.xlane v3, v2;
	v4 =	vadd.s32 v1, v4;
	_ =	sdelay $0x1  }
0xb4: {  	v3 =	vadd.s32 v1, v3;
	_ =	sdelay $0x2  }
0xb5: {  	[tilespmem:s25], [sflag:$0x1] =	stream.indirect_vreg.gather [hbm4b:s3+s2], $0x80, v4, vm0, $0xb8;
	[tilespmem:$0x8080] =	vst v63  }
0xb6: {  	_ = 	snop  }
0xb7: {  	[tilespmem:s26], [sflag:$0x1] =	stream.indirect_vreg.gather [hbm4b:s3+s2], $0x80, v3, vm0, $0xb8;
	[tilespmem:$0x8080] =	vst v63  }
0xb8: {  	v3 =	vld [tilespmem:$0x60];
	_ =	sdelay $0x4  }
0xb9: {  	v14 =	vshll.u32 v3, $0x1  }
0xba: {  	v3 =	vand.u32 $0x7, v3;
	v4 =	vand.u32 $0xFFFFFFF0, v14  }
0xbb: {  	v3 =	vor.u32 v3, v4  }
0xbc: {  	v4 =	vperm.xlane v3, v0;
	_ =	sdelay $0x1  }
0xbd: {  	v3 =	vperm.xlane v3, v2;
	v4 =	vadd.s32 v1, v4;
	_ =	sdelay $0x1  }
0xbe: {  	v3 =	vadd.s32 v1, v3;
	_ =	sdelay $0x2  }
0xbf: {  	[tilespmem:s28], [sflag:$0x1] =	stream.indirect_vreg.gather [hbm4b:s3+s2], $0x80, v4, vm0, $0xb8;
	[tilespmem:$0x8080] =	vst v63  }
0xc0: {  	_ = 	snop  }
0xc1: {  	[tilespmem:s29], [sflag:$0x1] =	stream.indirect_vreg.gather [hbm4b:s3+s2], $0x80, v3, vm0, $0xb8;
	[tilespmem:$0x8080] =	vst v63  }
0xc2: {  	v3 =	vld [tilespmem:$0x70];
	_ =	sdelay $0x4  }
0xc3: {  	v15 =	vshll.u32 v3, $0x1  }
0xc4: {  	v3 =	vand.u32 $0x7, v3;
	v4 =	vand.u32 $0xFFFFFFF0, v15  }
0xc5: {  	v3 =	vor.u32 v3, v4  }
0xc6: {  	v4 =	vperm.xlane v3, v0;
	_ =	sdelay $0x1  }
0xc7: {  	v3 =	vperm.xlane v3, v2;
	v4 =	vadd.s32 v1, v4;
	_ =	sdelay $0x1  }
0xc8: {  	v3 =	vadd.s32 v1, v3;
	_ =	sdelay $0x2  }
0xc9: {  	[tilespmem:s30], [sflag:$0x1] =	stream.indirect_vreg.gather [hbm4b:s3+s2], $0x80, v4, vm0, $0xb8;
	[tilespmem:$0x8080] =	vst v63  }
0xca: {  	_ = 	snop  }
0xcb: {  	[tilespmem:s31], [sflag:$0x1] =	stream.indirect_vreg.gather [hbm4b:s3+s2], $0x80, v3, vm0, $0xb8;
	[tilespmem:$0x8080] =	vst v63  }
0xcc: {  	_ =	swait.ge [sflag:s0], $0x8000  }
0xcd: {  	[sflag:s0] =	ssyncset.done $0x0  }
0xce: {  	s1 =	rddreg [dreg:$0x5];
	[sflag:s0] =	ssyncadd.s32 $0xFFFF8000  }
0xcf: {  	[hbm4b:s1+s2] =	stream.linear.scatter [tilespmem:s15], [sflag:$0x2], $0x8000, $0x38;
	[tilespmem:$0x8080] =	vst v63  }
0xd0: {  	_ =	swait.ge [sflag:s14], $0x8000  }
0xd1: {  	[sflag:s14] =	ssyncset.done $0x0  }
0xd2: {  	s1 =	rddreg [dreg:$0x6];
	[sflag:s14] =	ssyncadd.s32 $0xFFFF8000  }
0xd3: {  	[tilespmem:s2], [sflag:$0x2] =	stream.linear.gather [hbm4b:s1+s2], $0x80, $0x38;
	[tilespmem:$0x8080] =	vst v63  }
0xd4: {  	_ =	swait.ge [sflag:s14], $0x80  }
0xd5: {  	[sflag:s14] =	ssyncset.done $0x0  }
0xd6: {  	[sflag:s14] =	ssyncadd.s32 $0xFFFFFF80  }
0xd7: {  	v3 =	vld [tilespmem:$0x0];
	_ =	sdelay $0x4  }
0xd8: {  	v16 =	vshll.u32 v3, $0x1  }
0xd9: {  	v3 =	vand.u32 $0x7, v3;
	v4 =	vand.u32 $0xFFFFFFF0, v16  }
0xda: {  	v3 =	vor.u32 v3, v4  }
0xdb: {  	v4 =	vperm.xlane v3, v0;
	_ =	sdelay $0x1  }
0xdc: {  	v3 =	vperm.xlane v3, v2;
	v4 =	vadd.s32 v1, v4;
	_ =	sdelay $0x1  }
0xdd: {  	v3 =	vadd.s32 v1, v3;
	_ =	sdelay $0x2  }
0xde: {  	[tilespmem:s15], [sflag:$0x1] =	stream.indirect_vreg.gather [hbm4b:s3+s2], $0x80, v4, vm0, $0xb8;
	[tilespmem:$0x8080] =	vst v63  }
0xdf: {  	_ = 	snop  }
0xe0: {  	[tilespmem:s16], [sflag:$0x1] =	stream.indirect_vreg.gather [hbm4b:s3+s2], $0x80, v3, vm0, $0xb8;
	[tilespmem:$0x8080] =	vst v63  }
0xe1: {  	v3 =	vld [tilespmem:$0x10];
	_ =	sdelay $0x4  }
0xe2: {  	v17 =	vshll.u32 v3, $0x1  }
0xe3: {  	v3 =	vand.u32 $0x7, v3;
	v4 =	vand.u32 $0xFFFFFFF0, v17  }
0xe4: {  	v3 =	vor.u32 v3, v4  }
0xe5: {  	v4 =	vperm.xlane v3, v0;
	_ =	sdelay $0x1  }
0xe6: {  	v3 =	vperm.xlane v3, v2;
	v4 =	vadd.s32 v1, v4;
	_ =	sdelay $0x1  }
0xe7: {  	v3 =	vadd.s32 v1, v3;
	_ =	sdelay $0x2  }
0xe8: {  	[tilespmem:s17], [sflag:$0x1] =	stream.indirect_vreg.gather [hbm4b:s3+s2], $0x80, v4, vm0, $0xb8;
	[tilespmem:$0x8080] =	vst v63  }
0xe9: {  	_ = 	snop  }
0xea: {  	[tilespmem:s18], [sflag:$0x1] =	stream.indirect_vreg.gather [hbm4b:s3+s2], $0x80, v3, vm0, $0xb8;
	[tilespmem:$0x8080] =	vst v63  }
0xeb: {  	v3 =	vld [tilespmem:$0x20];
	_ =	sdelay $0x4  }
0xec: {  	v18 =	vshll.u32 v3, $0x1  }
0xed: {  	v3 =	vand.u32 $0x7, v3;
	v4 =	vand.u32 $0xFFFFFFF0, v18  }
0xee: {  	v3 =	vor.u32 v3, v4  }
0xef: {  	v4 =	vperm.xlane v3, v0;
	_ =	sdelay $0x1  }
0xf0: {  	v3 =	vperm.xlane v3, v2;
	v4 =	vadd.s32 v1, v4;
	_ =	sdelay $0x1  }
0xf1: {  	v3 =	vadd.s32 v1, v3;
	_ =	sdelay $0x2  }
0xf2: {  	[tilespmem:s19], [sflag:$0x1] =	stream.indirect_vreg.gather [hbm4b:s3+s2], $0x80, v4, vm0, $0xb8;
	[tilespmem:$0x8080] =	vst v63  }
0xf3: {  	_ = 	snop  }
0xf4: {  	[tilespmem:s20], [sflag:$0x1] =	stream.indirect_vreg.gather [hbm4b:s3+s2], $0x80, v3, vm0, $0xb8;
	[tilespmem:$0x8080] =	vst v63  }
0xf5: {  	v3 =	vld [tilespmem:$0x30];
	_ =	sdelay $0x4  }
0xf6: {  	v19 =	vshll.u32 v3, $0x1  }
0xf7: {  	v3 =	vand.u32 $0x7, v3;
	v4 =	vand.u32 $0xFFFFFFF0, v19  }
0xf8: {  	v3 =	vor.u32 v3, v4  }
0xf9: {  	v4 =	vperm.xlane v3, v0;
	_ =	sdelay $0x1  }
0xfa: {  	v3 =	vperm.xlane v3, v2;
	v4 =	vadd.s32 v1, v4;
	_ =	sdelay $0x1  }
0xfb: {  	v3 =	vadd.s32 v1, v3;
	_ =	sdelay $0x2  }
0xfc: {  	[tilespmem:s21], [sflag:$0x1] =	stream.indirect_vreg.gather [hbm4b:s3+s2], $0x80, v4, vm0, $0xb8;
	[tilespmem:$0x8080] =	vst v63  }
0xfd: {  	_ = 	snop  }
0xfe: {  	[tilespmem:s22], [sflag:$0x1] =	stream.indirect_vreg.gather [hbm4b:s3+s2], $0x80, v3, vm0, $0xb8;
	[tilespmem:$0x8080] =	vst v63  }
0xff: {  	v3 =	vld [tilespmem:$0x40];
	_ =	sdelay $0x4  }
0x100: {  	v20 =	vshll.u32 v3, $0x1  }
0x101: {  	v3 =	vand.u32 $0x7, v3;
	v4 =	vand.u32 $0xFFFFFFF0, v20  }
0x102: {  	v3 =	vor.u32 v3, v4  }
0x103: {  	v4 =	vperm.xlane v3, v0;
	_ =	sdelay $0x1  }
0x104: {  	v3 =	vperm.xlane v3, v2;
	v4 =	vadd.s32 v1, v4;
	_ =	sdelay $0x1  }
0x105: {  	v3 =	vadd.s32 v1, v3;
	_ =	sdelay $0x2  }
0x106: {  	[tilespmem:s23], [sflag:$0x1] =	stream.indirect_vreg.gather [hbm4b:s3+s2], $0x80, v4, vm0, $0xb8;
	[tilespmem:$0x8080] =	vst v63  }
0x107: {  	_ = 	snop  }
0x108: {  	[tilespmem:s24], [sflag:$0x1] =	stream.indirect_vreg.gather [hbm4b:s3+s2], $0x80, v3, vm0, $0xb8;
	[tilespmem:$0x8080] =	vst v63  }
0x109: {  	v3 =	vld [tilespmem:$0x50];
	_ =	sdelay $0x4  }
0x10a: {  	v21 =	vshll.u32 v3, $0x1  }
0x10b: {  	v3 =	vand.u32 $0x7, v3;
	v4 =	vand.u32 $0xFFFFFFF0, v21  }
0x10c: {  	v3 =	vor.u32 v3, v4  }
0x10d: {  	v4 =	vperm.xlane v3, v0;
	_ =	sdelay $0x1  }
0x10e: {  	v3 =	vperm.xlane v3, v2;
	v4 =	vadd.s32 v1, v4;
	_ =	sdelay $0x1  }
0x10f: {  	v3 =	vadd.s32 v1, v3;
	_ =	sdelay $0x2  }
0x110: {  	[tilespmem:s25], [sflag:$0x1] =	stream.indirect_vreg.gather [hbm4b:s3+s2], $0x80, v4, vm0, $0xb8;
	[tilespmem:$0x8080] =	vst v63  }
0x111: {  	_ = 	snop  }
0x112: {  	[tilespmem:s26], [sflag:$0x1] =	stream.indirect_vreg.gather [hbm4b:s3+s2], $0x80, v3, vm0, $0xb8;
	[tilespmem:$0x8080] =	vst v63  }
0x113: {  	v3 =	vld [tilespmem:$0x60];
	_ =	sdelay $0x4  }
0x114: {  	v22 =	vshll.u32 v3, $0x1  }
0x115: {  	v3 =	vand.u32 $0x7, v3;
	v4 =	vand.u32 $0xFFFFFFF0, v22  }
0x116: {  	v3 =	vor.u32 v3, v4  }
0x117: {  	v4 =	vperm.xlane v3, v0;
	_ =	sdelay $0x1  }
0x118: {  	v3 =	vperm.xlane v3, v2;
	v4 =	vadd.s32 v1, v4;
	_ =	sdelay $0x1  }
0x119: {  	v3 =	vadd.s32 v1, v3;
	_ =	sdelay $0x2  }
0x11a: {  	[tilespmem:s28], [sflag:$0x1] =	stream.indirect_vreg.gather [hbm4b:s3+s2], $0x80, v4, vm0, $0xb8;
	[tilespmem:$0x8080] =	vst v63  }
0x11b: {  	_ = 	snop  }
0x11c: {  	[tilespmem:s29], [sflag:$0x1] =	stream.indirect_vreg.gather [hbm4b:s3+s2], $0x80, v3, vm0, $0xb8;
	[tilespmem:$0x8080] =	vst v63  }
0x11d: {  	v3 =	vld [tilespmem:$0x70];
	_ =	sdelay $0x4  }
0x11e: {  	v23 =	vshll.u32 v3, $0x1  }
0x11f: {  	v3 =	vand.u32 $0x7, v3;
	v4 =	vand.u32 $0xFFFFFFF0, v23  }
0x120: {  	v3 =	vor.u32 v3, v4  }
0x121: {  	v4 =	vperm.xlane v3, v0;
	_ =	sdelay $0x1  }
0x122: {  	v3 =	vperm.xlane v3, v2;
	v4 =	vadd.s32 v1, v4;
	_ =	sdelay $0x1  }
0x123: {  	v3 =	vadd.s32 v1, v3;
	_ =	sdelay $0x2  }
0x124: {  	[tilespmem:s30], [sflag:$0x1] =	stream.indirect_vreg.gather [hbm4b:s3+s2], $0x80, v4, vm0, $0xb8;
	[tilespmem:$0x8080] =	vst v63  }
0x125: {  	_ = 	snop  }
0x126: {  	[tilespmem:s31], [sflag:$0x1] =	stream.indirect_vreg.gather [hbm4b:s3+s2], $0x80, v3, vm0, $0xb8;
	[tilespmem:$0x8080] =	vst v63  }
0x127: {  	_ =	swait.ge [sflag:s0], $0x8000  }
0x128: {  	[sflag:s0] =	ssyncset.done $0x0  }
0x129: {  	s1 =	rddreg [dreg:$0x7];
	[sflag:s0] =	ssyncadd.s32 $0xFFFF8000  }
0x12a: {  	[hbm4b:s1+s2] =	stream.linear.scatter [tilespmem:s15], [sflag:$0x2], $0x8000, $0x38;
	[tilespmem:$0x8080] =	vst v63  }
0x12b: {  	_ =	swait.ge [sflag:s14], $0x8000  }
0x12c: {  	[sflag:s14] =	ssyncset.done $0x0  }
0x12d: {  	s1 =	rddreg [dreg:$0x8];
	[sflag:s14] =	ssyncadd.s32 $0xFFFF8000  }
0x12e: {  	[tilespmem:s2], [sflag:$0x2] =	stream.linear.gather [hbm4b:s1+s2], $0x80, $0x38;
	[tilespmem:$0x8080] =	vst v63  }
0x12f: {  	_ =	swait.ge [sflag:s14], $0x80  }
0x130: {  	[sflag:s14] =	ssyncset.done $0x0  }
0x131: {  	[sflag:s14] =	ssyncadd.s32 $0xFFFFFF80  }
0x132: {  	v3 =	vld [tilespmem:$0x0];
	_ =	sdelay $0x4  }
0x133: {  	v24 =	vshll.u32 v3, $0x1  }
0x134: {  	v3 =	vand.u32 $0x7, v3;
	v4 =	vand.u32 $0xFFFFFFF0, v24  }
0x135: {  	v3 =	vor.u32 v3, v4  }
0x136: {  	v4 =	vperm.xlane v3, v0;
	_ =	sdelay $0x1  }
0x137: {  	v3 =	vperm.xlane v3, v2;
	v4 =	vadd.s32 v1, v4;
	_ =	sdelay $0x1  }
0x138: {  	v3 =	vadd.s32 v1, v3;
	_ =	sdelay $0x2  }
0x139: {  	[tilespmem:s15], [sflag:$0x1] =	stream.indirect_vreg.gather [hbm4b:s3+s2], $0x80, v4, vm0, $0xb8;
	[tilespmem:$0x8080] =	vst v63  }
0x13a: {  	_ = 	snop  }
0x13b: {  	[tilespmem:s16], [sflag:$0x1] =	stream.indirect_vreg.gather [hbm4b:s3+s2], $0x80, v3, vm0, $0xb8;
	[tilespmem:$0x8080] =	vst v63  }
0x13c: {  	v3 =	vld [tilespmem:$0x10];
	_ =	sdelay $0x4  }
0x13d: {  	v25 =	vshll.u32 v3, $0x1  }
0x13e: {  	v3 =	vand.u32 $0x7, v3;
	v4 =	vand.u32 $0xFFFFFFF0, v25  }
0x13f: {  	v3 =	vor.u32 v3, v4  }
0x140: {  	v4 =	vperm.xlane v3, v0;
	_ =	sdelay $0x1  }
0x141: {  	v3 =	vperm.xlane v3, v2;
	v4 =	vadd.s32 v1, v4;
	_ =	sdelay $0x1  }
0x142: {  	v3 =	vadd.s32 v1, v3;
	_ =	sdelay $0x2  }
0x143: {  	[tilespmem:s17], [sflag:$0x1] =	stream.indirect_vreg.gather [hbm4b:s3+s2], $0x80, v4, vm0, $0xb8;
	[tilespmem:$0x8080] =	vst v63  }
0x144: {  	_ = 	snop  }
0x145: {  	[tilespmem:s18], [sflag:$0x1] =	stream.indirect_vreg.gather [hbm4b:s3+s2], $0x80, v3, vm0, $0xb8;
	[tilespmem:$0x8080] =	vst v63  }
0x146: {  	v3 =	vld [tilespmem:$0x20];
	_ =	sdelay $0x4  }
0x147: {  	v26 =	vshll.u32 v3, $0x1  }
0x148: {  	v3 =	vand.u32 $0x7, v3;
	v4 =	vand.u32 $0xFFFFFFF0, v26  }
0x149: {  	v3 =	vor.u32 v3, v4  }
0x14a: {  	v4 =	vperm.xlane v3, v0;
	_ =	sdelay $0x1  }
0x14b: {  	v3 =	vperm.xlane v3, v2;
	v4 =	vadd.s32 v1, v4;
	_ =	sdelay $0x1  }
0x14c: {  	v3 =	vadd.s32 v1, v3;
	_ =	sdelay $0x2  }
0x14d: {  	[tilespmem:s19], [sflag:$0x1] =	stream.indirect_vreg.gather [hbm4b:s3+s2], $0x80, v4, vm0, $0xb8;
	[tilespmem:$0x8080] =	vst v63  }
0x14e: {  	_ = 	snop  }
0x14f: {  	[tilespmem:s20], [sflag:$0x1] =	stream.indirect_vreg.gather [hbm4b:s3+s2], $0x80, v3, vm0, $0xb8;
	[tilespmem:$0x8080] =	vst v63  }
0x150: {  	v3 =	vld [tilespmem:$0x30];
	_ =	sdelay $0x4  }
0x151: {  	v27 =	vshll.u32 v3, $0x1  }
0x152: {  	v3 =	vand.u32 $0x7, v3;
	v4 =	vand.u32 $0xFFFFFFF0, v27  }
0x153: {  	v3 =	vor.u32 v3, v4  }
0x154: {  	v4 =	vperm.xlane v3, v0;
	_ =	sdelay $0x1  }
0x155: {  	v3 =	vperm.xlane v3, v2;
	v4 =	vadd.s32 v1, v4;
	_ =	sdelay $0x1  }
0x156: {  	v3 =	vadd.s32 v1, v3;
	_ =	sdelay $0x2  }
0x157: {  	[tilespmem:s21], [sflag:$0x1] =	stream.indirect_vreg.gather [hbm4b:s3+s2], $0x80, v4, vm0, $0xb8;
	[tilespmem:$0x8080] =	vst v63  }
0x158: {  	_ = 	snop  }
0x159: {  	[tilespmem:s22], [sflag:$0x1] =	stream.indirect_vreg.gather [hbm4b:s3+s2], $0x80, v3, vm0, $0xb8;
	[tilespmem:$0x8080] =	vst v63  }
0x15a: {  	v3 =	vld [tilespmem:$0x40];
	_ =	sdelay $0x4  }
0x15b: {  	v28 =	vshll.u32 v3, $0x1  }
0x15c: {  	v3 =	vand.u32 $0x7, v3;
	v4 =	vand.u32 $0xFFFFFFF0, v28  }
0x15d: {  	v3 =	vor.u32 v3, v4  }
0x15e: {  	v4 =	vperm.xlane v3, v0;
	_ =	sdelay $0x1  }
0x15f: {  	v3 =	vperm.xlane v3, v2;
	v4 =	vadd.s32 v1, v4;
	_ =	sdelay $0x1  }
0x160: {  	v3 =	vadd.s32 v1, v3;
	_ =	sdelay $0x2  }
0x161: {  	[tilespmem:s23], [sflag:$0x1] =	stream.indirect_vreg.gather [hbm4b:s3+s2], $0x80, v4, vm0, $0xb8;
	[tilespmem:$0x8080] =	vst v63  }
0x162: {  	_ = 	snop  }
0x163: {  	[tilespmem:s24], [sflag:$0x1] =	stream.indirect_vreg.gather [hbm4b:s3+s2], $0x80, v3, vm0, $0xb8;
	[tilespmem:$0x8080] =	vst v63  }
0x164: {  	v3 =	vld [tilespmem:$0x50];
	_ =	sdelay $0x4  }
0x165: {  	v29 =	vshll.u32 v3, $0x1  }
0x166: {  	v3 =	vand.u32 $0x7, v3;
	v4 =	vand.u32 $0xFFFFFFF0, v29  }
0x167: {  	v3 =	vor.u32 v3, v4  }
0x168: {  	v4 =	vperm.xlane v3, v0;
	_ =	sdelay $0x1  }
0x169: {  	v3 =	vperm.xlane v3, v2;
	v4 =	vadd.s32 v1, v4;
	_ =	sdelay $0x1  }
0x16a: {  	v3 =	vadd.s32 v1, v3;
	_ =	sdelay $0x2  }
0x16b: {  	[tilespmem:s25], [sflag:$0x1] =	stream.indirect_vreg.gather [hbm4b:s3+s2], $0x80, v4, vm0, $0xb8;
	[tilespmem:$0x8080] =	vst v63  }
0x16c: {  	_ = 	snop  }
0x16d: {  	[tilespmem:s26], [sflag:$0x1] =	stream.indirect_vreg.gather [hbm4b:s3+s2], $0x80, v3, vm0, $0xb8;
	[tilespmem:$0x8080] =	vst v63  }
0x16e: {  	v3 =	vld [tilespmem:$0x60];
	_ =	sdelay $0x4  }
0x16f: {  	v30 =	vshll.u32 v3, $0x1  }
0x170: {  	v3 =	vand.u32 $0x7, v3;
	v4 =	vand.u32 $0xFFFFFFF0, v30  }
0x171: {  	v3 =	vor.u32 v3, v4  }
0x172: {  	v4 =	vperm.xlane v3, v0;
	_ =	sdelay $0x1  }
0x173: {  	v3 =	vperm.xlane v3, v2;
	v4 =	vadd.s32 v1, v4;
	_ =	sdelay $0x1  }
0x174: {  	v3 =	vadd.s32 v1, v3;
	_ =	sdelay $0x2  }
0x175: {  	[tilespmem:s28], [sflag:$0x1] =	stream.indirect_vreg.gather [hbm4b:s3+s2], $0x80, v4, vm0, $0xb8;
	[tilespmem:$0x8080] =	vst v63  }
0x176: {  	_ = 	snop  }
0x177: {  	[tilespmem:s29], [sflag:$0x1] =	stream.indirect_vreg.gather [hbm4b:s3+s2], $0x80, v3, vm0, $0xb8;
	[tilespmem:$0x8080] =	vst v63  }
0x178: {  	v3 =	vld [tilespmem:$0x70];
	_ =	sdelay $0x4  }
0x179: {  	v31 =	vshll.u32 v3, $0x1  }
0x17a: {  	v3 =	vand.u32 $0x7, v3;
	v4 =	vand.u32 $0xFFFFFFF0, v31  }
0x17b: {  	v3 =	vor.u32 v3, v4  }
0x17c: {  	v4 =	vperm.xlane v3, v0;
	_ =	sdelay $0x1  }
0x17d: {  	v3 =	vperm.xlane v3, v2;
	v4 =	vadd.s32 v1, v4;
	_ =	sdelay $0x1  }
0x17e: {  	v3 =	vadd.s32 v1, v3;
	_ =	sdelay $0x2  }
0x17f: {  	[tilespmem:s30], [sflag:$0x1] =	stream.indirect_vreg.gather [hbm4b:s3+s2], $0x80, v4, vm0, $0xb8;
	[tilespmem:$0x8080] =	vst v63  }
0x180: {  	_ = 	snop  }
0x181: {  	[tilespmem:s31], [sflag:$0x1] =	stream.indirect_vreg.gather [hbm4b:s3+s2], $0x80, v3, vm0, $0xb8;
	[tilespmem:$0x8080] =	vst v63  }
0x182: {  	_ =	swait.ge [sflag:s0], $0x8000  }
0x183: {  	[sflag:s0] =	ssyncset.done $0x0  }
0x184: {  	[sflag:s0] =	ssyncadd.s32 $0xFFFF8000  }
0x185: {  	[hbm4b:s4+s2] =	stream.linear.scatter [tilespmem:s15], [sflag:$0x2], $0x8000, $0x38;
	[tilespmem:$0x8080] =	vst v63  }
0x186: {  	_ =	swait.ge [sflag:s14], $0x8000  }
0x187: {  	[sflag:s14] =	ssyncset.done $0x0  }
0x188: {  	[sflag:s14] =	ssyncadd.s32 $0xFFFF8000  }
0x189: {  	[tilespmem:s2], [sflag:$0x2] =	stream.linear.gather [hbm4b:s5+s2], $0x80, $0x38;
	[tilespmem:$0x8080] =	vst v63  }
0x18a: {  	_ =	swait.ge [sflag:s14], $0x80  }
0x18b: {  	[sflag:s14] =	ssyncset.done $0x0  }
0x18c: {  	[sflag:s14] =	ssyncadd.s32 $0xFFFFFF80  }
0x18d: {  	v3 =	vld [tilespmem:$0x0];
	_ =	sdelay $0x4  }
0x18e: {  	v32 =	vshll.u32 v3, $0x1  }
0x18f: {  	v3 =	vand.u32 $0x7, v3;
	v4 =	vand.u32 $0xFFFFFFF0, v32  }
0x190: {  	v3 =	vor.u32 v3, v4  }
0x191: {  	v4 =	vperm.xlane v3, v0;
	_ =	sdelay $0x1  }
0x192: {  	v3 =	vperm.xlane v3, v2;
	v4 =	vadd.s32 v1, v4;
	_ =	sdelay $0x1  }
0x193: {  	v3 =	vadd.s32 v1, v3;
	_ =	sdelay $0x2  }
0x194: {  	[tilespmem:s15], [sflag:$0x1] =	stream.indirect_vreg.gather [hbm4b:s3+s2], $0x80, v4, vm0, $0xb8;
	[tilespmem:$0x8080] =	vst v63  }
0x195: {  	_ = 	snop  }
0x196: {  	[tilespmem:s16], [sflag:$0x1] =	stream.indirect_vreg.gather [hbm4b:s3+s2], $0x80, v3, vm0, $0xb8;
	[tilespmem:$0x8080] =	vst v63  }
0x197: {  	v3 =	vld [tilespmem:$0x10];
	_ =	sdelay $0x4  }
0x198: {  	v33 =	vshll.u32 v3, $0x1  }
0x199: {  	v3 =	vand.u32 $0x7, v3;
	v4 =	vand.u32 $0xFFFFFFF0, v33  }
0x19a: {  	v3 =	vor.u32 v3, v4  }
0x19b: {  	v4 =	vperm.xlane v3, v0;
	_ =	sdelay $0x1  }
0x19c: {  	v3 =	vperm.xlane v3, v2;
	v4 =	vadd.s32 v1, v4;
	_ =	sdelay $0x1  }
0x19d: {  	v3 =	vadd.s32 v1, v3;
	_ =	sdelay $0x2  }
0x19e: {  	[tilespmem:s17], [sflag:$0x1] =	stream.indirect_vreg.gather [hbm4b:s3+s2], $0x80, v4, vm0, $0xb8;
	[tilespmem:$0x8080] =	vst v63  }
0x19f: {  	_ = 	snop  }
0x1a0: {  	[tilespmem:s18], [sflag:$0x1] =	stream.indirect_vreg.gather [hbm4b:s3+s2], $0x80, v3, vm0, $0xb8;
	[tilespmem:$0x8080] =	vst v63  }
0x1a1: {  	v3 =	vld [tilespmem:$0x20];
	_ =	sdelay $0x4  }
0x1a2: {  	v34 =	vshll.u32 v3, $0x1  }
0x1a3: {  	v3 =	vand.u32 $0x7, v3;
	v4 =	vand.u32 $0xFFFFFFF0, v34  }
0x1a4: {  	v3 =	vor.u32 v3, v4  }
0x1a5: {  	v4 =	vperm.xlane v3, v0;
	_ =	sdelay $0x1  }
0x1a6: {  	v3 =	vperm.xlane v3, v2;
	v4 =	vadd.s32 v1, v4;
	_ =	sdelay $0x1  }
0x1a7: {  	v3 =	vadd.s32 v1, v3;
	_ =	sdelay $0x2  }
0x1a8: {  	[tilespmem:s19], [sflag:$0x1] =	stream.indirect_vreg.gather [hbm4b:s3+s2], $0x80, v4, vm0, $0xb8;
	[tilespmem:$0x8080] =	vst v63  }
0x1a9: {  	_ = 	snop  }
0x1aa: {  	[tilespmem:s20], [sflag:$0x1] =	stream.indirect_vreg.gather [hbm4b:s3+s2], $0x80, v3, vm0, $0xb8;
	[tilespmem:$0x8080] =	vst v63  }
0x1ab: {  	v3 =	vld [tilespmem:$0x30];
	_ =	sdelay $0x4  }
0x1ac: {  	v35 =	vshll.u32 v3, $0x1  }
0x1ad: {  	v3 =	vand.u32 $0x7, v3;
	v4 =	vand.u32 $0xFFFFFFF0, v35  }
0x1ae: {  	v3 =	vor.u32 v3, v4  }
0x1af: {  	v4 =	vperm.xlane v3, v0;
	_ =	sdelay $0x1  }
0x1b0: {  	v3 =	vperm.xlane v3, v2;
	v4 =	vadd.s32 v1, v4;
	_ =	sdelay $0x1  }
0x1b1: {  	v3 =	vadd.s32 v1, v3;
	_ =	sdelay $0x2  }
0x1b2: {  	[tilespmem:s21], [sflag:$0x1] =	stream.indirect_vreg.gather [hbm4b:s3+s2], $0x80, v4, vm0, $0xb8;
	[tilespmem:$0x8080] =	vst v63  }
0x1b3: {  	_ = 	snop  }
0x1b4: {  	[tilespmem:s22], [sflag:$0x1] =	stream.indirect_vreg.gather [hbm4b:s3+s2], $0x80, v3, vm0, $0xb8;
	[tilespmem:$0x8080] =	vst v63  }
0x1b5: {  	v3 =	vld [tilespmem:$0x40];
	_ =	sdelay $0x4  }
0x1b6: {  	v36 =	vshll.u32 v3, $0x1  }
0x1b7: {  	v3 =	vand.u32 $0x7, v3;
	v4 =	vand.u32 $0xFFFFFFF0, v36  }
0x1b8: {  	v3 =	vor.u32 v3, v4  }
0x1b9: {  	v4 =	vperm.xlane v3, v0;
	_ =	sdelay $0x1  }
0x1ba: {  	v3 =	vperm.xlane v3, v2;
	v4 =	vadd.s32 v1, v4;
	_ =	sdelay $0x1  }
0x1bb: {  	v3 =	vadd.s32 v1, v3;
	_ =	sdelay $0x2  }
0x1bc: {  	[tilespmem:s23], [sflag:$0x1] =	stream.indirect_vreg.gather [hbm4b:s3+s2], $0x80, v4, vm0, $0xb8;
	[tilespmem:$0x8080] =	vst v63  }
0x1bd: {  	_ = 	snop  }
0x1be: {  	[tilespmem:s24], [sflag:$0x1] =	stream.indirect_vreg.gather [hbm4b:s3+s2], $0x80, v3, vm0, $0xb8;
	[tilespmem:$0x8080] =	vst v63  }
0x1bf: {  	v3 =	vld [tilespmem:$0x50];
	_ =	sdelay $0x4  }
0x1c0: {  	v37 =	vshll.u32 v3, $0x1  }
0x1c1: {  	v3 =	vand.u32 $0x7, v3;
	v4 =	vand.u32 $0xFFFFFFF0, v37  }
0x1c2: {  	v3 =	vor.u32 v3, v4  }
0x1c3: {  	v4 =	vperm.xlane v3, v0;
	_ =	sdelay $0x1  }
0x1c4: {  	v3 =	vperm.xlane v3, v2;
	v4 =	vadd.s32 v1, v4;
	_ =	sdelay $0x1  }
0x1c5: {  	v3 =	vadd.s32 v1, v3;
	_ =	sdelay $0x2  }
0x1c6: {  	[tilespmem:s25], [sflag:$0x1] =	stream.indirect_vreg.gather [hbm4b:s3+s2], $0x80, v4, vm0, $0xb8;
	[tilespmem:$0x8080] =	vst v63  }
0x1c7: {  	_ = 	snop  }
0x1c8: {  	[tilespmem:s26], [sflag:$0x1] =	stream.indirect_vreg.gather [hbm4b:s3+s2], $0x80, v3, vm0, $0xb8;
	[tilespmem:$0x8080] =	vst v63  }
0x1c9: {  	v3 =	vld [tilespmem:$0x60];
	_ =	sdelay $0x4  }
0x1ca: {  	v38 =	vshll.u32 v3, $0x1  }
0x1cb: {  	v3 =	vand.u32 $0x7, v3;
	v4 =	vand.u32 $0xFFFFFFF0, v38  }
0x1cc: {  	v3 =	vor.u32 v3, v4  }
0x1cd: {  	v4 =	vperm.xlane v3, v0;
	_ =	sdelay $0x1  }
0x1ce: {  	v3 =	vperm.xlane v3, v2;
	v4 =	vadd.s32 v1, v4;
	_ =	sdelay $0x1  }
0x1cf: {  	v3 =	vadd.s32 v1, v3;
	_ =	sdelay $0x2  }
0x1d0: {  	[tilespmem:s28], [sflag:$0x1] =	stream.indirect_vreg.gather [hbm4b:s3+s2], $0x80, v4, vm0, $0xb8;
	[tilespmem:$0x8080] =	vst v63  }
0x1d1: {  	_ = 	snop  }
0x1d2: {  	[tilespmem:s29], [sflag:$0x1] =	stream.indirect_vreg.gather [hbm4b:s3+s2], $0x80, v3, vm0, $0xb8;
	[tilespmem:$0x8080] =	vst v63  }
0x1d3: {  	v3 =	vld [tilespmem:$0x70];
	_ =	sdelay $0x4  }
0x1d4: {  	v39 =	vshll.u32 v3, $0x1  }
0x1d5: {  	v3 =	vand.u32 $0x7, v3;
	v4 =	vand.u32 $0xFFFFFFF0, v39  }
0x1d6: {  	v3 =	vor.u32 v3, v4  }
0x1d7: {  	v4 =	vperm.xlane v3, v0;
	_ =	sdelay $0x1  }
0x1d8: {  	v3 =	vperm.xlane v3, v2;
	v4 =	vadd.s32 v1, v4;
	_ =	sdelay $0x1  }
0x1d9: {  	v3 =	vadd.s32 v1, v3;
	_ =	sdelay $0x2  }
0x1da: {  	[tilespmem:s30], [sflag:$0x1] =	stream.indirect_vreg.gather [hbm4b:s3+s2], $0x80, v4, vm0, $0xb8;
	[tilespmem:$0x8080] =	vst v63  }
0x1db: {  	_ = 	snop  }
0x1dc: {  	[tilespmem:s31], [sflag:$0x1] =	stream.indirect_vreg.gather [hbm4b:s3+s2], $0x80, v3, vm0, $0xb8;
	[tilespmem:$0x8080] =	vst v63  }
0x1dd: {  	_ =	swait.ge [sflag:s0], $0x8000  }
0x1de: {  	[sflag:s0] =	ssyncset.done $0x0  }
0x1df: {  	[sflag:s0] =	ssyncadd.s32 $0xFFFF8000  }
0x1e0: {  	[hbm4b:s6+s2] =	stream.linear.scatter [tilespmem:s15], [sflag:$0x2], $0x8000, $0x38;
	[tilespmem:$0x8080] =	vst v63  }
0x1e1: {  	_ =	swait.ge [sflag:s14], $0x8000  }
0x1e2: {  	[sflag:s14] =	ssyncset.done $0x0  }
0x1e3: {  	[sflag:s14] =	ssyncadd.s32 $0xFFFF8000  }
0x1e4: {  	[tilespmem:s2], [sflag:$0x2] =	stream.linear.gather [hbm4b:s7+s2], $0x80, $0x38;
	[tilespmem:$0x8080] =	vst v63  }
0x1e5: {  	_ =	swait.ge [sflag:s14], $0x80  }
0x1e6: {  	[sflag:s14] =	ssyncset.done $0x0  }
0x1e7: {  	[sflag:s14] =	ssyncadd.s32 $0xFFFFFF80  }
0x1e8: {  	v3 =	vld [tilespmem:$0x0];
	_ =	sdelay $0x4  }
0x1e9: {  	v40 =	vshll.u32 v3, $0x1  }
0x1ea: {  	v3 =	vand.u32 $0x7, v3;
	v4 =	vand.u32 $0xFFFFFFF0, v40  }
0x1eb: {  	v3 =	vor.u32 v3, v4  }
0x1ec: {  	v4 =	vperm.xlane v3, v0;
	_ =	sdelay $0x1  }
0x1ed: {  	v3 =	vperm.xlane v3, v2;
	v4 =	vadd.s32 v1, v4;
	_ =	sdelay $0x1  }
0x1ee: {  	v3 =	vadd.s32 v1, v3;
	_ =	sdelay $0x2  }
0x1ef: {  	[tilespmem:s15], [sflag:$0x1] =	stream.indirect_vreg.gather [hbm4b:s3+s2], $0x80, v4, vm0, $0xb8;
	[tilespmem:$0x8080] =	vst v63  }
0x1f0: {  	_ = 	snop  }
0x1f1: {  	[tilespmem:s16], [sflag:$0x1] =	stream.indirect_vreg.gather [hbm4b:s3+s2], $0x80, v3, vm0, $0xb8;
	[tilespmem:$0x8080] =	vst v63  }
0x1f2: {  	v3 =	vld [tilespmem:$0x10];
	_ =	sdelay $0x4  }
0x1f3: {  	v41 =	vshll.u32 v3, $0x1  }
0x1f4: {  	v3 =	vand.u32 $0x7, v3;
	v4 =	vand.u32 $0xFFFFFFF0, v41  }
0x1f5: {  	v3 =	vor.u32 v3, v4  }
0x1f6: {  	v4 =	vperm.xlane v3, v0;
	_ =	sdelay $0x1  }
0x1f7: {  	v3 =	vperm.xlane v3, v2;
	v4 =	vadd.s32 v1, v4;
	_ =	sdelay $0x1  }
0x1f8: {  	v3 =	vadd.s32 v1, v3;
	_ =	sdelay $0x2  }
0x1f9: {  	[tilespmem:s17], [sflag:$0x1] =	stream.indirect_vreg.gather [hbm4b:s3+s2], $0x80, v4, vm0, $0xb8;
	[tilespmem:$0x8080] =	vst v63  }
0x1fa: {  	_ = 	snop  }
0x1fb: {  	[tilespmem:s18], [sflag:$0x1] =	stream.indirect_vreg.gather [hbm4b:s3+s2], $0x80, v3, vm0, $0xb8;
	[tilespmem:$0x8080] =	vst v63  }
0x1fc: {  	v3 =	vld [tilespmem:$0x20];
	_ =	sdelay $0x4  }
0x1fd: {  	v42 =	vshll.u32 v3, $0x1  }
0x1fe: {  	v3 =	vand.u32 $0x7, v3;
	v4 =	vand.u32 $0xFFFFFFF0, v42  }
0x1ff: {  	v3 =	vor.u32 v3, v4  }
0x200: {  	v4 =	vperm.xlane v3, v0;
	_ =	sdelay $0x1  }
0x201: {  	v3 =	vperm.xlane v3, v2;
	v4 =	vadd.s32 v1, v4;
	_ =	sdelay $0x1  }
0x202: {  	v3 =	vadd.s32 v1, v3;
	_ =	sdelay $0x2  }
0x203: {  	[tilespmem:s19], [sflag:$0x1] =	stream.indirect_vreg.gather [hbm4b:s3+s2], $0x80, v4, vm0, $0xb8;
	[tilespmem:$0x8080] =	vst v63  }
0x204: {  	_ = 	snop  }
0x205: {  	[tilespmem:s20], [sflag:$0x1] =	stream.indirect_vreg.gather [hbm4b:s3+s2], $0x80, v3, vm0, $0xb8;
	[tilespmem:$0x8080] =	vst v63  }
0x206: {  	v3 =	vld [tilespmem:$0x30];
	_ =	sdelay $0x4  }
0x207: {  	v43 =	vshll.u32 v3, $0x1  }
0x208: {  	v3 =	vand.u32 $0x7, v3;
	v4 =	vand.u32 $0xFFFFFFF0, v43  }
0x209: {  	v3 =	vor.u32 v3, v4  }
0x20a: {  	v4 =	vperm.xlane v3, v0;
	_ =	sdelay $0x1  }
0x20b: {  	v3 =	vperm.xlane v3, v2;
	v4 =	vadd.s32 v1, v4;
	_ =	sdelay $0x1  }
0x20c: {  	v3 =	vadd.s32 v1, v3;
	_ =	sdelay $0x2  }
0x20d: {  	[tilespmem:s21], [sflag:$0x1] =	stream.indirect_vreg.gather [hbm4b:s3+s2], $0x80, v4, vm0, $0xb8;
	[tilespmem:$0x8080] =	vst v63  }
0x20e: {  	_ = 	snop  }
0x20f: {  	[tilespmem:s22], [sflag:$0x1] =	stream.indirect_vreg.gather [hbm4b:s3+s2], $0x80, v3, vm0, $0xb8;
	[tilespmem:$0x8080] =	vst v63  }
0x210: {  	v3 =	vld [tilespmem:$0x40];
	_ =	sdelay $0x4  }
0x211: {  	v44 =	vshll.u32 v3, $0x1  }
0x212: {  	v3 =	vand.u32 $0x7, v3;
	v4 =	vand.u32 $0xFFFFFFF0, v44  }
0x213: {  	v3 =	vor.u32 v3, v4  }
0x214: {  	v4 =	vperm.xlane v3, v0;
	_ =	sdelay $0x1  }
0x215: {  	v3 =	vperm.xlane v3, v2;
	v4 =	vadd.s32 v1, v4;
	_ =	sdelay $0x1  }
0x216: {  	v3 =	vadd.s32 v1, v3;
	_ =	sdelay $0x2  }
0x217: {  	[tilespmem:s23], [sflag:$0x1] =	stream.indirect_vreg.gather [hbm4b:s3+s2], $0x80, v4, vm0, $0xb8;
	[tilespmem:$0x8080] =	vst v63  }
0x218: {  	_ = 	snop  }
0x219: {  	[tilespmem:s24], [sflag:$0x1] =	stream.indirect_vreg.gather [hbm4b:s3+s2], $0x80, v3, vm0, $0xb8;
	[tilespmem:$0x8080] =	vst v63  }
0x21a: {  	v3 =	vld [tilespmem:$0x50];
	_ =	sdelay $0x4  }
0x21b: {  	v45 =	vshll.u32 v3, $0x1  }
0x21c: {  	v3 =	vand.u32 $0x7, v3;
	v4 =	vand.u32 $0xFFFFFFF0, v45  }
0x21d: {  	v3 =	vor.u32 v3, v4  }
0x21e: {  	v4 =	vperm.xlane v3, v0;
	_ =	sdelay $0x1  }
0x21f: {  	v3 =	vperm.xlane v3, v2;
	v4 =	vadd.s32 v1, v4;
	_ =	sdelay $0x1  }
0x220: {  	v3 =	vadd.s32 v1, v3;
	_ =	sdelay $0x2  }
0x221: {  	[tilespmem:s25], [sflag:$0x1] =	stream.indirect_vreg.gather [hbm4b:s3+s2], $0x80, v4, vm0, $0xb8;
	[tilespmem:$0x8080] =	vst v63  }
0x222: {  	_ = 	snop  }
0x223: {  	[tilespmem:s26], [sflag:$0x1] =	stream.indirect_vreg.gather [hbm4b:s3+s2], $0x80, v3, vm0, $0xb8;
	[tilespmem:$0x8080] =	vst v63  }
0x224: {  	v3 =	vld [tilespmem:$0x60];
	_ =	sdelay $0x4  }
0x225: {  	v46 =	vshll.u32 v3, $0x1  }
0x226: {  	v3 =	vand.u32 $0x7, v3;
	v4 =	vand.u32 $0xFFFFFFF0, v46  }
0x227: {  	v3 =	vor.u32 v3, v4  }
0x228: {  	v4 =	vperm.xlane v3, v0;
	_ =	sdelay $0x1  }
0x229: {  	v3 =	vperm.xlane v3, v2;
	v4 =	vadd.s32 v1, v4;
	_ =	sdelay $0x1  }
0x22a: {  	v3 =	vadd.s32 v1, v3;
	_ =	sdelay $0x2  }
0x22b: {  	[tilespmem:s28], [sflag:$0x1] =	stream.indirect_vreg.gather [hbm4b:s3+s2], $0x80, v4, vm0, $0xb8;
	[tilespmem:$0x8080] =	vst v63  }
0x22c: {  	_ = 	snop  }
0x22d: {  	[tilespmem:s29], [sflag:$0x1] =	stream.indirect_vreg.gather [hbm4b:s3+s2], $0x80, v3, vm0, $0xb8;
	[tilespmem:$0x8080] =	vst v63  }
0x22e: {  	v3 =	vld [tilespmem:$0x70];
	_ =	sdelay $0x4  }
0x22f: {  	v47 =	vshll.u32 v3, $0x1  }
0x230: {  	v3 =	vand.u32 $0x7, v3;
	v4 =	vand.u32 $0xFFFFFFF0, v47  }
0x231: {  	v3 =	vor.u32 v3, v4  }
0x232: {  	v4 =	vperm.xlane v3, v0;
	_ =	sdelay $0x1  }
0x233: {  	v3 =	vperm.xlane v3, v2;
	v4 =	vadd.s32 v1, v4;
	_ =	sdelay $0x1  }
0x234: {  	v3 =	vadd.s32 v1, v3;
	_ =	sdelay $0x2  }
0x235: {  	[tilespmem:s30], [sflag:$0x1] =	stream.indirect_vreg.gather [hbm4b:s3+s2], $0x80, v4, vm0, $0xb8;
	[tilespmem:$0x8080] =	vst v63  }
0x236: {  	_ = 	snop  }
0x237: {  	[tilespmem:s31], [sflag:$0x1] =	stream.indirect_vreg.gather [hbm4b:s3+s2], $0x80, v3, vm0, $0xb8;
	[tilespmem:$0x8080] =	vst v63  }
0x238: {  	_ =	swait.ge [sflag:s0], $0x8000  }
0x239: {  	[sflag:s0] =	ssyncset.done $0x0  }
0x23a: {  	[sflag:s0] =	ssyncadd.s32 $0xFFFF8000  }
0x23b: {  	[hbm4b:s8+s2] =	stream.linear.scatter [tilespmem:s15], [sflag:$0x2], $0x8000, $0x38;
	[tilespmem:$0x8080] =	vst v63  }
0x23c: {  	_ =	swait.ge [sflag:s14], $0x8000  }
0x23d: {  	[sflag:s14] =	ssyncset.done $0x0  }
0x23e: {  	[sflag:s14] =	ssyncadd.s32 $0xFFFF8000  }
0x23f: {  	[tilespmem:s2], [sflag:$0x2] =	stream.linear.gather [hbm4b:s9+s2], $0x80, $0x38;
	[tilespmem:$0x8080] =	vst v63  }
0x240: {  	_ =	swait.ge [sflag:s14], $0x80  }
0x241: {  	[sflag:s14] =	ssyncset.done $0x0  }
0x242: {  	[sflag:s14] =	ssyncadd.s32 $0xFFFFFF80  }
0x243: {  	v3 =	vld [tilespmem:$0x0];
	_ =	sdelay $0x4  }
0x244: {  	v48 =	vshll.u32 v3, $0x1  }
0x245: {  	v3 =	vand.u32 $0x7, v3;
	v4 =	vand.u32 $0xFFFFFFF0, v48  }
0x246: {  	v3 =	vor.u32 v3, v4  }
0x247: {  	v4 =	vperm.xlane v3, v0;
	_ =	sdelay $0x1  }
0x248: {  	v3 =	vperm.xlane v3, v2;
	v4 =	vadd.s32 v1, v4;
	_ =	sdelay $0x1  }
0x249: {  	v3 =	vadd.s32 v1, v3;
	_ =	sdelay $0x2  }
0x24a: {  	[tilespmem:s15], [sflag:$0x1] =	stream.indirect_vreg.gather [hbm4b:s3+s2], $0x80, v4, vm0, $0xb8;
	[tilespmem:$0x8080] =	vst v63  }
0x24b: {  	_ = 	snop  }
0x24c: {  	[tilespmem:s16], [sflag:$0x1] =	stream.indirect_vreg.gather [hbm4b:s3+s2], $0x80, v3, vm0, $0xb8;
	[tilespmem:$0x8080] =	vst v63  }
0x24d: {  	v3 =	vld [tilespmem:$0x10];
	_ =	sdelay $0x4  }
0x24e: {  	v49 =	vshll.u32 v3, $0x1  }
0x24f: {  	v3 =	vand.u32 $0x7, v3;
	v4 =	vand.u32 $0xFFFFFFF0, v49  }
0x250: {  	v3 =	vor.u32 v3, v4  }
0x251: {  	v4 =	vperm.xlane v3, v0;
	_ =	sdelay $0x1  }
0x252: {  	v3 =	vperm.xlane v3, v2;
	v4 =	vadd.s32 v1, v4;
	_ =	sdelay $0x1  }
0x253: {  	v3 =	vadd.s32 v1, v3;
	_ =	sdelay $0x2  }
0x254: {  	[tilespmem:s17], [sflag:$0x1] =	stream.indirect_vreg.gather [hbm4b:s3+s2], $0x80, v4, vm0, $0xb8;
	[tilespmem:$0x8080] =	vst v63  }
0x255: {  	_ = 	snop  }
0x256: {  	[tilespmem:s18], [sflag:$0x1] =	stream.indirect_vreg.gather [hbm4b:s3+s2], $0x80, v3, vm0, $0xb8;
	[tilespmem:$0x8080] =	vst v63  }
0x257: {  	v3 =	vld [tilespmem:$0x20];
	_ =	sdelay $0x4  }
0x258: {  	v50 =	vshll.u32 v3, $0x1  }
0x259: {  	v3 =	vand.u32 $0x7, v3;
	v4 =	vand.u32 $0xFFFFFFF0, v50  }
0x25a: {  	v3 =	vor.u32 v3, v4  }
0x25b: {  	v4 =	vperm.xlane v3, v0;
	_ =	sdelay $0x1  }
0x25c: {  	v3 =	vperm.xlane v3, v2;
	v4 =	vadd.s32 v1, v4;
	_ =	sdelay $0x1  }
0x25d: {  	v3 =	vadd.s32 v1, v3;
	_ =	sdelay $0x2  }
0x25e: {  	[tilespmem:s19], [sflag:$0x1] =	stream.indirect_vreg.gather [hbm4b:s3+s2], $0x80, v4, vm0, $0xb8;
	[tilespmem:$0x8080] =	vst v63  }
0x25f: {  	_ = 	snop  }
0x260: {  	[tilespmem:s20], [sflag:$0x1] =	stream.indirect_vreg.gather [hbm4b:s3+s2], $0x80, v3, vm0, $0xb8;
	[tilespmem:$0x8080] =	vst v63  }
0x261: {  	v3 =	vld [tilespmem:$0x30];
	_ =	sdelay $0x4  }
0x262: {  	v51 =	vshll.u32 v3, $0x1  }
0x263: {  	v3 =	vand.u32 $0x7, v3;
	v4 =	vand.u32 $0xFFFFFFF0, v51  }
0x264: {  	v3 =	vor.u32 v3, v4  }
0x265: {  	v4 =	vperm.xlane v3, v0;
	_ =	sdelay $0x1  }
0x266: {  	v3 =	vperm.xlane v3, v2;
	v4 =	vadd.s32 v1, v4;
	_ =	sdelay $0x1  }
0x267: {  	v3 =	vadd.s32 v1, v3;
	_ =	sdelay $0x2  }
0x268: {  	[tilespmem:s21], [sflag:$0x1] =	stream.indirect_vreg.gather [hbm4b:s3+s2], $0x80, v4, vm0, $0xb8;
	[tilespmem:$0x8080] =	vst v63  }
0x269: {  	_ = 	snop  }
0x26a: {  	[tilespmem:s22], [sflag:$0x1] =	stream.indirect_vreg.gather [hbm4b:s3+s2], $0x80, v3, vm0, $0xb8;
	[tilespmem:$0x8080] =	vst v63  }
0x26b: {  	v3 =	vld [tilespmem:$0x40];
	_ =	sdelay $0x4  }
0x26c: {  	v52 =	vshll.u32 v3, $0x1  }
0x26d: {  	v3 =	vand.u32 $0x7, v3;
	v4 =	vand.u32 $0xFFFFFFF0, v52  }
0x26e: {  	v3 =	vor.u32 v3, v4  }
0x26f: {  	v4 =	vperm.xlane v3, v0;
	_ =	sdelay $0x1  }
0x270: {  	v3 =	vperm.xlane v3, v2;
	v4 =	vadd.s32 v1, v4;
	_ =	sdelay $0x1  }
0x271: {  	v3 =	vadd.s32 v1, v3;
	_ =	sdelay $0x2  }
0x272: {  	[tilespmem:s23], [sflag:$0x1] =	stream.indirect_vreg.gather [hbm4b:s3+s2], $0x80, v4, vm0, $0xb8;
	[tilespmem:$0x8080] =	vst v63  }
0x273: {  	_ = 	snop  }
0x274: {  	[tilespmem:s24], [sflag:$0x1] =	stream.indirect_vreg.gather [hbm4b:s3+s2], $0x80, v3, vm0, $0xb8;
	[tilespmem:$0x8080] =	vst v63  }
0x275: {  	v3 =	vld [tilespmem:$0x50];
	_ =	sdelay $0x4  }
0x276: {  	v53 =	vshll.u32 v3, $0x1  }
0x277: {  	v3 =	vand.u32 $0x7, v3;
	v4 =	vand.u32 $0xFFFFFFF0, v53  }
0x278: {  	v3 =	vor.u32 v3, v4  }
0x279: {  	v4 =	vperm.xlane v3, v0;
	_ =	sdelay $0x1  }
0x27a: {  	v3 =	vperm.xlane v3, v2;
	v4 =	vadd.s32 v1, v4;
	_ =	sdelay $0x1  }
0x27b: {  	v3 =	vadd.s32 v1, v3;
	_ =	sdelay $0x2  }
0x27c: {  	[tilespmem:s25], [sflag:$0x1] =	stream.indirect_vreg.gather [hbm4b:s3+s2], $0x80, v4, vm0, $0xb8;
	[tilespmem:$0x8080] =	vst v63  }
0x27d: {  	_ = 	snop  }
0x27e: {  	[tilespmem:s26], [sflag:$0x1] =	stream.indirect_vreg.gather [hbm4b:s3+s2], $0x80, v3, vm0, $0xb8;
	[tilespmem:$0x8080] =	vst v63  }
0x27f: {  	v3 =	vld [tilespmem:$0x60];
	_ =	sdelay $0x4  }
0x280: {  	v54 =	vshll.u32 v3, $0x1  }
0x281: {  	v3 =	vand.u32 $0x7, v3;
	v4 =	vand.u32 $0xFFFFFFF0, v54  }
0x282: {  	v3 =	vor.u32 v3, v4  }
0x283: {  	v4 =	vperm.xlane v3, v0;
	_ =	sdelay $0x1  }
0x284: {  	v3 =	vperm.xlane v3, v2;
	v4 =	vadd.s32 v1, v4;
	_ =	sdelay $0x1  }
0x285: {  	v3 =	vadd.s32 v1, v3;
	_ =	sdelay $0x2  }
0x286: {  	[tilespmem:s28], [sflag:$0x1] =	stream.indirect_vreg.gather [hbm4b:s3+s2], $0x80, v4, vm0, $0xb8;
	[tilespmem:$0x8080] =	vst v63  }
0x287: {  	_ = 	snop  }
0x288: {  	[tilespmem:s29], [sflag:$0x1] =	stream.indirect_vreg.gather [hbm4b:s3+s2], $0x80, v3, vm0, $0xb8;
	[tilespmem:$0x8080] =	vst v63  }
0x289: {  	v3 =	vld [tilespmem:$0x70];
	_ =	sdelay $0x4  }
0x28a: {  	v55 =	vshll.u32 v3, $0x1  }
0x28b: {  	v3 =	vand.u32 $0x7, v3;
	v4 =	vand.u32 $0xFFFFFFF0, v55  }
0x28c: {  	v3 =	vor.u32 v3, v4  }
0x28d: {  	v4 =	vperm.xlane v3, v0;
	_ =	sdelay $0x1  }
0x28e: {  	v3 =	vperm.xlane v3, v2;
	v4 =	vadd.s32 v1, v4;
	_ =	sdelay $0x1  }
0x28f: {  	v3 =	vadd.s32 v1, v3;
	_ =	sdelay $0x2  }
0x290: {  	[tilespmem:s30], [sflag:$0x1] =	stream.indirect_vreg.gather [hbm4b:s3+s2], $0x80, v4, vm0, $0xb8;
	[tilespmem:$0x8080] =	vst v63  }
0x291: {  	_ = 	snop  }
0x292: {  	[tilespmem:s31], [sflag:$0x1] =	stream.indirect_vreg.gather [hbm4b:s3+s2], $0x80, v3, vm0, $0xb8;
	[tilespmem:$0x8080] =	vst v63  }
0x293: {  	_ =	swait.ge [sflag:s0], $0x8000  }
0x294: {  	[sflag:s0] =	ssyncset.done $0x0  }
0x295: {  	[sflag:s0] =	ssyncadd.s32 $0xFFFF8000  }
0x296: {  	[hbm4b:s10+s2] =	stream.linear.scatter [tilespmem:s15], [sflag:$0x2], $0x8000, $0x38;
	[tilespmem:$0x8080] =	vst v63  }
0x297: {  	_ =	swait.ge [sflag:s14], $0x8000  }
0x298: {  	[sflag:s14] =	ssyncset.done $0x0  }
0x299: {  	[sflag:s14] =	ssyncadd.s32 $0xFFFF8000  }
0x29a: {  	[tilespmem:s2], [sflag:$0x2] =	stream.linear.gather [hbm4b:s11+s2], $0x80, $0x38;
	[tilespmem:$0x8080] =	vst v63  }
0x29b: {  	_ =	swait.ge [sflag:s14], $0x80  }
0x29c: {  	[sflag:s14] =	ssyncset.done $0x0  }
0x29d: {  	[sflag:s14] =	ssyncadd.s32 $0xFFFFFF80  }
0x29e: {  	v3 =	vld [tilespmem:$0x0];
	_ =	sdelay $0x4  }
0x29f: {  	v56 =	vshll.u32 v3, $0x1  }
0x2a0: {  	v3 =	vand.u32 $0x7, v3;
	v4 =	vand.u32 $0xFFFFFFF0, v56  }
0x2a1: {  	v3 =	vor.u32 v3, v4  }
0x2a2: {  	v4 =	vperm.xlane v3, v0;
	_ =	sdelay $0x1  }
0x2a3: {  	v3 =	vperm.xlane v3, v2;
	v4 =	vadd.s32 v1, v4;
	_ =	sdelay $0x1  }
0x2a4: {  	v3 =	vadd.s32 v1, v3;
	_ =	sdelay $0x2  }
0x2a5: {  	[tilespmem:s15], [sflag:$0x1] =	stream.indirect_vreg.gather [hbm4b:s3+s2], $0x80, v4, vm0, $0xb8;
	[tilespmem:$0x8080] =	vst v63  }
0x2a6: {  	_ = 	snop  }
0x2a7: {  	[tilespmem:s16], [sflag:$0x1] =	stream.indirect_vreg.gather [hbm4b:s3+s2], $0x80, v3, vm0, $0xb8;
	[tilespmem:$0x8080] =	vst v63  }
0x2a8: {  	v3 =	vld [tilespmem:$0x10];
	_ =	sdelay $0x4  }
0x2a9: {  	v57 =	vshll.u32 v3, $0x1  }
0x2aa: {  	v3 =	vand.u32 $0x7, v3;
	v4 =	vand.u32 $0xFFFFFFF0, v57  }
0x2ab: {  	v3 =	vor.u32 v3, v4  }
0x2ac: {  	v4 =	vperm.xlane v3, v0;
	_ =	sdelay $0x1  }
0x2ad: {  	v3 =	vperm.xlane v3, v2;
	v4 =	vadd.s32 v1, v4;
	_ =	sdelay $0x1  }
0x2ae: {  	v3 =	vadd.s32 v1, v3;
	_ =	sdelay $0x2  }
0x2af: {  	[tilespmem:s17], [sflag:$0x1] =	stream.indirect_vreg.gather [hbm4b:s3+s2], $0x80, v4, vm0, $0xb8;
	[tilespmem:$0x8080] =	vst v63  }
0x2b0: {  	_ = 	snop  }
0x2b1: {  	[tilespmem:s18], [sflag:$0x1] =	stream.indirect_vreg.gather [hbm4b:s3+s2], $0x80, v3, vm0, $0xb8;
	[tilespmem:$0x8080] =	vst v63  }
0x2b2: {  	v3 =	vld [tilespmem:$0x20];
	_ =	sdelay $0x4  }
0x2b3: {  	v58 =	vshll.u32 v3, $0x1  }
0x2b4: {  	v3 =	vand.u32 $0x7, v3;
	v4 =	vand.u32 $0xFFFFFFF0, v58  }
0x2b5: {  	v3 =	vor.u32 v3, v4  }
0x2b6: {  	v4 =	vperm.xlane v3, v0;
	_ =	sdelay $0x1  }
0x2b7: {  	v3 =	vperm.xlane v3, v2;
	v4 =	vadd.s32 v1, v4;
	_ =	sdelay $0x1  }
0x2b8: {  	v3 =	vadd.s32 v1, v3;
	_ =	sdelay $0x2  }
0x2b9: {  	[tilespmem:s19], [sflag:$0x1] =	stream.indirect_vreg.gather [hbm4b:s3+s2], $0x80, v4, vm0, $0xb8;
	[tilespmem:$0x8080] =	vst v63  }
0x2ba: {  	_ = 	snop  }
0x2bb: {  	[tilespmem:s20], [sflag:$0x1] =	stream.indirect_vreg.gather [hbm4b:s3+s2], $0x80, v3, vm0, $0xb8;
	[tilespmem:$0x8080] =	vst v63  }
0x2bc: {  	v3 =	vld [tilespmem:$0x30];
	_ =	sdelay $0x4  }
0x2bd: {  	v59 =	vshll.u32 v3, $0x1  }
0x2be: {  	v3 =	vand.u32 $0x7, v3;
	v4 =	vand.u32 $0xFFFFFFF0, v59  }
0x2bf: {  	v3 =	vor.u32 v3, v4  }
0x2c0: {  	v4 =	vperm.xlane v3, v0;
	_ =	sdelay $0x1  }
0x2c1: {  	v3 =	vperm.xlane v3, v2;
	v4 =	vadd.s32 v1, v4;
	_ =	sdelay $0x1  }
0x2c2: {  	v3 =	vadd.s32 v1, v3;
	_ =	sdelay $0x2  }
0x2c3: {  	[tilespmem:s21], [sflag:$0x1] =	stream.indirect_vreg.gather [hbm4b:s3+s2], $0x80, v4, vm0, $0xb8;
	[tilespmem:$0x8080] =	vst v63  }
0x2c4: {  	_ = 	snop  }
0x2c5: {  	[tilespmem:s22], [sflag:$0x1] =	stream.indirect_vreg.gather [hbm4b:s3+s2], $0x80, v3, vm0, $0xb8;
	[tilespmem:$0x8080] =	vst v63  }
0x2c6: {  	v3 =	vld [tilespmem:$0x40];
	_ =	sdelay $0x4  }
0x2c7: {  	v60 =	vshll.u32 v3, $0x1  }
0x2c8: {  	v3 =	vand.u32 $0x7, v3;
	v4 =	vand.u32 $0xFFFFFFF0, v60  }
0x2c9: {  	v3 =	vor.u32 v3, v4  }
0x2ca: {  	v4 =	vperm.xlane v3, v0;
	_ =	sdelay $0x1  }
0x2cb: {  	v3 =	vperm.xlane v3, v2;
	v4 =	vadd.s32 v1, v4;
	_ =	sdelay $0x1  }
0x2cc: {  	v3 =	vadd.s32 v1, v3;
	_ =	sdelay $0x2  }
0x2cd: {  	[tilespmem:s23], [sflag:$0x1] =	stream.indirect_vreg.gather [hbm4b:s3+s2], $0x80, v4, vm0, $0xb8;
	[tilespmem:$0x8080] =	vst v63  }
0x2ce: {  	_ = 	snop  }
0x2cf: {  	[tilespmem:s24], [sflag:$0x1] =	stream.indirect_vreg.gather [hbm4b:s3+s2], $0x80, v3, vm0, $0xb8;
	[tilespmem:$0x8080] =	vst v63  }
0x2d0: {  	v3 =	vld [tilespmem:$0x50];
	_ =	sdelay $0x4  }
0x2d1: {  	v61 =	vshll.u32 v3, $0x1  }
0x2d2: {  	v3 =	vand.u32 $0x7, v3;
	v4 =	vand.u32 $0xFFFFFFF0, v61  }
0x2d3: {  	v3 =	vor.u32 v3, v4  }
0x2d4: {  	v4 =	vperm.xlane v3, v0;
	_ =	sdelay $0x1  }
0x2d5: {  	v3 =	vperm.xlane v3, v2;
	v4 =	vadd.s32 v1, v4;
	_ =	sdelay $0x1  }
0x2d6: {  	v3 =	vadd.s32 v1, v3;
	_ =	sdelay $0x2  }
0x2d7: {  	[tilespmem:s25], [sflag:$0x1] =	stream.indirect_vreg.gather [hbm4b:s3+s2], $0x80, v4, vm0, $0xb8;
	[tilespmem:$0x8080] =	vst v63  }
0x2d8: {  	_ = 	snop  }
0x2d9: {  	[tilespmem:s26], [sflag:$0x1] =	stream.indirect_vreg.gather [hbm4b:s3+s2], $0x80, v3, vm0, $0xb8;
	[tilespmem:$0x8080] =	vst v63  }
0x2da: {  	v3 =	vld [tilespmem:$0x60];
	_ =	sdelay $0x4  }
0x2db: {  	v62 =	vshll.u32 v3, $0x1  }
0x2dc: {  	v3 =	vand.u32 $0x7, v3;
	v4 =	vand.u32 $0xFFFFFFF0, v62  }
0x2dd: {  	v3 =	vor.u32 v3, v4  }
0x2de: {  	v4 =	vperm.xlane v3, v0;
	_ =	sdelay $0x1  }
0x2df: {  	v3 =	vperm.xlane v3, v2;
	v4 =	vadd.s32 v1, v4;
	_ =	sdelay $0x1  }
0x2e0: {  	v3 =	vadd.s32 v1, v3;
	_ =	sdelay $0x2  }
0x2e1: {  	[tilespmem:s28], [sflag:$0x1] =	stream.indirect_vreg.gather [hbm4b:s3+s2], $0x80, v4, vm0, $0xb8;
	[tilespmem:$0x8080] =	vst v63  }
0x2e2: {  	_ = 	snop  }
0x2e3: {  	[tilespmem:s29], [sflag:$0x1] =	stream.indirect_vreg.gather [hbm4b:s3+s2], $0x80, v3, vm0, $0xb8;
	[tilespmem:$0x8080] =	vst v63  }
0x2e4: {  	v3 =	vld [tilespmem:$0x70];
	_ =	sdelay $0x4  }
0x2e5: {  	v63 =	vshll.u32 v3, $0x1  }
0x2e6: {  	v3 =	vand.u32 $0x7, v3;
	v4 =	vand.u32 $0xFFFFFFF0, v63  }
0x2e7: {  	v3 =	vor.u32 v3, v4  }
0x2e8: {  	v4 =	vperm.xlane v3, v0;
	_ =	sdelay $0x1  }
0x2e9: {  	v3 =	vperm.xlane v3, v2;
	v4 =	vadd.s32 v1, v4;
	_ =	sdelay $0x1  }
0x2ea: {  	v3 =	vadd.s32 v1, v3;
	_ =	sdelay $0x2  }
0x2eb: {  	[tilespmem:s30], [sflag:$0x1] =	stream.indirect_vreg.gather [hbm4b:s3+s2], $0x80, v4, vm0, $0xb8;
	[tilespmem:$0x8080] =	vst v63  }
0x2ec: {  	_ = 	snop  }
0x2ed: {  	[tilespmem:s31], [sflag:$0x1] =	stream.indirect_vreg.gather [hbm4b:s3+s2], $0x80, v3, vm0, $0xb8;
	[tilespmem:$0x8080] =	vst v63  }
0x2ee: {  	_ =	swait.ge [sflag:s0], $0x8000  }
0x2ef: {  	p0 =	sne.s32 s13, $0x1;
	[sflag:s0] =	ssyncset.done $0x0  }
.Ltmp0:
0x2f0: {  	[sflag:s0] =	ssyncadd.s32 $0xFFFF8000;
	(pc) =	sbr.rel @p0 .LBB2_1-.Ltmp0, $4  }
0x2f1: {  	[hbm4b:s12+s2] =	stream.linear.scatter [tilespmem:s15], [sflag:$0x2], $0x8000, $0x38;
	[tilespmem:$0x8080] =	vst v63  }
0x2f2: {  	_ =	swait.ge [sflag:s14], $0x8000  }
0x2f3: {  	[sflag:s14] =	ssyncset.done $0x0  }
0x2f4: {  	s13 =	sadd.s32 $0xFFFFFFFF, s13;
	[sflag:s14] =	ssyncadd.s32 $0xFFFF8000  }
0x2f5: {  	_ =	sfence.sel $0x180000  }
0x2f6: {  	[bflag:$0x0] =	sbarrier.arrive $0xFFFF  }
0x2f7: {  	_ =	strace $0x90000047  }
0x2f8: {  	s0 =	stileid.u32;
	[bflag:$0x2] =	sbarrier.arrive $0xFFFF  }
0x2f9: {  	p0 =	sne.s32 s0, $0x0;
	s0 =	rddreg [dreg:$0x1]  }
0x2fa: {  	s0 =	sadd.s32 @!p0 $0x100000, s0  }
0x2fb: {  	[sflag:s0] =	ssyncadd.tile.s32 @!p0 $0x1;
	_ =	shalt  }
.Lfunc_end2:
_tile_overlayer_lowered:
.L_overlay_start_2:
0x2fc: {  	(tag) =	ssettag $0x2  }
0x2fd: {  	s0 =	rddreg [dreg:$0x0];
	s2 =	stileid.u32  }
0x2fe: {  	s1 =	rddreg [dreg:$0x1];
	p0 =	sne.s32 s2, $0x0  }
0x2ff: {  	s3 =	rddreg [dreg:$0x2];
	[bflag:$0x3] =	sbarrier.arrive $0xFFFF;
	s2 =	simm.s32 @!p0 $0x1C02  }
0x300: {  	[timem:s3], [sflag:s2] =	dma.local @!p0 [hbm:s0], s1  }
0x301: {  	s0 =	simm.s32 @!p0 $0x2  }
0x302: {  	_ =	swait.ge @!p0 [sflag:s0], s1  }
0x303: {  	s1 =	ssub.s32 @!p0 $0x0, s1;
	[sflag:s0] =	ssyncset.done @!p0 $0x0  }
0x304: {  	[sflag:s0] =	ssyncadd.s32 @!p0 s1  }
0x305: {  	[bflag:$0x3] =	sbarrier.arrive $0xFFFF  }
0x306: {  	_ =	shalt  }

</sc_bundles>
